<compile_context>
chip_gen: v7x
topology: tpu7x:2x2x1
jax: 0.10.2.dev20260603
libtpu: 0.0.44.dev20260713+nightly
codegen_flags: <defaults>
</compile_context>

<pallas_src>
import jax
import jax.numpy as jnp
from jax import lax
from jax.experimental import pallas as pl
from jax.experimental.pallas import tpu as pltpu
from jax.experimental.pallas import tpu_sc as plsc

N = 10000
E = 320000
D = 128
NC = 2
NS = 16
NW = NC * NS
CHUNK = 64
NR = 5
NI = 2 * NR
LAG = NR - 1
TOTAL_CHUNKS = E // CHUNK
CHUNKS_PER_TILE = 160
ACC_ROWS = 10112
ROWS_PER_TILE = ACC_ROWS // NS
LAST_ROWS = N - (NS - 1) * ROWS_PER_TILE


def _mlp_body(x_ref, w1a_ref, w1b_ref, s_ref, b1_ref, w2_ref, b2_ref,
              o_ref, z_ref):
    b1eff = b1_ref[...] + jnp.dot(s_ref[...], w1b_ref[...],
                                  preferred_element_type=jnp.float32)
    h = jnp.dot(x_ref[...], w1a_ref[...], preferred_element_type=jnp.float32)
    h = jnp.maximum(h + b1eff, 0.0)
    o = jnp.dot(h, w2_ref[...], preferred_element_type=jnp.float32)
    o_ref[...] = o + b2_ref[...]
    z_ref[...] = jnp.zeros_like(z_ref)


def _node_mlp(x, scalars, W1, b1, W2, b2):
    blk = 10000
    grid = N // blk
    zblk = ROWS_PER_TILE // grid
    full = lambda shape: pl.BlockSpec(shape, lambda i: (0,) * len(shape))
    return pl.pallas_call(
        _mlp_body,
        grid=(grid,),
        in_specs=[
            pl.BlockSpec((blk, D), lambda i: (i, 0)),
            full((D, D)),
            full((4, D)),
            full((1, 4)),
            full((1, D)),
            full((D, D)),
            full((1, D)),
        ],
        out_specs=[pl.BlockSpec((blk, D), lambda i: (i, 0)),
                   pl.BlockSpec((zblk, D), lambda i: (i, 0))],
        out_shape=[jax.ShapeDtypeStruct((N, D), jnp.float32),
                   jax.ShapeDtypeStruct((ROWS_PER_TILE, D), jnp.float32)],
    )(x, W1[:D], W1[D:], scalars, b1.reshape(1, D), W2, b2.reshape(1, D))


def _gid(wid, chunk):
    return wid + NW * chunk


def _idx_copies(eidx_hbm, wid, chunk, idx_v, q, sem_s, sem_d):
    off = jnp.minimum(_gid(wid, chunk), TOTAL_CHUNKS - 1) * CHUNK
    return (
        pltpu.make_async_copy(eidx_hbm.at[0, pl.ds(off, CHUNK)],
                              idx_v.at[q, 0], sem_s),
        pltpu.make_async_copy(eidx_hbm.at[1, pl.ds(off, CHUNK)],
                              idx_v.at[q, 1], sem_d),
    )


def _mask_invalid(idx_v, q):
    neg1 = jnp.full((16,), -1, jnp.int32)
    for d in range(2):
        for j in range(CHUNK // 16):
            idx_v[q, d, pl.ds(j * 16, 16)] = neg1


def _gather_idx(idx_v, q):
    return plsc.Indices(idx_v.at[q, 0], ignored_value=-1)


def _scatter_idx(idx_v, q):
    return plsc.Indices(idx_v.at[q, 1], ignored_value=-1)


def _sc_body(msg_hbm, eidx_hbm, zeros_hbm, outp_hbm, idx_v, bufs, acc,
             semi, semi2, semr, semw):
    c = lax.axis_index("c")
    s = lax.axis_index("s")
    wid = s * NC + c

    for q in range(NR):
        for d in _idx_copies(eidx_hbm, wid, q, idx_v, q, semi[q], semi2[q]):
            d.start()

    base = s * ROWS_PER_TILE
    pltpu.sync_copy(zeros_hbm, acc.at[pl.ds(base, ROWS_PER_TILE)])
    plsc.subcore_barrier()

    @pl.loop(0, CHUNKS_PER_TILE, step=NI)
    def _edges(g):
        for i in range(NI):
            chunk = g + i
            b = i % NR

            @pl.when(chunk >= NR)
            def _():
                pltpu.make_async_copy(
                    bufs[b], acc.at[_scatter_idx(idx_v, (i + NR) % NI)],
                    semw[b]).wait()

            for d in _idx_copies(eidx_hbm, wid, chunk, idx_v, i,
                                 semi[i], semi2[i]):
                d.wait()

            @pl.when(_gid(wid, chunk) >= TOTAL_CHUNKS)
            def _():
                _mask_invalid(idx_v, i)

            pltpu.async_copy(msg_hbm.at[_gather_idx(idx_v, i)], bufs[b],
                             semr[b])

            @pl.when(chunk >= LAG)
            def _():
                bs = (i + 1) % NR
                qs = (i + NI - LAG) % NI
                pltpu.make_async_copy(msg_hbm.at[_gather_idx(idx_v, qs)],
                                      bufs[bs], semr[bs]).wait()
                pltpu.async_copy(bufs[bs], acc.at[_scatter_idx(idx_v, qs)],
                                 semw[bs], add=True)

            @pl.when(chunk + NR < CHUNKS_PER_TILE)
            def _():
                q2 = (i + NR) % NI
                for d in _idx_copies(eidx_hbm, wid, chunk + NR, idx_v, q2,
                                     semi[q2], semi2[q2]):
                    d.start()

    for t in range(LAG):
        ct = CHUNKS_PER_TILE - LAG + t
        bs = ct % NR
        qs = ct % NI
        pltpu.make_async_copy(msg_hbm.at[_gather_idx(idx_v, qs)],
                              bufs[bs], semr[bs]).wait()
        pltpu.sync_copy(bufs[bs], acc.at[_scatter_idx(idx_v, qs)], add=True)
    cl = CHUNKS_PER_TILE - LAG - 1
    pltpu.make_async_copy(bufs[cl % NR],
                          acc.at[_scatter_idx(idx_v, cl % NI)],
                          semw[cl % NR]).wait()
    plsc.subcore_barrier()

    @pl.when(base + ROWS_PER_TILE <= N)
    def _():
        pltpu.sync_copy(acc.at[pl.ds(base, ROWS_PER_TILE)],
                        outp_hbm.at[c, pl.ds(base, ROWS_PER_TILE)])

    @pl.when(base + ROWS_PER_TILE > N)
    def _():
        pltpu.sync_copy(acc.at[pl.ds(base, LAST_ROWS)],
                        outp_hbm.at[c, pl.ds(base, LAST_ROWS)])


def _sc_aggregate(node_msg, eidx, zeros):
    mesh = plsc.VectorSubcoreMesh(core_axis_name="c", subcore_axis_name="s",
                                  num_cores=NC)
    k = pl.kernel(
        _sc_body,
        mesh=mesh,
        out_type=jax.ShapeDtypeStruct((NC, N, D), jnp.float32),
        scratch_types=[
            pltpu.VMEM((NI, 2, CHUNK), jnp.int32),
            [pltpu.VMEM((CHUNK, D), jnp.float32)] * NR,
            pltpu.VMEM_SHARED((ACC_ROWS, D), jnp.float32),
            [pltpu.SemaphoreType.DMA] * NI,
            [pltpu.SemaphoreType.DMA] * NI,
            [pltpu.SemaphoreType.DMA] * NR,
            [pltpu.SemaphoreType.DMA] * NR,
        ],
    )
    return k(node_msg, eidx, zeros)


def _add_body(p_ref, o_ref):
    o_ref[...] = p_ref[0] + p_ref[1]


def _reduce_partials(partials):
    blk = 1000
    return pl.pallas_call(
        _add_body,
        grid=(N // blk,),
        in_specs=[pl.BlockSpec((NC, blk, D), lambda i: (0, i, 0))],
        out_specs=pl.BlockSpec((blk, D), lambda i: (i, 0)),
        out_shape=jax.ShapeDtypeStruct((N, D), jnp.float32),
    )(partials)


def kernel(x, scalars, edge_index, W1, b1, W2, b2):
    node_msg, zeros = _node_mlp(x, scalars, W1, b1, W2, b2)
    eidx = edge_index.astype(jnp.int32)
    return _reduce_partials(_sc_aggregate(node_msg, eidx, zeros))

# --- scband reference (transcript-rebuilt; emitter-appended) ---
"""Pipeline reference for scband-efn-15427522527435 (READ-ONLY COPY).

The authoritative reference and input builder live on the scoring server;
editing this copy changes nothing except your own understanding.
"""

import jax, jax.numpy as jnp
import numpy as np

N_NODES = 10000
N_EDGES = 320000
D_FEAT = 128
N_SCALARS = 4
D_IN = D_FEAT + N_SCALARS  # 132
D_HID = 128
D_OUT = 128


def setup_inputs(seed: int = 0) -> dict:
    key = jax.random.key(seed)
    k1, k2, k3, k4, k5, k6, k7 = jax.random.split(key, 7)
    x = jax.random.normal(k1, (N_NODES, D_FEAT), dtype=jnp.float32)
    scalars = jax.random.normal(k2, (1, N_SCALARS), dtype=jnp.float32)
    edge_index = jax.random.randint(k3, (2, N_EDGES), 0, N_NODES, dtype=jnp.int64)
    # Learned params of the edge/message MLP `nn`: Linear(132,128) -> ReLU -> Linear(128,128)
    W1 = jax.random.normal(k4, (D_IN, D_HID), dtype=jnp.float32) * (1.0 / np.sqrt(D_IN))
    b1 = jnp.zeros((D_HID,), dtype=jnp.float32)
    W2 = jax.random.normal(k5, (D_HID, D_OUT), dtype=jnp.float32) * (1.0 / np.sqrt(D_HID))
    b2 = jnp.zeros((D_OUT,), dtype=jnp.float32)
    return {"x": x, "scalars": scalars, "edge_index": edge_index,
            "W1": W1, "b1": b1, "W2": W2, "b2": b2}


def reference(x, scalars, edge_index, W1, b1, W2, b2):
    # EFN.forward: broadcast global scalars to every node, concat, then PTConv(aggr='add').
    # scalars has leading dim 1 (single graph), so expand to all nodes.
    s = jnp.broadcast_to(scalars.reshape(1, -1), (x.shape[0], scalars.size))
    h = jnp.concatenate([x, s], axis=1)  # [N, 132]
    src = edge_index[0]
    dst = edge_index[1]
    # PTConv message: apply nn to gathered source-node features per edge
    msg = jnp.take(h, src, axis=0)                      # gather [E, 132]
    msg = jax.nn.relu(msg @ W1 + b1) @ W2 + b2          # nn MLP per edge [E, 128]
    # aggr='add': scatter-add messages into destination nodes
    out = jax.ops.segment_sum(msg, dst, num_segments=x.shape[0])  # [N, 128]
    return out

if __name__ == "__main__":
    import jax
    _d = setup_inputs()
    print(jax.jit(kernel)(*tuple(_d.values())))

</pallas_src>

<mosaic_0001>
#map = affine_map<(d0, d1) -> (0, 0)>
#map1 = affine_map<(d0, d1) -> (0, 0, 0)>
module attributes {stable_mosaic.version = 14 : i64} {
  func.func @_sc_body(%arg0: i32, %arg1: i32, %arg2: memref<10000x128xf32, #tpu.memory_space<hbm>>, %arg3: memref<2x320000xi32, #tpu.memory_space<hbm>>, %arg4: memref<632x128xf32, #tpu.memory_space<hbm>>, %arg5: memref<2x10000x128xf32, #tpu.memory_space<hbm>>, %arg6: memref<10x2x64xi32, #tpu.memory_space<vmem>>, %arg7: memref<64x128xf32, #tpu.memory_space<vmem>>, %arg8: memref<64x128xf32, #tpu.memory_space<vmem>>, %arg9: memref<64x128xf32, #tpu.memory_space<vmem>>, %arg10: memref<64x128xf32, #tpu.memory_space<vmem>>, %arg11: memref<64x128xf32, #tpu.memory_space<vmem>>, %arg12: memref<10112x128xf32, #tpu.memory_space<vmem_shared>>, %arg13: memref<!tpu.dma_semaphore, #tpu.memory_space<semaphore_mem>>, %arg14: memref<!tpu.dma_semaphore, #tpu.memory_space<semaphore_mem>>, %arg15: memref<!tpu.dma_semaphore, #tpu.memory_space<semaphore_mem>>, %arg16: memref<!tpu.dma_semaphore, #tpu.memory_space<semaphore_mem>>, %arg17: memref<!tpu.dma_semaphore, #tpu.memory_space<semaphore_mem>>, %arg18: memref<!tpu.dma_semaphore, #tpu.memory_space<semaphore_mem>>, %arg19: memref<!tpu.dma_semaphore, #tpu.memory_space<semaphore_mem>>, %arg20: memref<!tpu.dma_semaphore, #tpu.memory_space<semaphore_mem>>, %arg21: memref<!tpu.dma_semaphore, #tpu.memory_space<semaphore_mem>>, %arg22: memref<!tpu.dma_semaphore, #tpu.memory_space<semaphore_mem>>, %arg23: memref<!tpu.dma_semaphore, #tpu.memory_space<semaphore_mem>>, %arg24: memref<!tpu.dma_semaphore, #tpu.memory_space<semaphore_mem>>, %arg25: memref<!tpu.dma_semaphore, #tpu.memory_space<semaphore_mem>>, %arg26: memref<!tpu.dma_semaphore, #tpu.memory_space<semaphore_mem>>, %arg27: memref<!tpu.dma_semaphore, #tpu.memory_space<semaphore_mem>>, %arg28: memref<!tpu.dma_semaphore, #tpu.memory_space<semaphore_mem>>, %arg29: memref<!tpu.dma_semaphore, #tpu.memory_space<semaphore_mem>>, %arg30: memref<!tpu.dma_semaphore, #tpu.memory_space<semaphore_mem>>, %arg31: memref<!tpu.dma_semaphore, #tpu.memory_space<semaphore_mem>>, %arg32: memref<!tpu.dma_semaphore, #tpu.memory_space<semaphore_mem>>, %arg33: memref<!tpu.dma_semaphore, #tpu.memory_space<semaphore_mem>>, %arg34: memref<!tpu.dma_semaphore, #tpu.memory_space<semaphore_mem>>, %arg35: memref<!tpu.dma_semaphore, #tpu.memory_space<semaphore_mem>>, %arg36: memref<!tpu.dma_semaphore, #tpu.memory_space<semaphore_mem>>, %arg37: memref<!tpu.dma_semaphore, #tpu.memory_space<semaphore_mem>>, %arg38: memref<!tpu.dma_semaphore, #tpu.memory_space<semaphore_mem>>, %arg39: memref<!tpu.dma_semaphore, #tpu.memory_space<semaphore_mem>>, %arg40: memref<!tpu.dma_semaphore, #tpu.memory_space<semaphore_mem>>, %arg41: memref<!tpu.dma_semaphore, #tpu.memory_space<semaphore_mem>>, %arg42: memref<!tpu.dma_semaphore, #tpu.memory_space<semaphore_mem>>) attributes {dimension_semantics = [#tpu.dimension_semantics<core_parallel>, #tpu.dimension_semantics<subcore_parallel>], iteration_bounds = array<i64: 2, 16>, scalar_prefetch = 0 : i64, scratch_operands = 37 : i64, tpu.core_type = #tpu.core_type<sc_vector_subcore>, window_params = [{transform_indices = #map}, {transform_indices = #map}, {transform_indices = #map}, {transform_indices = #map1}]} {
    %mul3A = arith.constant 2 : i32
    %mul3A_0 = arith.muli %arg1, %mul3A : i32
    %add3A = arith.addi %mul3A_0, %arg0 : i32
    %add3A_1 = arith.constant 0 : i32
    %add3A_2 = arith.addi %add3A, %add3A_1 : i32
    %min3A = arith.constant 4999 : i32
    %min3A_3 = arith.minsi %add3A_2, %min3A : i32
    %mul3A_4 = arith.constant 64 : i32
    %mul3A_5 = arith.muli %min3A_3, %mul3A_4 : i32
    %dma_start3A = arith.constant 0 : i32
    %dma_start3A_6 = arith.constant 0 : i32
    %dma_start3A_7 = arith.constant 0 : i32
    %dma_start3A_8 = arith.constant 0 : i32
    %dma_start3A_9 = tpu.memref_slice %arg6[%dma_start3A_6, %dma_start3A_7, %dma_start3A_8] : memref<10x2x64xi32, #tpu.memory_space<vmem>> -> memref<1x1x64xi32, #tpu.memory_space<vmem>>
    %dma_start3A_10 = tpu.memref_squeeze %dma_start3A_9 : memref<1x1x64xi32, #tpu.memory_space<vmem>> -> memref<64xi32, #tpu.memory_space<vmem>>
    %dma_start3A_11 = tpu.memref_slice %arg3[%dma_start3A, %mul3A_5] : memref<2x320000xi32, #tpu.memory_space<hbm>> -> memref<1x64xi32, #tpu.memory_space<hbm>>
    %dma_start3A_12 = tpu.memref_squeeze %dma_start3A_11 : memref<1x64xi32, #tpu.memory_space<hbm>> -> memref<64xi32, #tpu.memory_space<hbm>>
    %dma_start3A_13 = arith.constant 0 : i32
    %dma_start3A_14 = tpu.memref_slice %arg6[%dma_start3A_6, %dma_start3A_7, %dma_start3A_13] : memref<10x2x64xi32, #tpu.memory_space<vmem>> -> memref<1x1x64xi32, #tpu.memory_space<vmem>>
    %dma_start3A_15 = tpu.memref_squeeze %dma_start3A_14 : memref<1x1x64xi32, #tpu.memory_space<vmem>> -> memref<64xi32, #tpu.memory_space<vmem>>
    %dma_start3A_16 = tpu.memref_slice %arg3[%dma_start3A, %mul3A_5] : memref<2x320000xi32, #tpu.memory_space<hbm>> -> memref<1x64xi32, #tpu.memory_space<hbm>>
    %dma_start3A_17 = tpu.memref_squeeze %dma_start3A_16 : memref<1x64xi32, #tpu.memory_space<hbm>> -> memref<64xi32, #tpu.memory_space<hbm>>
    tpu.enqueue_dma source(%dma_start3A_17 : memref<64xi32, #tpu.memory_space<hbm>>) target(%dma_start3A_15 : memref<64xi32, #tpu.memory_space<vmem>>) target_semaphore(%arg13 : memref<!tpu.dma_semaphore, #tpu.memory_space<semaphore_mem>>)
    %dma_start3A_18 = arith.constant 1 : i32
    %dma_start3A_19 = arith.constant 0 : i32
    %dma_start3A_20 = arith.constant 1 : i32
    %dma_start3A_21 = arith.constant 0 : i32
    %dma_start3A_22 = tpu.memref_slice %arg6[%dma_start3A_19, %dma_start3A_20, %dma_start3A_21] : memref<10x2x64xi32, #tpu.memory_space<vmem>> -> memref<1x1x64xi32, #tpu.memory_space<vmem>>
    %dma_start3A_23 = tpu.memref_squeeze %dma_start3A_22 : memref<1x1x64xi32, #tpu.memory_space<vmem>> -> memref<64xi32, #tpu.memory_space<vmem>>
    %dma_start3A_24 = tpu.memref_slice %arg3[%dma_start3A_18, %mul3A_5] : memref<2x320000xi32, #tpu.memory_space<hbm>> -> memref<1x64xi32, #tpu.memory_space<hbm>>
    %dma_start3A_25 = tpu.memref_squeeze %dma_start3A_24 : memref<1x64xi32, #tpu.memory_space<hbm>> -> memref<64xi32, #tpu.memory_space<hbm>>
    %dma_start3A_26 = arith.constant 0 : i32
    %dma_start3A_27 = tpu.memref_slice %arg6[%dma_start3A_19, %dma_start3A_20, %dma_start3A_26] : memref<10x2x64xi32, #tpu.memory_space<vmem>> -> memref<1x1x64xi32, #tpu.memory_space<vmem>>
    %dma_start3A_28 = tpu.memref_squeeze %dma_start3A_27 : memref<1x1x64xi32, #tpu.memory_space<vmem>> -> memref<64xi32, #tpu.memory_space<vmem>>
    %dma_start3A_29 = tpu.memref_slice %arg3[%dma_start3A_18, %mul3A_5] : memref<2x320000xi32, #tpu.memory_space<hbm>> -> memref<1x64xi32, #tpu.memory_space<hbm>>
    %dma_start3A_30 = tpu.memref_squeeze %dma_start3A_29 : memref<1x64xi32, #tpu.memory_space<hbm>> -> memref<64xi32, #tpu.memory_space<hbm>>
    tpu.enqueue_dma source(%dma_start3A_30 : memref<64xi32, #tpu.memory_space<hbm>>) target(%dma_start3A_28 : memref<64xi32, #tpu.memory_space<vmem>>) target_semaphore(%arg23 : memref<!tpu.dma_semaphore, #tpu.memory_space<semaphore_mem>>)
    %add3A_31 = arith.constant 32 : i32
    %add3A_32 = arith.addi %add3A, %add3A_31 : i32
    %min3A_33 = arith.constant 4999 : i32
    %min3A_34 = arith.minsi %add3A_32, %min3A_33 : i32
    %mul3A_35 = arith.constant 64 : i32
    %mul3A_36 = arith.muli %min3A_34, %mul3A_35 : i32
    %dma_start3A_37 = arith.constant 0 : i32
    %dma_start3A_38 = arith.constant 1 : i32
    %dma_start3A_39 = arith.constant 0 : i32
    %dma_start3A_40 = arith.constant 0 : i32
    %dma_start3A_41 = tpu.memref_slice %arg6[%dma_start3A_38, %dma_start3A_39, %dma_start3A_40] : memref<10x2x64xi32, #tpu.memory_space<vmem>> -> memref<1x1x64xi32, #tpu.memory_space<vmem>>
    %dma_start3A_42 = tpu.memref_squeeze %dma_start3A_41 : memref<1x1x64xi32, #tpu.memory_space<vmem>> -> memref<64xi32, #tpu.memory_space<vmem>>
    %dma_start3A_43 = tpu.memref_slice %arg3[%dma_start3A_37, %mul3A_36] : memref<2x320000xi32, #tpu.memory_space<hbm>> -> memref<1x64xi32, #tpu.memory_space<hbm>>
    %dma_start3A_44 = tpu.memref_squeeze %dma_start3A_43 : memref<1x64xi32, #tpu.memory_space<hbm>> -> memref<64xi32, #tpu.memory_space<hbm>>
    %dma_start3A_45 = arith.constant 0 : i32
    %dma_start3A_46 = tpu.memref_slice %arg6[%dma_start3A_38, %dma_start3A_39, %dma_start3A_45] : memref<10x2x64xi32, #tpu.memory_space<vmem>> -> memref<1x1x64xi32, #tpu.memory_space<vmem>>
    %dma_start3A_47 = tpu.memref_squeeze %dma_start3A_46 : memref<1x1x64xi32, #tpu.memory_space<vmem>> -> memref<64xi32, #tpu.memory_space<vmem>>
    %dma_start3A_48 = tpu.memref_slice %arg3[%dma_start3A_37, %mul3A_36] : memref<2x320000xi32, #tpu.memory_space<hbm>> -> memref<1x64xi32, #tpu.memory_space<hbm>>
    %dma_start3A_49 = tpu.memref_squeeze %dma_start3A_48 : memref<1x64xi32, #tpu.memory_space<hbm>> -> memref<64xi32, #tpu.memory_space<hbm>>
    tpu.enqueue_dma source(%dma_start3A_49 : memref<64xi32, #tpu.memory_space<hbm>>) target(%dma_start3A_47 : memref<64xi32, #tpu.memory_space<vmem>>) target_semaphore(%arg14 : memref<!tpu.dma_semaphore, #tpu.memory_space<semaphore_mem>>)
    %dma_start3A_50 = arith.constant 1 : i32
    %dma_start3A_51 = arith.constant 1 : i32
    %dma_start3A_52 = arith.constant 1 : i32
    %dma_start3A_53 = arith.constant 0 : i32
    %dma_start3A_54 = tpu.memref_slice %arg6[%dma_start3A_51, %dma_start3A_52, %dma_start3A_53] : memref<10x2x64xi32, #tpu.memory_space<vmem>> -> memref<1x1x64xi32, #tpu.memory_space<vmem>>
    %dma_start3A_55 = tpu.memref_squeeze %dma_start3A_54 : memref<1x1x64xi32, #tpu.memory_space<vmem>> -> memref<64xi32, #tpu.memory_space<vmem>>
    %dma_start3A_56 = tpu.memref_slice %arg3[%dma_start3A_50, %mul3A_36] : memref<2x320000xi32, #tpu.memory_space<hbm>> -> memref<1x64xi32, #tpu.memory_space<hbm>>
    %dma_start3A_57 = tpu.memref_squeeze %dma_start3A_56 : memref<1x64xi32, #tpu.memory_space<hbm>> -> memref<64xi32, #tpu.memory_space<hbm>>
    %dma_start3A_58 = arith.constant 0 : i32
    %dma_start3A_59 = tpu.memref_slice %arg6[%dma_start3A_51, %dma_start3A_52, %dma_start3A_58] : memref<10x2x64xi32, #tpu.memory_space<vmem>> -> memref<1x1x64xi32, #tpu.memory_space<vmem>>
    %dma_start3A_60 = tpu.memref_squeeze %dma_start3A_59 : memref<1x1x64xi32, #tpu.memory_space<vmem>> -> memref<64xi32, #tpu.memory_space<vmem>>
    %dma_start3A_61 = tpu.memref_slice %arg3[%dma_start3A_50, %mul3A_36] : memref<2x320000xi32, #tpu.memory_space<hbm>> -> memref<1x64xi32, #tpu.memory_space<hbm>>
    %dma_start3A_62 = tpu.memref_squeeze %dma_start3A_61 : memref<1x64xi32, #tpu.memory_space<hbm>> -> memref<64xi32, #tpu.memory_space<hbm>>
    tpu.enqueue_dma source(%dma_start3A_62 : memref<64xi32, #tpu.memory_space<hbm>>) target(%dma_start3A_60 : memref<64xi32, #tpu.memory_space<vmem>>) target_semaphore(%arg24 : memref<!tpu.dma_semaphore, #tpu.memory_space<semaphore_mem>>)
    %add3A_63 = arith.constant 64 : i32
    %add3A_64 = arith.addi %add3A, %add3A_63 : i32
    %min3A_65 = arith.constant 4999 : i32
    %min3A_66 = arith.minsi %add3A_64, %min3A_65 : i32
    %mul3A_67 = arith.constant 64 : i32
    %mul3A_68 = arith.muli %min3A_66, %mul3A_67 : i32
    %dma_start3A_69 = arith.constant 0 : i32
    %dma_start3A_70 = arith.constant 2 : i32
    %dma_start3A_71 = arith.constant 0 : i32
    %dma_start3A_72 = arith.constant 0 : i32
    %dma_start3A_73 = tpu.memref_slice %arg6[%dma_start3A_70, %dma_start3A_71, %dma_start3A_72] : memref<10x2x64xi32, #tpu.memory_space<vmem>> -> memref<1x1x64xi32, #tpu.memory_space<vmem>>
    %dma_start3A_74 = tpu.memref_squeeze %dma_start3A_73 : memref<1x1x64xi32, #tpu.memory_space<vmem>> -> memref<64xi32, #tpu.memory_space<vmem>>
    %dma_start3A_75 = tpu.memref_slice %arg3[%dma_start3A_69, %mul3A_68] : memref<2x320000xi32, #tpu.memory_space<hbm>> -> memref<1x64xi32, #tpu.memory_space<hbm>>
    %dma_start3A_76 = tpu.memref_squeeze %dma_start3A_75 : memref<1x64xi32, #tpu.memory_space<hbm>> -> memref<64xi32, #tpu.memory_space<hbm>>
    %dma_start3A_77 = arith.constant 0 : i32
    %dma_start3A_78 = tpu.memref_slice %arg6[%dma_start3A_70, %dma_start3A_71, %dma_start3A_77] : memref<10x2x64xi32, #tpu.memory_space<vmem>> -> memref<1x1x64xi32, #tpu.memory_space<vmem>>
    %dma_start3A_79 = tpu.memref_squeeze %dma_start3A_78 : memref<1x1x64xi32, #tpu.memory_space<vmem>> -> memref<64xi32, #tpu.memory_space<vmem>>
    %dma_start3A_80 = tpu.memref_slice %arg3[%dma_start3A_69, %mul3A_68] : memref<2x320000xi32, #tpu.memory_space<hbm>> -> memref<1x64xi32, #tpu.memory_space<hbm>>
    %dma_start3A_81 = tpu.memref_squeeze %dma_start3A_80 : memref<1x64xi32, #tpu.memory_space<hbm>> -> memref<64xi32, #tpu.memory_space<hbm>>
    tpu.enqueue_dma source(%dma_start3A_81 : memref<64xi32, #tpu.memory_space<hbm>>) target(%dma_start3A_79 : memref<64xi32, #tpu.memory_space<vmem>>) target_semaphore(%arg15 : memref<!tpu.dma_semaphore, #tpu.memory_space<semaphore_mem>>)
    %dma_start3A_82 = arith.constant 1 : i32
    %dma_start3A_83 = arith.constant 2 : i32
    %dma_start3A_84 = arith.constant 1 : i32
    %dma_start3A_85 = arith.constant 0 : i32
    %dma_start3A_86 = tpu.memref_slice %arg6[%dma_start3A_83, %dma_start3A_84, %dma_start3A_85] : memref<10x2x64xi32, #tpu.memory_space<vmem>> -> memref<1x1x64xi32, #tpu.memory_space<vmem>>
    %dma_start3A_87 = tpu.memref_squeeze %dma_start3A_86 : memref<1x1x64xi32, #tpu.memory_space<vmem>> -> memref<64xi32, #tpu.memory_space<vmem>>
    %dma_start3A_88 = tpu.memref_slice %arg3[%dma_start3A_82, %mul3A_68] : memref<2x320000xi32, #tpu.memory_space<hbm>> -> memref<1x64xi32, #tpu.memory_space<hbm>>
    %dma_start3A_89 = tpu.memref_squeeze %dma_start3A_88 : memref<1x64xi32, #tpu.memory_space<hbm>> -> memref<64xi32, #tpu.memory_space<hbm>>
    %dma_start3A_90 = arith.constant 0 : i32
    %dma_start3A_91 = tpu.memref_slice %arg6[%dma_start3A_83, %dma_start3A_84, %dma_start3A_90] : memref<10x2x64xi32, #tpu.memory_space<vmem>> -> memref<1x1x64xi32, #tpu.memory_space<vmem>>
    %dma_start3A_92 = tpu.memref_squeeze %dma_start3A_91 : memref<1x1x64xi32, #tpu.memory_space<vmem>> -> memref<64xi32, #tpu.memory_space<vmem>>
    %dma_start3A_93 = tpu.memref_slice %arg3[%dma_start3A_82, %mul3A_68] : memref<2x320000xi32, #tpu.memory_space<hbm>> -> memref<1x64xi32, #tpu.memory_space<hbm>>
    %dma_start3A_94 = tpu.memref_squeeze %dma_start3A_93 : memref<1x64xi32, #tpu.memory_space<hbm>> -> memref<64xi32, #tpu.memory_space<hbm>>
    tpu.enqueue_dma source(%dma_start3A_94 : memref<64xi32, #tpu.memory_space<hbm>>) target(%dma_start3A_92 : memref<64xi32, #tpu.memory_space<vmem>>) target_semaphore(%arg25 : memref<!tpu.dma_semaphore, #tpu.memory_space<semaphore_mem>>)
    %add3A_95 = arith.constant 96 : i32
    %add3A_96 = arith.addi %add3A, %add3A_95 : i32
    %min3A_97 = arith.constant 4999 : i32
    %min3A_98 = arith.minsi %add3A_96, %min3A_97 : i32
    %mul3A_99 = arith.constant 64 : i32
    %mul3A_100 = arith.muli %min3A_98, %mul3A_99 : i32
    %dma_start3A_101 = arith.constant 0 : i32
    %dma_start3A_102 = arith.constant 3 : i32
    %dma_start3A_103 = arith.constant 0 : i32
    %dma_start3A_104 = arith.constant 0 : i32
    %dma_start3A_105 = tpu.memref_slice %arg6[%dma_start3A_102, %dma_start3A_103, %dma_start3A_104] : memref<10x2x64xi32, #tpu.memory_space<vmem>> -> memref<1x1x64xi32, #tpu.memory_space<vmem>>
    %dma_start3A_106 = tpu.memref_squeeze %dma_start3A_105 : memref<1x1x64xi32, #tpu.memory_space<vmem>> -> memref<64xi32, #tpu.memory_space<vmem>>
    %dma_start3A_107 = tpu.memref_slice %arg3[%dma_start3A_101, %mul3A_100] : memref<2x320000xi32, #tpu.memory_space<hbm>> -> memref<1x64xi32, #tpu.memory_space<hbm>>
    %dma_start3A_108 = tpu.memref_squeeze %dma_start3A_107 : memref<1x64xi32, #tpu.memory_space<hbm>> -> memref<64xi32, #tpu.memory_space<hbm>>
    %dma_start3A_109 = arith.constant 0 : i32
    %dma_start3A_110 = tpu.memref_slice %arg6[%dma_start3A_102, %dma_start3A_103, %dma_start3A_109] : memref<10x2x64xi32, #tpu.memory_space<vmem>> -> memref<1x1x64xi32, #tpu.memory_space<vmem>>
    %dma_start3A_111 = tpu.memref_squeeze %dma_start3A_110 : memref<1x1x64xi32, #tpu.memory_space<vmem>> -> memref<64xi32, #tpu.memory_space<vmem>>
    %dma_start3A_112 = tpu.memref_slice %arg3[%dma_start3A_101, %mul3A_100] : memref<2x320000xi32, #tpu.memory_space<hbm>> -> memref<1x64xi32, #tpu.memory_space<hbm>>
    %dma_start3A_113 = tpu.memref_squeeze %dma_start3A_112 : memref<1x64xi32, #tpu.memory_space<hbm>> -> memref<64xi32, #tpu.memory_space<hbm>>
    tpu.enqueue_dma source(%dma_start3A_113 : memref<64xi32, #tpu.memory_space<hbm>>) target(%dma_start3A_111 : memref<64xi32, #tpu.memory_space<vmem>>) target_semaphore(%arg16 : memref<!tpu.dma_semaphore, #tpu.memory_space<semaphore_mem>>)
    %dma_start3A_114 = arith.constant 1 : i32
    %dma_start3A_115 = arith.constant 3 : i32
    %dma_start3A_116 = arith.constant 1 : i32
    %dma_start3A_117 = arith.constant 0 : i32
    %dma_start3A_118 = tpu.memref_slice %arg6[%dma_start3A_115, %dma_start3A_116, %dma_start3A_117] : memref<10x2x64xi32, #tpu.memory_space<vmem>> -> memref<1x1x64xi32, #tpu.memory_space<vmem>>
    %dma_start3A_119 = tpu.memref_squeeze %dma_start3A_118 : memref<1x1x64xi32, #tpu.memory_space<vmem>> -> memref<64xi32, #tpu.memory_space<vmem>>
    %dma_start3A_120 = tpu.memref_slice %arg3[%dma_start3A_114, %mul3A_100] : memref<2x320000xi32, #tpu.memory_space<hbm>> -> memref<1x64xi32, #tpu.memory_space<hbm>>
    %dma_start3A_121 = tpu.memref_squeeze %dma_start3A_120 : memref<1x64xi32, #tpu.memory_space<hbm>> -> memref<64xi32, #tpu.memory_space<hbm>>
    %dma_start3A_122 = arith.constant 0 : i32
    %dma_start3A_123 = tpu.memref_slice %arg6[%dma_start3A_115, %dma_start3A_116, %dma_start3A_122] : memref<10x2x64xi32, #tpu.memory_space<vmem>> -> memref<1x1x64xi32, #tpu.memory_space<vmem>>
    %dma_start3A_124 = tpu.memref_squeeze %dma_start3A_123 : memref<1x1x64xi32, #tpu.memory_space<vmem>> -> memref<64xi32, #tpu.memory_space<vmem>>
    %dma_start3A_125 = tpu.memref_slice %arg3[%dma_start3A_114, %mul3A_100] : memref<2x320000xi32, #tpu.memory_space<hbm>> -> memref<1x64xi32, #tpu.memory_space<hbm>>
    %dma_start3A_126 = tpu.memref_squeeze %dma_start3A_125 : memref<1x64xi32, #tpu.memory_space<hbm>> -> memref<64xi32, #tpu.memory_space<hbm>>
    tpu.enqueue_dma source(%dma_start3A_126 : memref<64xi32, #tpu.memory_space<hbm>>) target(%dma_start3A_124 : memref<64xi32, #tpu.memory_space<vmem>>) target_semaphore(%arg26 : memref<!tpu.dma_semaphore, #tpu.memory_space<semaphore_mem>>)
    %add3A_127 = arith.constant 128 : i32
    %add3A_128 = arith.addi %add3A, %add3A_127 : i32
    %min3A_129 = arith.constant 4999 : i32
    %min3A_130 = arith.minsi %add3A_128, %min3A_129 : i32
    %mul3A_131 = arith.constant 64 : i32
    %mul3A_132 = arith.muli %min3A_130, %mul3A_131 : i32
    %dma_start3A_133 = arith.constant 0 : i32
    %dma_start3A_134 = arith.constant 4 : i32
    %dma_start3A_135 = arith.constant 0 : i32
    %dma_start3A_136 = arith.constant 0 : i32
    %dma_start3A_137 = tpu.memref_slice %arg6[%dma_start3A_134, %dma_start3A_135, %dma_start3A_136] : memref<10x2x64xi32, #tpu.memory_space<vmem>> -> memref<1x1x64xi32, #tpu.memory_space<vmem>>
    %dma_start3A_138 = tpu.memref_squeeze %dma_start3A_137 : memref<1x1x64xi32, #tpu.memory_space<vmem>> -> memref<64xi32, #tpu.memory_space<vmem>>
    %dma_start3A_139 = tpu.memref_slice %arg3[%dma_start3A_133, %mul3A_132] : memref<2x320000xi32, #tpu.memory_space<hbm>> -> memref<1x64xi32, #tpu.memory_space<hbm>>
    %dma_start3A_140 = tpu.memref_squeeze %dma_start3A_139 : memref<1x64xi32, #tpu.memory_space<hbm>> -> memref<64xi32, #tpu.memory_space<hbm>>
    %dma_start3A_141 = arith.constant 0 : i32
    %dma_start3A_142 = tpu.memref_slice %arg6[%dma_start3A_134, %dma_start3A_135, %dma_start3A_141] : memref<10x2x64xi32, #tpu.memory_space<vmem>> -> memref<1x1x64xi32, #tpu.memory_space<vmem>>
    %dma_start3A_143 = tpu.memref_squeeze %dma_start3A_142 : memref<1x1x64xi32, #tpu.memory_space<vmem>> -> memref<64xi32, #tpu.memory_space<vmem>>
    %dma_start3A_144 = tpu.memref_slice %arg3[%dma_start3A_133, %mul3A_132] : memref<2x320000xi32, #tpu.memory_space<hbm>> -> memref<1x64xi32, #tpu.memory_space<hbm>>
    %dma_start3A_145 = tpu.memref_squeeze %dma_start3A_144 : memref<1x64xi32, #tpu.memory_space<hbm>> -> memref<64xi32, #tpu.memory_space<hbm>>
    tpu.enqueue_dma source(%dma_start3A_145 : memref<64xi32, #tpu.memory_space<hbm>>) target(%dma_start3A_143 : memref<64xi32, #tpu.memory_space<vmem>>) target_semaphore(%arg17 : memref<!tpu.dma_semaphore, #tpu.memory_space<semaphore_mem>>)
    %dma_start3A_146 = arith.constant 1 : i32
    %dma_start3A_147 = arith.constant 4 : i32
    %dma_start3A_148 = arith.constant 1 : i32
    %dma_start3A_149 = arith.constant 0 : i32
    %dma_start3A_150 = tpu.memref_slice %arg6[%dma_start3A_147, %dma_start3A_148, %dma_start3A_149] : memref<10x2x64xi32, #tpu.memory_space<vmem>> -> memref<1x1x64xi32, #tpu.memory_space<vmem>>
    %dma_start3A_151 = tpu.memref_squeeze %dma_start3A_150 : memref<1x1x64xi32, #tpu.memory_space<vmem>> -> memref<64xi32, #tpu.memory_space<vmem>>
    %dma_start3A_152 = tpu.memref_slice %arg3[%dma_start3A_146, %mul3A_132] : memref<2x320000xi32, #tpu.memory_space<hbm>> -> memref<1x64xi32, #tpu.memory_space<hbm>>
    %dma_start3A_153 = tpu.memref_squeeze %dma_start3A_152 : memref<1x64xi32, #tpu.memory_space<hbm>> -> memref<64xi32, #tpu.memory_space<hbm>>
    %dma_start3A_154 = arith.constant 0 : i32
    %dma_start3A_155 = tpu.memref_slice %arg6[%dma_start3A_147, %dma_start3A_148, %dma_start3A_154] : memref<10x2x64xi32, #tpu.memory_space<vmem>> -> memref<1x1x64xi32, #tpu.memory_space<vmem>>
    %dma_start3A_156 = tpu.memref_squeeze %dma_start3A_155 : memref<1x1x64xi32, #tpu.memory_space<vmem>> -> memref<64xi32, #tpu.memory_space<vmem>>
    %dma_start3A_157 = tpu.memref_slice %arg3[%dma_start3A_146, %mul3A_132] : memref<2x320000xi32, #tpu.memory_space<hbm>> -> memref<1x64xi32, #tpu.memory_space<hbm>>
    %dma_start3A_158 = tpu.memref_squeeze %dma_start3A_157 : memref<1x64xi32, #tpu.memory_space<hbm>> -> memref<64xi32, #tpu.memory_space<hbm>>
    tpu.enqueue_dma source(%dma_start3A_158 : memref<64xi32, #tpu.memory_space<hbm>>) target(%dma_start3A_156 : memref<64xi32, #tpu.memory_space<vmem>>) target_semaphore(%arg27 : memref<!tpu.dma_semaphore, #tpu.memory_space<semaphore_mem>>)
    %mul3A_159 = arith.constant 632 : i32
    %mul3A_160 = arith.muli %arg1, %mul3A_159 : i32
    "tpu.region"() ({
      %run_scoped3A_222 = tpu.sem_alloc : memref<!tpu.dma_semaphore, #tpu.memory_space<semaphore_mem>>
      %dma_start3A_223 = arith.constant 0 : i32
      %dma_start3A_224 = tpu.memref_slice %arg12[%mul3A_160, %dma_start3A_223] : memref<10112x128xf32, #tpu.memory_space<vmem_shared>> -> memref<632x128xf32, #tpu.memory_space<vmem_shared>>
      tpu.enqueue_dma source(%arg4 : memref<632x128xf32, #tpu.memory_space<hbm>>) target(%dma_start3A_224 : memref<632x128xf32, #tpu.memory_space<vmem_shared>>) target_semaphore(%run_scoped3A_222 : memref<!tpu.dma_semaphore, #tpu.memory_space<semaphore_mem>>)
      %dma_wait3A_225 = arith.constant 0 : i32
      %dma_wait3A_226 = tpu.memref_slice %arg12[%mul3A_160, %dma_wait3A_225] : memref<10112x128xf32, #tpu.memory_space<vmem_shared>> -> memref<632x128xf32, #tpu.memory_space<vmem_shared>>
      tpu.wait_dma2 semaphore(%run_scoped3A_222 : memref<!tpu.dma_semaphore, #tpu.memory_space<semaphore_mem>>) src(%arg4 : memref<632x128xf32, #tpu.memory_space<hbm>>) dst(%dma_wait3A_226 : memref<632x128xf32, #tpu.memory_space<vmem_shared>>)
      tpu.yield
    }) : () -> ()
    %barrier3A = arith.constant 0 : index
    tpu.barrier barrier_id(%barrier3A)
    %scan3A = arith.constant 0 : i32
    %scan3A_161 = arith.constant 16 : i32
    %scan3A_162 = arith.addi %scan3A, %scan3A_161 : i32
    %scan3A_163 = arith.constant 1 : i32
    scf.for %scan3A_222 = %scan3A to %scan3A_162 step %scan3A_163  : i32 {
      %mul3A_223 = arith.constant 10 : i32
      %mul3A_224 = arith.muli %scan3A_222, %mul3A_223 : i32
      %add3A_225 = arith.constant 0 : i32
      %add3A_226 = arith.addi %add3A_225, %mul3A_224 : i32
      %add3A_227 = arith.constant 0 : i32
      %add3A_228 = arith.addi %add3A_226, %add3A_227 : i32
      %ge3A = arith.constant 5 : i32
      %ge3A_229 = arith.cmpi sge, %add3A_228, %ge3A : i32
      %convert_element_type3A_230 = arith.extui %ge3A_229 : i1 to i32
      %cond3A_231 = arith.constant 0 : i32
      %cond3A_232 = arith.cmpi ne, %convert_element_type3A_230, %cond3A_231 : i32
      scf.if %cond3A_232 {
        %dma_wait3A_915 = arith.constant 5 : i32
        %dma_wait3A_916 = arith.constant 1 : i32
        %dma_wait3A_917 = arith.constant 0 : i32
        %dma_wait3A_918 = tpu.memref_slice %arg6[%dma_wait3A_915, %dma_wait3A_916, %dma_wait3A_917] : memref<10x2x64xi32, #tpu.memory_space<vmem>> -> memref<1x1x64xi32, #tpu.memory_space<vmem>>
        %dma_wait3A_919 = tpu.memref_squeeze %dma_wait3A_918 : memref<1x1x64xi32, #tpu.memory_space<vmem>> -> memref<64xi32, #tpu.memory_space<vmem>>
        %dma_wait3A_920 = arith.constant 0 : i32
        %dma_wait3A_921 = arith.constant 0 : i32
        %dma_wait3A_922 = tpu.memref_slice %arg12[%dma_wait3A_920, %dma_wait3A_921] : memref<10112x128xf32, #tpu.memory_space<vmem_shared>> -> memref<10112x128xf32, #tpu.memory_space<vmem_shared>>
        tpu.wait_indirect_dma semaphore(%arg38 : memref<!tpu.dma_semaphore, #tpu.memory_space<semaphore_mem>>) src(%arg7 : memref<64x128xf32, #tpu.memory_space<vmem>>) dst(%dma_wait3A_922 : memref<10112x128xf32, #tpu.memory_space<vmem_shared>>)
      } else {
      }
      %mul3A_233 = arith.constant 32 : i32
      %mul3A_234 = arith.muli %mul3A_233, %add3A_228 : i32
      %add3A_235 = arith.addi %add3A, %mul3A_234 : i32
      %min3A_236 = arith.constant 4999 : i32
      %min3A_237 = arith.minsi %add3A_235, %min3A_236 : i32
      %mul3A_238 = arith.constant 64 : i32
      %mul3A_239 = arith.muli %min3A_237, %mul3A_238 : i32
      %dma_wait3A_240 = arith.constant 0 : i32
      %dma_wait3A_241 = arith.constant 0 : i32
      %dma_wait3A_242 = arith.constant 0 : i32
      %dma_wait3A_243 = arith.constant 0 : i32
      %dma_wait3A_244 = tpu.memref_slice %arg6[%dma_wait3A_241, %dma_wait3A_242, %dma_wait3A_243] : memref<10x2x64xi32, #tpu.memory_space<vmem>> -> memref<1x1x64xi32, #tpu.memory_space<vmem>>
      %dma_wait3A_245 = tpu.memref_squeeze %dma_wait3A_244 : memref<1x1x64xi32, #tpu.memory_space<vmem>> -> memref<64xi32, #tpu.memory_space<vmem>>
      %dma_wait3A_246 = tpu.memref_slice %arg3[%dma_wait3A_240, %mul3A_239] : memref<2x320000xi32, #tpu.memory_space<hbm>> -> memref<1x64xi32, #tpu.memory_space<hbm>>
      %dma_wait3A_247 = tpu.memref_squeeze %dma_wait3A_246 : memref<1x64xi32, #tpu.memory_space<hbm>> -> memref<64xi32, #tpu.memory_space<hbm>>
      %dma_wait3A_248 = arith.constant 0 : i32
      %dma_wait3A_249 = tpu.memref_slice %arg6[%dma_wait3A_241, %dma_wait3A_242, %dma_wait3A_248] : memref<10x2x64xi32, #tpu.memory_space<vmem>> -> memref<1x1x64xi32, #tpu.memory_space<vmem>>
      %dma_wait3A_250 = tpu.memref_squeeze %dma_wait3A_249 : memref<1x1x64xi32, #tpu.memory_space<vmem>> -> memref<64xi32, #tpu.memory_space<vmem>>
      %dma_wait3A_251 = tpu.memref_slice %arg3[%dma_wait3A_240, %mul3A_239] : memref<2x320000xi32, #tpu.memory_space<hbm>> -> memref<1x64xi32, #tpu.memory_space<hbm>>
      %dma_wait3A_252 = tpu.memref_squeeze %dma_wait3A_251 : memref<1x64xi32, #tpu.memory_space<hbm>> -> memref<64xi32, #tpu.memory_space<hbm>>
      tpu.wait_dma2 semaphore(%arg13 : memref<!tpu.dma_semaphore, #tpu.memory_space<semaphore_mem>>) src(%dma_wait3A_252 : memref<64xi32, #tpu.memory_space<hbm>>) dst(%dma_wait3A_250 : memref<64xi32, #tpu.memory_space<vmem>>)
      %dma_wait3A_253 = arith.constant 1 : i32
      %dma_wait3A_254 = arith.constant 0 : i32
      %dma_wait3A_255 = arith.constant 1 : i32
      %dma_wait3A_256 = arith.constant 0 : i32
      %dma_wait3A_257 = tpu.memref_slice %arg6[%dma_wait3A_254, %dma_wait3A_255, %dma_wait3A_256] : memref<10x2x64xi32, #tpu.memory_space<vmem>> -> memref<1x1x64xi32, #tpu.memory_space<vmem>>
      %dma_wait3A_258 = tpu.memref_squeeze %dma_wait3A_257 : memref<1x1x64xi32, #tpu.memory_space<vmem>> -> memref<64xi32, #tpu.memory_space<vmem>>
      %dma_wait3A_259 = tpu.memref_slice %arg3[%dma_wait3A_253, %mul3A_239] : memref<2x320000xi32, #tpu.memory_space<hbm>> -> memref<1x64xi32, #tpu.memory_space<hbm>>
      %dma_wait3A_260 = tpu.memref_squeeze %dma_wait3A_259 : memref<1x64xi32, #tpu.memory_space<hbm>> -> memref<64xi32, #tpu.memory_space<hbm>>
      %dma_wait3A_261 = arith.constant 0 : i32
      %dma_wait3A_262 = tpu.memref_slice %arg6[%dma_wait3A_254, %dma_wait3A_255, %dma_wait3A_261] : memref<10x2x64xi32, #tpu.memory_space<vmem>> -> memref<1x1x64xi32, #tpu.memory_space<vmem>>
      %dma_wait3A_263 = tpu.memref_squeeze %dma_wait3A_262 : memref<1x1x64xi32, #tpu.memory_space<vmem>> -> memref<64xi32, #tpu.memory_space<vmem>>
      %dma_wait3A_264 = tpu.memref_slice %arg3[%dma_wait3A_253, %mul3A_239] : memref<2x320000xi32, #tpu.memory_space<hbm>> -> memref<1x64xi32, #tpu.memory_space<hbm>>
      %dma_wait3A_265 = tpu.memref_squeeze %dma_wait3A_264 : memref<1x64xi32, #tpu.memory_space<hbm>> -> memref<64xi32, #tpu.memory_space<hbm>>
      tpu.wait_dma2 semaphore(%arg23 : memref<!tpu.dma_semaphore, #tpu.memory_space<semaphore_mem>>) src(%dma_wait3A_265 : memref<64xi32, #tpu.memory_space<hbm>>) dst(%dma_wait3A_263 : memref<64xi32, #tpu.memory_space<vmem>>)
      %mul3A_266 = arith.constant 32 : i32
      %mul3A_267 = arith.muli %mul3A_266, %add3A_228 : i32
      %add3A_268 = arith.addi %add3A, %mul3A_267 : i32
      %ge3A_269 = arith.constant 5000 : i32
      %ge3A_270 = arith.cmpi sge, %add3A_268, %ge3A_269 : i32
      %convert_element_type3A_271 = arith.extui %ge3A_270 : i1 to i32
      %cond3A_272 = arith.constant 0 : i32
      %cond3A_273 = arith.cmpi ne, %convert_element_type3A_271, %cond3A_272 : i32
      scf.if %cond3A_273 {
        %broadcast_in_dim3A = arith.constant -1 : i32
        %broadcast_in_dim3A_915 = vector.broadcast %broadcast_in_dim3A : i32 to vector<16xi32>
        %swap3A = arith.constant 0 : i32
        %swap3A_916 = arith.constant 0 : i32
        %swap3A_917 = arith.index_cast %swap3A : i32 to index
        %swap3A_918 = arith.index_cast %swap3A_916 : i32 to index
        %swap3A_919 = arith.constant 0 : index
        %swap3A_920 = tpu.vector_load %arg6[%swap3A_917, %swap3A_918, %swap3A_919] {strides = array<i32>} : memref<10x2x64xi32, #tpu.memory_space<vmem>>, vector<1x1x16xi32>,
        %swap3A_921 = vector.shape_cast %swap3A_920 : vector<1x1x16xi32> to vector<16xi32>
        %swap3A_922 = vector.shape_cast %broadcast_in_dim3A_915 : vector<16xi32> to vector<1x1x16xi32>
        tpu.vector_store %arg6[%swap3A_917, %swap3A_918, %swap3A_919], %swap3A_922 {strides = array<i32>} : memref<10x2x64xi32, #tpu.memory_space<vmem>>, vector<1x1x16xi32>,
        %swap3A_923 = arith.constant 0 : i32
        %swap3A_924 = arith.constant 0 : i32
        %swap3A_925 = arith.index_cast %swap3A_923 : i32 to index
        %swap3A_926 = arith.index_cast %swap3A_924 : i32 to index
        %swap3A_927 = arith.constant 16 : index
        %swap3A_928 = tpu.vector_load %arg6[%swap3A_925, %swap3A_926, %swap3A_927] {strides = array<i32>} : memref<10x2x64xi32, #tpu.memory_space<vmem>>, vector<1x1x16xi32>,
        %swap3A_929 = vector.shape_cast %swap3A_928 : vector<1x1x16xi32> to vector<16xi32>
        %swap3A_930 = vector.shape_cast %broadcast_in_dim3A_915 : vector<16xi32> to vector<1x1x16xi32>
        tpu.vector_store %arg6[%swap3A_925, %swap3A_926, %swap3A_927], %swap3A_930 {strides = array<i32>} : memref<10x2x64xi32, #tpu.memory_space<vmem>>, vector<1x1x16xi32>,
        %swap3A_931 = arith.constant 0 : i32
        %swap3A_932 = arith.constant 0 : i32
        %swap3A_933 = arith.index_cast %swap3A_931 : i32 to index
        %swap3A_934 = arith.index_cast %swap3A_932 : i32 to index
        %swap3A_935 = arith.constant 32 : index
        %swap3A_936 = tpu.vector_load %arg6[%swap3A_933, %swap3A_934, %swap3A_935] {strides = array<i32>} : memref<10x2x64xi32, #tpu.memory_space<vmem>>, vector<1x1x16xi32>,
        %swap3A_937 = vector.shape_cast %swap3A_936 : vector<1x1x16xi32> to vector<16xi32>
        %swap3A_938 = vector.shape_cast %broadcast_in_dim3A_915 : vector<16xi32> to vector<1x1x16xi32>
        tpu.vector_store %arg6[%swap3A_933, %swap3A_934, %swap3A_935], %swap3A_938 {strides = array<i32>} : memref<10x2x64xi32, #tpu.memory_space<vmem>>, vector<1x1x16xi32>,
        %swap3A_939 = arith.constant 0 : i32
        %swap3A_940 = arith.constant 0 : i32
        %swap3A_941 = arith.index_cast %swap3A_939 : i32 to index
        %swap3A_942 = arith.index_cast %swap3A_940 : i32 to index
        %swap3A_943 = arith.constant 48 : index
        %swap3A_944 = tpu.vector_load %arg6[%swap3A_941, %swap3A_942, %swap3A_943] {strides = array<i32>} : memref<10x2x64xi32, #tpu.memory_space<vmem>>, vector<1x1x16xi32>,
        %swap3A_945 = vector.shape_cast %swap3A_944 : vector<1x1x16xi32> to vector<16xi32>
        %swap3A_946 = vector.shape_cast %broadcast_in_dim3A_915 : vector<16xi32> to vector<1x1x16xi32>
        tpu.vector_store %arg6[%swap3A_941, %swap3A_942, %swap3A_943], %swap3A_946 {strides = array<i32>} : memref<10x2x64xi32, #tpu.memory_space<vmem>>, vector<1x1x16xi32>,
        %swap3A_947 = arith.constant 0 : i32
        %swap3A_948 = arith.constant 1 : i32
        %swap3A_949 = arith.index_cast %swap3A_947 : i32 to index
        %swap3A_950 = arith.index_cast %swap3A_948 : i32 to index
        %swap3A_951 = arith.constant 0 : index
        %swap3A_952 = tpu.vector_load %arg6[%swap3A_949, %swap3A_950, %swap3A_951] {strides = array<i32>} : memref<10x2x64xi32, #tpu.memory_space<vmem>>, vector<1x1x16xi32>,
        %swap3A_953 = vector.shape_cast %swap3A_952 : vector<1x1x16xi32> to vector<16xi32>
        %swap3A_954 = vector.shape_cast %broadcast_in_dim3A_915 : vector<16xi32> to vector<1x1x16xi32>
        tpu.vector_store %arg6[%swap3A_949, %swap3A_950, %swap3A_951], %swap3A_954 {strides = array<i32>} : memref<10x2x64xi32, #tpu.memory_space<vmem>>, vector<1x1x16xi32>,
        %swap3A_955 = arith.constant 0 : i32
        %swap3A_956 = arith.constant 1 : i32
        %swap3A_957 = arith.index_cast %swap3A_955 : i32 to index
        %swap3A_958 = arith.index_cast %swap3A_956 : i32 to index
        %swap3A_959 = arith.constant 16 : index
        %swap3A_960 = tpu.vector_load %arg6[%swap3A_957, %swap3A_958, %swap3A_959] {strides = array<i32>} : memref<10x2x64xi32, #tpu.memory_space<vmem>>, vector<1x1x16xi32>,
        %swap3A_961 = vector.shape_cast %swap3A_960 : vector<1x1x16xi32> to vector<16xi32>
        %swap3A_962 = vector.shape_cast %broadcast_in_dim3A_915 : vector<16xi32> to vector<1x1x16xi32>
        tpu.vector_store %arg6[%swap3A_957, %swap3A_958, %swap3A_959], %swap3A_962 {strides = array<i32>} : memref<10x2x64xi32, #tpu.memory_space<vmem>>, vector<1x1x16xi32>,
        %swap3A_963 = arith.constant 0 : i32
        %swap3A_964 = arith.constant 1 : i32
        %swap3A_965 = arith.index_cast %swap3A_963 : i32 to index
        %swap3A_966 = arith.index_cast %swap3A_964 : i32 to index
        %swap3A_967 = arith.constant 32 : index
        %swap3A_968 = tpu.vector_load %arg6[%swap3A_965, %swap3A_966, %swap3A_967] {strides = array<i32>} : memref<10x2x64xi32, #tpu.memory_space<vmem>>, vector<1x1x16xi32>,
        %swap3A_969 = vector.shape_cast %swap3A_968 : vector<1x1x16xi32> to vector<16xi32>
        %swap3A_970 = vector.shape_cast %broadcast_in_dim3A_915 : vector<16xi32> to vector<1x1x16xi32>
        tpu.vector_store %arg6[%swap3A_965, %swap3A_966, %swap3A_967], %swap3A_970 {strides = array<i32>} : memref<10x2x64xi32, #tpu.memory_space<vmem>>, vector<1x1x16xi32>,
        %swap3A_971 = arith.constant 0 : i32
        %swap3A_972 = arith.constant 1 : i32
        %swap3A_973 = arith.index_cast %swap3A_971 : i32 to index
        %swap3A_974 = arith.index_cast %swap3A_972 : i32 to index
        %swap3A_975 = arith.constant 48 : index
        %swap3A_976 = tpu.vector_load %arg6[%swap3A_973, %swap3A_974, %swap3A_975] {strides = array<i32>} : memref<10x2x64xi32, #tpu.memory_space<vmem>>, vector<1x1x16xi32>,
        %swap3A_977 = vector.shape_cast %swap3A_976 : vector<1x1x16xi32> to vector<16xi32>
        %swap3A_978 = vector.shape_cast %broadcast_in_dim3A_915 : vector<16xi32> to vector<1x1x16xi32>
        tpu.vector_store %arg6[%swap3A_973, %swap3A_974, %swap3A_975], %swap3A_978 {strides = array<i32>} : memref<10x2x64xi32, #tpu.memory_space<vmem>>, vector<1x1x16xi32>,
      } else {
      }
      %dma_start3A_274 = arith.constant 0 : i32
      %dma_start3A_275 = arith.constant 0 : i32
      %dma_start3A_276 = arith.constant 0 : i32
      %dma_start3A_277 = tpu.memref_slice %arg6[%dma_start3A_274, %dma_start3A_275, %dma_start3A_276] : memref<10x2x64xi32, #tpu.memory_space<vmem>> -> memref<1x1x64xi32, #tpu.memory_space<vmem>>
      %dma_start3A_278 = tpu.memref_squeeze %dma_start3A_277 : memref<1x1x64xi32, #tpu.memory_space<vmem>> -> memref<64xi32, #tpu.memory_space<vmem>>
      %dma_start3A_279 = arith.constant 0 : i32
      %dma_start3A_280 = arith.constant 0 : i32
      %dma_start3A_281 = tpu.memref_slice %arg2[%dma_start3A_279, %dma_start3A_280] : memref<10000x128xf32, #tpu.memory_space<hbm>> -> memref<10000x128xf32, #tpu.memory_space<hbm>>
      %dma_start3A_282 = arith.constant -1 : i32
      tpu.enqueue_indirect_dma source(%dma_start3A_281 : memref<10000x128xf32, #tpu.memory_space<hbm>>) target(%arg7 : memref<64x128xf32, #tpu.memory_space<vmem>>) offsets(%dma_start3A_278 : memref<64xi32, #tpu.memory_space<vmem>>) offset_filter(%dma_start3A_282) semaphore(%arg33 : memref<!tpu.dma_semaphore, #tpu.memory_space<semaphore_mem>>)
      %ge3A_283 = arith.constant 4 : i32
      %ge3A_284 = arith.cmpi sge, %add3A_228, %ge3A_283 : i32
      %convert_element_type3A_285 = arith.extui %ge3A_284 : i1 to i32
      %cond3A_286 = arith.constant 0 : i32
      %cond3A_287 = arith.cmpi ne, %convert_element_type3A_285, %cond3A_286 : i32
      scf.if %cond3A_287 {
        %dma_wait3A_915 = arith.constant 6 : i32
        %dma_wait3A_916 = arith.constant 0 : i32
        %dma_wait3A_917 = arith.constant 0 : i32
        %dma_wait3A_918 = tpu.memref_slice %arg6[%dma_wait3A_915, %dma_wait3A_916, %dma_wait3A_917] : memref<10x2x64xi32, #tpu.memory_space<vmem>> -> memref<1x1x64xi32, #tpu.memory_space<vmem>>
        %dma_wait3A_919 = tpu.memref_squeeze %dma_wait3A_918 : memref<1x1x64xi32, #tpu.memory_space<vmem>> -> memref<64xi32, #tpu.memory_space<vmem>>
        %dma_wait3A_920 = arith.constant 0 : i32
        %dma_wait3A_921 = arith.constant 0 : i32
        %dma_wait3A_922 = tpu.memref_slice %arg2[%dma_wait3A_920, %dma_wait3A_921] : memref<10000x128xf32, #tpu.memory_space<hbm>> -> memref<10000x128xf32, #tpu.memory_space<hbm>>
        tpu.wait_indirect_dma semaphore(%arg34 : memref<!tpu.dma_semaphore, #tpu.memory_space<semaphore_mem>>) src(%dma_wait3A_922 : memref<10000x128xf32, #tpu.memory_space<hbm>>) dst(%arg8 : memref<64x128xf32, #tpu.memory_space<vmem>>)
        %dma_start3A_923 = arith.constant 6 : i32
        %dma_start3A_924 = arith.constant 1 : i32
        %dma_start3A_925 = arith.constant 0 : i32
        %dma_start3A_926 = tpu.memref_slice %arg6[%dma_start3A_923, %dma_start3A_924, %dma_start3A_925] : memref<10x2x64xi32, #tpu.memory_space<vmem>> -> memref<1x1x64xi32, #tpu.memory_space<vmem>>
        %dma_start3A_927 = tpu.memref_squeeze %dma_start3A_926 : memref<1x1x64xi32, #tpu.memory_space<vmem>> -> memref<64xi32, #tpu.memory_space<vmem>>
        %dma_start3A_928 = arith.constant 0 : i32
        %dma_start3A_929 = arith.constant 0 : i32
        %dma_start3A_930 = tpu.memref_slice %arg12[%dma_start3A_928, %dma_start3A_929] : memref<10112x128xf32, #tpu.memory_space<vmem_shared>> -> memref<10112x128xf32, #tpu.memory_space<vmem_shared>>
        %dma_start3A_931 = arith.constant -1 : i32
        tpu.enqueue_indirect_dma source(%arg8 : memref<64x128xf32, #tpu.memory_space<vmem>>) target(%dma_start3A_930 : memref<10112x128xf32, #tpu.memory_space<vmem_shared>>) offsets(%dma_start3A_927 : memref<64xi32, #tpu.memory_space<vmem>>) offset_filter(%dma_start3A_931) semaphore(%arg39 : memref<!tpu.dma_semaphore, #tpu.memory_space<semaphore_mem>>) {add = true}
      } else {
      }
      %add3A_288 = arith.constant 5 : i32
      %add3A_289 = arith.addi %add3A_228, %add3A_288 : i32
      %lt3A = arith.constant 160 : i32
      %lt3A_290 = arith.cmpi slt, %add3A_289, %lt3A : i32
      %convert_element_type3A_291 = arith.extui %lt3A_290 : i1 to i32
      %cond3A_292 = arith.constant 0 : i32
      %cond3A_293 = arith.cmpi ne, %convert_element_type3A_291, %cond3A_292 : i32
      scf.if %cond3A_293 {
        %add3A_915 = arith.constant 5 : i32
        %add3A_916 = arith.addi %add3A_228, %add3A_915 : i32
        %mul3A_917 = arith.constant 32 : i32
        %mul3A_918 = arith.muli %mul3A_917, %add3A_916 : i32
        %add3A_919 = arith.addi %add3A, %mul3A_918 : i32
        %min3A_920 = arith.constant 4999 : i32
        %min3A_921 = arith.minsi %add3A_919, %min3A_920 : i32
        %mul3A_922 = arith.constant 64 : i32
        %mul3A_923 = arith.muli %min3A_921, %mul3A_922 : i32
        %dma_start3A_924 = arith.constant 0 : i32
        %dma_start3A_925 = arith.constant 5 : i32
        %dma_start3A_926 = arith.constant 0 : i32
        %dma_start3A_927 = arith.constant 0 : i32
        %dma_start3A_928 = tpu.memref_slice %arg6[%dma_start3A_925, %dma_start3A_926, %dma_start3A_927] : memref<10x2x64xi32, #tpu.memory_space<vmem>> -> memref<1x1x64xi32, #tpu.memory_space<vmem>>
        %dma_start3A_929 = tpu.memref_squeeze %dma_start3A_928 : memref<1x1x64xi32, #tpu.memory_space<vmem>> -> memref<64xi32, #tpu.memory_space<vmem>>
        %dma_start3A_930 = tpu.memref_slice %arg3[%dma_start3A_924, %mul3A_923] : memref<2x320000xi32, #tpu.memory_space<hbm>> -> memref<1x64xi32, #tpu.memory_space<hbm>>
        %dma_start3A_931 = tpu.memref_squeeze %dma_start3A_930 : memref<1x64xi32, #tpu.memory_space<hbm>> -> memref<64xi32, #tpu.memory_space<hbm>>
        %dma_start3A_932 = arith.constant 0 : i32
        %dma_start3A_933 = tpu.memref_slice %arg6[%dma_start3A_925, %dma_start3A_926, %dma_start3A_932] : memref<10x2x64xi32, #tpu.memory_space<vmem>> -> memref<1x1x64xi32, #tpu.memory_space<vmem>>
        %dma_start3A_934 = tpu.memref_squeeze %dma_start3A_933 : memref<1x1x64xi32, #tpu.memory_space<vmem>> -> memref<64xi32, #tpu.memory_space<vmem>>
        %dma_start3A_935 = tpu.memref_slice %arg3[%dma_start3A_924, %mul3A_923] : memref<2x320000xi32, #tpu.memory_space<hbm>> -> memref<1x64xi32, #tpu.memory_space<hbm>>
        %dma_start3A_936 = tpu.memref_squeeze %dma_start3A_935 : memref<1x64xi32, #tpu.memory_space<hbm>> -> memref<64xi32, #tpu.memory_space<hbm>>
        tpu.enqueue_dma source(%dma_start3A_936 : memref<64xi32, #tpu.memory_space<hbm>>) target(%dma_start3A_934 : memref<64xi32, #tpu.memory_space<vmem>>) target_semaphore(%arg18 : memref<!tpu.dma_semaphore, #tpu.memory_space<semaphore_mem>>)
        %dma_start3A_937 = arith.constant 1 : i32
        %dma_start3A_938 = arith.constant 5 : i32
        %dma_start3A_939 = arith.constant 1 : i32
        %dma_start3A_940 = arith.constant 0 : i32
        %dma_start3A_941 = tpu.memref_slice %arg6[%dma_start3A_938, %dma_start3A_939, %dma_start3A_940] : memref<10x2x64xi32, #tpu.memory_space<vmem>> -> memref<1x1x64xi32, #tpu.memory_space<vmem>>
        %dma_start3A_942 = tpu.memref_squeeze %dma_start3A_941 : memref<1x1x64xi32, #tpu.memory_space<vmem>> -> memref<64xi32, #tpu.memory_space<vmem>>
        %dma_start3A_943 = tpu.memref_slice %arg3[%dma_start3A_937, %mul3A_923] : memref<2x320000xi32, #tpu.memory_space<hbm>> -> memref<1x64xi32, #tpu.memory_space<hbm>>
        %dma_start3A_944 = tpu.memref_squeeze %dma_start3A_943 : memref<1x64xi32, #tpu.memory_space<hbm>> -> memref<64xi32, #tpu.memory_space<hbm>>
        %dma_start3A_945 = arith.constant 0 : i32
        %dma_start3A_946 = tpu.memref_slice %arg6[%dma_start3A_938, %dma_start3A_939, %dma_start3A_945] : memref<10x2x64xi32, #tpu.memory_space<vmem>> -> memref<1x1x64xi32, #tpu.memory_space<vmem>>
        %dma_start3A_947 = tpu.memref_squeeze %dma_start3A_946 : memref<1x1x64xi32, #tpu.memory_space<vmem>> -> memref<64xi32, #tpu.memory_space<vmem>>
        %dma_start3A_948 = tpu.memref_slice %arg3[%dma_start3A_937, %mul3A_923] : memref<2x320000xi32, #tpu.memory_space<hbm>> -> memref<1x64xi32, #tpu.memory_space<hbm>>
        %dma_start3A_949 = tpu.memref_squeeze %dma_start3A_948 : memref<1x64xi32, #tpu.memory_space<hbm>> -> memref<64xi32, #tpu.memory_space<hbm>>
        tpu.enqueue_dma source(%dma_start3A_949 : memref<64xi32, #tpu.memory_space<hbm>>) target(%dma_start3A_947 : memref<64xi32, #tpu.memory_space<vmem>>) target_semaphore(%arg28 : memref<!tpu.dma_semaphore, #tpu.memory_space<semaphore_mem>>)
      } else {
      }
      %add3A_294 = arith.constant 1 : i32
      %add3A_295 = arith.addi %add3A_226, %add3A_294 : i32
      %ge3A_296 = arith.constant 5 : i32
      %ge3A_297 = arith.cmpi sge, %add3A_295, %ge3A_296 : i32
      %convert_element_type3A_298 = arith.extui %ge3A_297 : i1 to i32
      %cond3A_299 = arith.constant 0 : i32
      %cond3A_300 = arith.cmpi ne, %convert_element_type3A_298, %cond3A_299 : i32
      scf.if %cond3A_300 {
        %dma_wait3A_915 = arith.constant 6 : i32
        %dma_wait3A_916 = arith.constant 1 : i32
        %dma_wait3A_917 = arith.constant 0 : i32
        %dma_wait3A_918 = tpu.memref_slice %arg6[%dma_wait3A_915, %dma_wait3A_916, %dma_wait3A_917] : memref<10x2x64xi32, #tpu.memory_space<vmem>> -> memref<1x1x64xi32, #tpu.memory_space<vmem>>
        %dma_wait3A_919 = tpu.memref_squeeze %dma_wait3A_918 : memref<1x1x64xi32, #tpu.memory_space<vmem>> -> memref<64xi32, #tpu.memory_space<vmem>>
        %dma_wait3A_920 = arith.constant 0 : i32
        %dma_wait3A_921 = arith.constant 0 : i32
        %dma_wait3A_922 = tpu.memref_slice %arg12[%dma_wait3A_920, %dma_wait3A_921] : memref<10112x128xf32, #tpu.memory_space<vmem_shared>> -> memref<10112x128xf32, #tpu.memory_space<vmem_shared>>
        tpu.wait_indirect_dma semaphore(%arg39 : memref<!tpu.dma_semaphore, #tpu.memory_space<semaphore_mem>>) src(%arg8 : memref<64x128xf32, #tpu.memory_space<vmem>>) dst(%dma_wait3A_922 : memref<10112x128xf32, #tpu.memory_space<vmem_shared>>)
      } else {
      }
      %mul3A_301 = arith.constant 32 : i32
      %mul3A_302 = arith.muli %mul3A_301, %add3A_295 : i32
      %add3A_303 = arith.addi %add3A, %mul3A_302 : i32
      %min3A_304 = arith.constant 4999 : i32
      %min3A_305 = arith.minsi %add3A_303, %min3A_304 : i32
      %mul3A_306 = arith.constant 64 : i32
      %mul3A_307 = arith.muli %min3A_305, %mul3A_306 : i32
      %dma_wait3A_308 = arith.constant 0 : i32
      %dma_wait3A_309 = arith.constant 1 : i32
      %dma_wait3A_310 = arith.constant 0 : i32
      %dma_wait3A_311 = arith.constant 0 : i32
      %dma_wait3A_312 = tpu.memref_slice %arg6[%dma_wait3A_309, %dma_wait3A_310, %dma_wait3A_311] : memref<10x2x64xi32, #tpu.memory_space<vmem>> -> memref<1x1x64xi32, #tpu.memory_space<vmem>>
      %dma_wait3A_313 = tpu.memref_squeeze %dma_wait3A_312 : memref<1x1x64xi32, #tpu.memory_space<vmem>> -> memref<64xi32, #tpu.memory_space<vmem>>
      %dma_wait3A_314 = tpu.memref_slice %arg3[%dma_wait3A_308, %mul3A_307] : memref<2x320000xi32, #tpu.memory_space<hbm>> -> memref<1x64xi32, #tpu.memory_space<hbm>>
      %dma_wait3A_315 = tpu.memref_squeeze %dma_wait3A_314 : memref<1x64xi32, #tpu.memory_space<hbm>> -> memref<64xi32, #tpu.memory_space<hbm>>
      %dma_wait3A_316 = arith.constant 0 : i32
      %dma_wait3A_317 = tpu.memref_slice %arg6[%dma_wait3A_309, %dma_wait3A_310, %dma_wait3A_316] : memref<10x2x64xi32, #tpu.memory_space<vmem>> -> memref<1x1x64xi32, #tpu.memory_space<vmem>>
      %dma_wait3A_318 = tpu.memref_squeeze %dma_wait3A_317 : memref<1x1x64xi32, #tpu.memory_space<vmem>> -> memref<64xi32, #tpu.memory_space<vmem>>
      %dma_wait3A_319 = tpu.memref_slice %arg3[%dma_wait3A_308, %mul3A_307] : memref<2x320000xi32, #tpu.memory_space<hbm>> -> memref<1x64xi32, #tpu.memory_space<hbm>>
      %dma_wait3A_320 = tpu.memref_squeeze %dma_wait3A_319 : memref<1x64xi32, #tpu.memory_space<hbm>> -> memref<64xi32, #tpu.memory_space<hbm>>
      tpu.wait_dma2 semaphore(%arg14 : memref<!tpu.dma_semaphore, #tpu.memory_space<semaphore_mem>>) src(%dma_wait3A_320 : memref<64xi32, #tpu.memory_space<hbm>>) dst(%dma_wait3A_318 : memref<64xi32, #tpu.memory_space<vmem>>)
      %dma_wait3A_321 = arith.constant 1 : i32
      %dma_wait3A_322 = arith.constant 1 : i32
      %dma_wait3A_323 = arith.constant 1 : i32
      %dma_wait3A_324 = arith.constant 0 : i32
      %dma_wait3A_325 = tpu.memref_slice %arg6[%dma_wait3A_322, %dma_wait3A_323, %dma_wait3A_324] : memref<10x2x64xi32, #tpu.memory_space<vmem>> -> memref<1x1x64xi32, #tpu.memory_space<vmem>>
      %dma_wait3A_326 = tpu.memref_squeeze %dma_wait3A_325 : memref<1x1x64xi32, #tpu.memory_space<vmem>> -> memref<64xi32, #tpu.memory_space<vmem>>
      %dma_wait3A_327 = tpu.memref_slice %arg3[%dma_wait3A_321, %mul3A_307] : memref<2x320000xi32, #tpu.memory_space<hbm>> -> memref<1x64xi32, #tpu.memory_space<hbm>>
      %dma_wait3A_328 = tpu.memref_squeeze %dma_wait3A_327 : memref<1x64xi32, #tpu.memory_space<hbm>> -> memref<64xi32, #tpu.memory_space<hbm>>
      %dma_wait3A_329 = arith.constant 0 : i32
      %dma_wait3A_330 = tpu.memref_slice %arg6[%dma_wait3A_322, %dma_wait3A_323, %dma_wait3A_329] : memref<10x2x64xi32, #tpu.memory_space<vmem>> -> memref<1x1x64xi32, #tpu.memory_space<vmem>>
      %dma_wait3A_331 = tpu.memref_squeeze %dma_wait3A_330 : memref<1x1x64xi32, #tpu.memory_space<vmem>> -> memref<64xi32, #tpu.memory_space<vmem>>
      %dma_wait3A_332 = tpu.memref_slice %arg3[%dma_wait3A_321, %mul3A_307] : memref<2x320000xi32, #tpu.memory_space<hbm>> -> memref<1x64xi32, #tpu.memory_space<hbm>>
      %dma_wait3A_333 = tpu.memref_squeeze %dma_wait3A_332 : memref<1x64xi32, #tpu.memory_space<hbm>> -> memref<64xi32, #tpu.memory_space<hbm>>
      tpu.wait_dma2 semaphore(%arg24 : memref<!tpu.dma_semaphore, #tpu.memory_space<semaphore_mem>>) src(%dma_wait3A_333 : memref<64xi32, #tpu.memory_space<hbm>>) dst(%dma_wait3A_331 : memref<64xi32, #tpu.memory_space<vmem>>)
      %mul3A_334 = arith.constant 32 : i32
      %mul3A_335 = arith.muli %mul3A_334, %add3A_295 : i32
      %add3A_336 = arith.addi %add3A, %mul3A_335 : i32
      %ge3A_337 = arith.constant 5000 : i32
      %ge3A_338 = arith.cmpi sge, %add3A_336, %ge3A_337 : i32
      %convert_element_type3A_339 = arith.extui %ge3A_338 : i1 to i32
      %cond3A_340 = arith.constant 0 : i32
      %cond3A_341 = arith.cmpi ne, %convert_element_type3A_339, %cond3A_340 : i32
      scf.if %cond3A_341 {
        %broadcast_in_dim3A = arith.constant -1 : i32
        %broadcast_in_dim3A_915 = vector.broadcast %broadcast_in_dim3A : i32 to vector<16xi32>
        %swap3A = arith.constant 1 : i32
        %swap3A_916 = arith.constant 0 : i32
        %swap3A_917 = arith.index_cast %swap3A : i32 to index
        %swap3A_918 = arith.index_cast %swap3A_916 : i32 to index
        %swap3A_919 = arith.constant 0 : index
        %swap3A_920 = tpu.vector_load %arg6[%swap3A_917, %swap3A_918, %swap3A_919] {strides = array<i32>} : memref<10x2x64xi32, #tpu.memory_space<vmem>>, vector<1x1x16xi32>,
        %swap3A_921 = vector.shape_cast %swap3A_920 : vector<1x1x16xi32> to vector<16xi32>
        %swap3A_922 = vector.shape_cast %broadcast_in_dim3A_915 : vector<16xi32> to vector<1x1x16xi32>
        tpu.vector_store %arg6[%swap3A_917, %swap3A_918, %swap3A_919], %swap3A_922 {strides = array<i32>} : memref<10x2x64xi32, #tpu.memory_space<vmem>>, vector<1x1x16xi32>,
        %swap3A_923 = arith.constant 1 : i32
        %swap3A_924 = arith.constant 0 : i32
        %swap3A_925 = arith.index_cast %swap3A_923 : i32 to index
        %swap3A_926 = arith.index_cast %swap3A_924 : i32 to index
        %swap3A_927 = arith.constant 16 : index
        %swap3A_928 = tpu.vector_load %arg6[%swap3A_925, %swap3A_926, %swap3A_927] {strides = array<i32>} : memref<10x2x64xi32, #tpu.memory_space<vmem>>, vector<1x1x16xi32>,
        %swap3A_929 = vector.shape_cast %swap3A_928 : vector<1x1x16xi32> to vector<16xi32>
        %swap3A_930 = vector.shape_cast %broadcast_in_dim3A_915 : vector<16xi32> to vector<1x1x16xi32>
        tpu.vector_store %arg6[%swap3A_925, %swap3A_926, %swap3A_927], %swap3A_930 {strides = array<i32>} : memref<10x2x64xi32, #tpu.memory_space<vmem>>, vector<1x1x16xi32>,
        %swap3A_931 = arith.constant 1 : i32
        %swap3A_932 = arith.constant 0 : i32
        %swap3A_933 = arith.index_cast %swap3A_931 : i32 to index
        %swap3A_934 = arith.index_cast %swap3A_932 : i32 to index
        %swap3A_935 = arith.constant 32 : index
        %swap3A_936 = tpu.vector_load %arg6[%swap3A_933, %swap3A_934, %swap3A_935] {strides = array<i32>} : memref<10x2x64xi32, #tpu.memory_space<vmem>>, vector<1x1x16xi32>,
        %swap3A_937 = vector.shape_cast %swap3A_936 : vector<1x1x16xi32> to vector<16xi32>
        %swap3A_938 = vector.shape_cast %broadcast_in_dim3A_915 : vector<16xi32> to vector<1x1x16xi32>
        tpu.vector_store %arg6[%swap3A_933, %swap3A_934, %swap3A_935], %swap3A_938 {strides = array<i32>} : memref<10x2x64xi32, #tpu.memory_space<vmem>>, vector<1x1x16xi32>,
        %swap3A_939 = arith.constant 1 : i32
        %swap3A_940 = arith.constant 0 : i32
        %swap3A_941 = arith.index_cast %swap3A_939 : i32 to index
        %swap3A_942 = arith.index_cast %swap3A_940 : i32 to index
        %swap3A_943 = arith.constant 48 : index
        %swap3A_944 = tpu.vector_load %arg6[%swap3A_941, %swap3A_942, %swap3A_943] {strides = array<i32>} : memref<10x2x64xi32, #tpu.memory_space<vmem>>, vector<1x1x16xi32>,
        %swap3A_945 = vector.shape_cast %swap3A_944 : vector<1x1x16xi32> to vector<16xi32>
        %swap3A_946 = vector.shape_cast %broadcast_in_dim3A_915 : vector<16xi32> to vector<1x1x16xi32>
        tpu.vector_store %arg6[%swap3A_941, %swap3A_942, %swap3A_943], %swap3A_946 {strides = array<i32>} : memref<10x2x64xi32, #tpu.memory_space<vmem>>, vector<1x1x16xi32>,
        %swap3A_947 = arith.constant 1 : i32
        %swap3A_948 = arith.constant 1 : i32
        %swap3A_949 = arith.index_cast %swap3A_947 : i32 to index
        %swap3A_950 = arith.index_cast %swap3A_948 : i32 to index
        %swap3A_951 = arith.constant 0 : index
        %swap3A_952 = tpu.vector_load %arg6[%swap3A_949, %swap3A_950, %swap3A_951] {strides = array<i32>} : memref<10x2x64xi32, #tpu.memory_space<vmem>>, vector<1x1x16xi32>,
        %swap3A_953 = vector.shape_cast %swap3A_952 : vector<1x1x16xi32> to vector<16xi32>
        %swap3A_954 = vector.shape_cast %broadcast_in_dim3A_915 : vector<16xi32> to vector<1x1x16xi32>
        tpu.vector_store %arg6[%swap3A_949, %swap3A_950, %swap3A_951], %swap3A_954 {strides = array<i32>} : memref<10x2x64xi32, #tpu.memory_space<vmem>>, vector<1x1x16xi32>,
        %swap3A_955 = arith.constant 1 : i32
        %swap3A_956 = arith.constant 1 : i32
        %swap3A_957 = arith.index_cast %swap3A_955 : i32 to index
        %swap3A_958 = arith.index_cast %swap3A_956 : i32 to index
        %swap3A_959 = arith.constant 16 : index
        %swap3A_960 = tpu.vector_load %arg6[%swap3A_957, %swap3A_958, %swap3A_959] {strides = array<i32>} : memref<10x2x64xi32, #tpu.memory_space<vmem>>, vector<1x1x16xi32>,
        %swap3A_961 = vector.shape_cast %swap3A_960 : vector<1x1x16xi32> to vector<16xi32>
        %swap3A_962 = vector.shape_cast %broadcast_in_dim3A_915 : vector<16xi32> to vector<1x1x16xi32>
        tpu.vector_store %arg6[%swap3A_957, %swap3A_958, %swap3A_959], %swap3A_962 {strides = array<i32>} : memref<10x2x64xi32, #tpu.memory_space<vmem>>, vector<1x1x16xi32>,
        %swap3A_963 = arith.constant 1 : i32
        %swap3A_964 = arith.constant 1 : i32
        %swap3A_965 = arith.index_cast %swap3A_963 : i32 to index
        %swap3A_966 = arith.index_cast %swap3A_964 : i32 to index
        %swap3A_967 = arith.constant 32 : index
        %swap3A_968 = tpu.vector_load %arg6[%swap3A_965, %swap3A_966, %swap3A_967] {strides = array<i32>} : memref<10x2x64xi32, #tpu.memory_space<vmem>>, vector<1x1x16xi32>,
        %swap3A_969 = vector.shape_cast %swap3A_968 : vector<1x1x16xi32> to vector<16xi32>
        %swap3A_970 = vector.shape_cast %broadcast_in_dim3A_915 : vector<16xi32> to vector<1x1x16xi32>
        tpu.vector_store %arg6[%swap3A_965, %swap3A_966, %swap3A_967], %swap3A_970 {strides = array<i32>} : memref<10x2x64xi32, #tpu.memory_space<vmem>>, vector<1x1x16xi32>,
        %swap3A_971 = arith.constant 1 : i32
        %swap3A_972 = arith.constant 1 : i32
        %swap3A_973 = arith.index_cast %swap3A_971 : i32 to index
        %swap3A_974 = arith.index_cast %swap3A_972 : i32 to index
        %swap3A_975 = arith.constant 48 : index
        %swap3A_976 = tpu.vector_load %arg6[%swap3A_973, %swap3A_974, %swap3A_975] {strides = array<i32>} : memref<10x2x64xi32, #tpu.memory_space<vmem>>, vector<1x1x16xi32>,
        %swap3A_977 = vector.shape_cast %swap3A_976 : vector<1x1x16xi32> to vector<16xi32>
        %swap3A_978 = vector.shape_cast %broadcast_in_dim3A_915 : vector<16xi32> to vector<1x1x16xi32>
        tpu.vector_store %arg6[%swap3A_973, %swap3A_974, %swap3A_975], %swap3A_978 {strides = array<i32>} : memref<10x2x64xi32, #tpu.memory_space<vmem>>, vector<1x1x16xi32>,
      } else {
      }
      %dma_start3A_342 = arith.constant 1 : i32
      %dma_start3A_343 = arith.constant 0 : i32
      %dma_start3A_344 = arith.constant 0 : i32
      %dma_start3A_345 = tpu.memref_slice %arg6[%dma_start3A_342, %dma_start3A_343, %dma_start3A_344] : memref<10x2x64xi32, #tpu.memory_space<vmem>> -> memref<1x1x64xi32, #tpu.memory_space<vmem>>
      %dma_start3A_346 = tpu.memref_squeeze %dma_start3A_345 : memref<1x1x64xi32, #tpu.memory_space<vmem>> -> memref<64xi32, #tpu.memory_space<vmem>>
      %dma_start3A_347 = arith.constant 0 : i32
      %dma_start3A_348 = arith.constant 0 : i32
      %dma_start3A_349 = tpu.memref_slice %arg2[%dma_start3A_347, %dma_start3A_348] : memref<10000x128xf32, #tpu.memory_space<hbm>> -> memref<10000x128xf32, #tpu.memory_space<hbm>>
      %dma_start3A_350 = arith.constant -1 : i32
      tpu.enqueue_indirect_dma source(%dma_start3A_349 : memref<10000x128xf32, #tpu.memory_space<hbm>>) target(%arg8 : memref<64x128xf32, #tpu.memory_space<vmem>>) offsets(%dma_start3A_346 : memref<64xi32, #tpu.memory_space<vmem>>) offset_filter(%dma_start3A_350) semaphore(%arg34 : memref<!tpu.dma_semaphore, #tpu.memory_space<semaphore_mem>>)
      %ge3A_351 = arith.constant 4 : i32
      %ge3A_352 = arith.cmpi sge, %add3A_295, %ge3A_351 : i32
      %convert_element_type3A_353 = arith.extui %ge3A_352 : i1 to i32
      %cond3A_354 = arith.constant 0 : i32
      %cond3A_355 = arith.cmpi ne, %convert_element_type3A_353, %cond3A_354 : i32
      scf.if %cond3A_355 {
        %dma_wait3A_915 = arith.constant 7 : i32
        %dma_wait3A_916 = arith.constant 0 : i32
        %dma_wait3A_917 = arith.constant 0 : i32
        %dma_wait3A_918 = tpu.memref_slice %arg6[%dma_wait3A_915, %dma_wait3A_916, %dma_wait3A_917] : memref<10x2x64xi32, #tpu.memory_space<vmem>> -> memref<1x1x64xi32, #tpu.memory_space<vmem>>
        %dma_wait3A_919 = tpu.memref_squeeze %dma_wait3A_918 : memref<1x1x64xi32, #tpu.memory_space<vmem>> -> memref<64xi32, #tpu.memory_space<vmem>>
        %dma_wait3A_920 = arith.constant 0 : i32
        %dma_wait3A_921 = arith.constant 0 : i32
        %dma_wait3A_922 = tpu.memref_slice %arg2[%dma_wait3A_920, %dma_wait3A_921] : memref<10000x128xf32, #tpu.memory_space<hbm>> -> memref<10000x128xf32, #tpu.memory_space<hbm>>
        tpu.wait_indirect_dma semaphore(%arg35 : memref<!tpu.dma_semaphore, #tpu.memory_space<semaphore_mem>>) src(%dma_wait3A_922 : memref<10000x128xf32, #tpu.memory_space<hbm>>) dst(%arg9 : memref<64x128xf32, #tpu.memory_space<vmem>>)
        %dma_start3A_923 = arith.constant 7 : i32
        %dma_start3A_924 = arith.constant 1 : i32
        %dma_start3A_925 = arith.constant 0 : i32
        %dma_start3A_926 = tpu.memref_slice %arg6[%dma_start3A_923, %dma_start3A_924, %dma_start3A_925] : memref<10x2x64xi32, #tpu.memory_space<vmem>> -> memref<1x1x64xi32, #tpu.memory_space<vmem>>
        %dma_start3A_927 = tpu.memref_squeeze %dma_start3A_926 : memref<1x1x64xi32, #tpu.memory_space<vmem>> -> memref<64xi32, #tpu.memory_space<vmem>>
        %dma_start3A_928 = arith.constant 0 : i32
        %dma_start3A_929 = arith.constant 0 : i32
        %dma_start3A_930 = tpu.memref_slice %arg12[%dma_start3A_928, %dma_start3A_929] : memref<10112x128xf32, #tpu.memory_space<vmem_shared>> -> memref<10112x128xf32, #tpu.memory_space<vmem_shared>>
        %dma_start3A_931 = arith.constant -1 : i32
        tpu.enqueue_indirect_dma source(%arg9 : memref<64x128xf32, #tpu.memory_space<vmem>>) target(%dma_start3A_930 : memref<10112x128xf32, #tpu.memory_space<vmem_shared>>) offsets(%dma_start3A_927 : memref<64xi32, #tpu.memory_space<vmem>>) offset_filter(%dma_start3A_931) semaphore(%arg40 : memref<!tpu.dma_semaphore, #tpu.memory_space<semaphore_mem>>) {add = true}
      } else {
      }
      %add3A_356 = arith.constant 5 : i32
      %add3A_357 = arith.addi %add3A_295, %add3A_356 : i32
      %lt3A_358 = arith.constant 160 : i32
      %lt3A_359 = arith.cmpi slt, %add3A_357, %lt3A_358 : i32
      %convert_element_type3A_360 = arith.extui %lt3A_359 : i1 to i32
      %cond3A_361 = arith.constant 0 : i32
      %cond3A_362 = arith.cmpi ne, %convert_element_type3A_360, %cond3A_361 : i32
      scf.if %cond3A_362 {
        %add3A_915 = arith.constant 5 : i32
        %add3A_916 = arith.addi %add3A_295, %add3A_915 : i32
        %mul3A_917 = arith.constant 32 : i32
        %mul3A_918 = arith.muli %mul3A_917, %add3A_916 : i32
        %add3A_919 = arith.addi %add3A, %mul3A_918 : i32
        %min3A_920 = arith.constant 4999 : i32
        %min3A_921 = arith.minsi %add3A_919, %min3A_920 : i32
        %mul3A_922 = arith.constant 64 : i32
        %mul3A_923 = arith.muli %min3A_921, %mul3A_922 : i32
        %dma_start3A_924 = arith.constant 0 : i32
        %dma_start3A_925 = arith.constant 6 : i32
        %dma_start3A_926 = arith.constant 0 : i32
        %dma_start3A_927 = arith.constant 0 : i32
        %dma_start3A_928 = tpu.memref_slice %arg6[%dma_start3A_925, %dma_start3A_926, %dma_start3A_927] : memref<10x2x64xi32, #tpu.memory_space<vmem>> -> memref<1x1x64xi32, #tpu.memory_space<vmem>>
        %dma_start3A_929 = tpu.memref_squeeze %dma_start3A_928 : memref<1x1x64xi32, #tpu.memory_space<vmem>> -> memref<64xi32, #tpu.memory_space<vmem>>
        %dma_start3A_930 = tpu.memref_slice %arg3[%dma_start3A_924, %mul3A_923] : memref<2x320000xi32, #tpu.memory_space<hbm>> -> memref<1x64xi32, #tpu.memory_space<hbm>>
        %dma_start3A_931 = tpu.memref_squeeze %dma_start3A_930 : memref<1x64xi32, #tpu.memory_space<hbm>> -> memref<64xi32, #tpu.memory_space<hbm>>
        %dma_start3A_932 = arith.constant 0 : i32
        %dma_start3A_933 = tpu.memref_slice %arg6[%dma_start3A_925, %dma_start3A_926, %dma_start3A_932] : memref<10x2x64xi32, #tpu.memory_space<vmem>> -> memref<1x1x64xi32, #tpu.memory_space<vmem>>
        %dma_start3A_934 = tpu.memref_squeeze %dma_start3A_933 : memref<1x1x64xi32, #tpu.memory_space<vmem>> -> memref<64xi32, #tpu.memory_space<vmem>>
        %dma_start3A_935 = tpu.memref_slice %arg3[%dma_start3A_924, %mul3A_923] : memref<2x320000xi32, #tpu.memory_space<hbm>> -> memref<1x64xi32, #tpu.memory_space<hbm>>
        %dma_start3A_936 = tpu.memref_squeeze %dma_start3A_935 : memref<1x64xi32, #tpu.memory_space<hbm>> -> memref<64xi32, #tpu.memory_space<hbm>>
        tpu.enqueue_dma source(%dma_start3A_936 : memref<64xi32, #tpu.memory_space<hbm>>) target(%dma_start3A_934 : memref<64xi32, #tpu.memory_space<vmem>>) target_semaphore(%arg19 : memref<!tpu.dma_semaphore, #tpu.memory_space<semaphore_mem>>)
        %dma_start3A_937 = arith.constant 1 : i32
        %dma_start3A_938 = arith.constant 6 : i32
        %dma_start3A_939 = arith.constant 1 : i32
        %dma_start3A_940 = arith.constant 0 : i32
        %dma_start3A_941 = tpu.memref_slice %arg6[%dma_start3A_938, %dma_start3A_939, %dma_start3A_940] : memref<10x2x64xi32, #tpu.memory_space<vmem>> -> memref<1x1x64xi32, #tpu.memory_space<vmem>>
        %dma_start3A_942 = tpu.memref_squeeze %dma_start3A_941 : memref<1x1x64xi32, #tpu.memory_space<vmem>> -> memref<64xi32, #tpu.memory_space<vmem>>
        %dma_start3A_943 = tpu.memref_slice %arg3[%dma_start3A_937, %mul3A_923] : memref<2x320000xi32, #tpu.memory_space<hbm>> -> memref<1x64xi32, #tpu.memory_space<hbm>>
        %dma_start3A_944 = tpu.memref_squeeze %dma_start3A_943 : memref<1x64xi32, #tpu.memory_space<hbm>> -> memref<64xi32, #tpu.memory_space<hbm>>
        %dma_start3A_945 = arith.constant 0 : i32
        %dma_start3A_946 = tpu.memref_slice %arg6[%dma_start3A_938, %dma_start3A_939, %dma_start3A_945] : memref<10x2x64xi32, #tpu.memory_space<vmem>> -> memref<1x1x64xi32, #tpu.memory_space<vmem>>
        %dma_start3A_947 = tpu.memref_squeeze %dma_start3A_946 : memref<1x1x64xi32, #tpu.memory_space<vmem>> -> memref<64xi32, #tpu.memory_space<vmem>>
        %dma_start3A_948 = tpu.memref_slice %arg3[%dma_start3A_937, %mul3A_923] : memref<2x320000xi32, #tpu.memory_space<hbm>> -> memref<1x64xi32, #tpu.memory_space<hbm>>
        %dma_start3A_949 = tpu.memref_squeeze %dma_start3A_948 : memref<1x64xi32, #tpu.memory_space<hbm>> -> memref<64xi32, #tpu.memory_space<hbm>>
        tpu.enqueue_dma source(%dma_start3A_949 : memref<64xi32, #tpu.memory_space<hbm>>) target(%dma_start3A_947 : memref<64xi32, #tpu.memory_space<vmem>>) target_semaphore(%arg29 : memref<!tpu.dma_semaphore, #tpu.memory_space<semaphore_mem>>)
      } else {
      }
      %add3A_363 = arith.constant 2 : i32
      %add3A_364 = arith.addi %add3A_226, %add3A_363 : i32
      %ge3A_365 = arith.constant 5 : i32
      %ge3A_366 = arith.cmpi sge, %add3A_364, %ge3A_365 : i32
      %convert_element_type3A_367 = arith.extui %ge3A_366 : i1 to i32
      %cond3A_368 = arith.constant 0 : i32
      %cond3A_369 = arith.cmpi ne, %convert_element_type3A_367, %cond3A_368 : i32
      scf.if %cond3A_369 {
        %dma_wait3A_915 = arith.constant 7 : i32
        %dma_wait3A_916 = arith.constant 1 : i32
        %dma_wait3A_917 = arith.constant 0 : i32
        %dma_wait3A_918 = tpu.memref_slice %arg6[%dma_wait3A_915, %dma_wait3A_916, %dma_wait3A_917] : memref<10x2x64xi32, #tpu.memory_space<vmem>> -> memref<1x1x64xi32, #tpu.memory_space<vmem>>
        %dma_wait3A_919 = tpu.memref_squeeze %dma_wait3A_918 : memref<1x1x64xi32, #tpu.memory_space<vmem>> -> memref<64xi32, #tpu.memory_space<vmem>>
        %dma_wait3A_920 = arith.constant 0 : i32
        %dma_wait3A_921 = arith.constant 0 : i32
        %dma_wait3A_922 = tpu.memref_slice %arg12[%dma_wait3A_920, %dma_wait3A_921] : memref<10112x128xf32, #tpu.memory_space<vmem_shared>> -> memref<10112x128xf32, #tpu.memory_space<vmem_shared>>
        tpu.wait_indirect_dma semaphore(%arg40 : memref<!tpu.dma_semaphore, #tpu.memory_space<semaphore_mem>>) src(%arg9 : memref<64x128xf32, #tpu.memory_space<vmem>>) dst(%dma_wait3A_922 : memref<10112x128xf32, #tpu.memory_space<vmem_shared>>)
      } else {
      }
      %mul3A_370 = arith.constant 32 : i32
      %mul3A_371 = arith.muli %mul3A_370, %add3A_364 : i32
      %add3A_372 = arith.addi %add3A, %mul3A_371 : i32
      %min3A_373 = arith.constant 4999 : i32
      %min3A_374 = arith.minsi %add3A_372, %min3A_373 : i32
      %mul3A_375 = arith.constant 64 : i32
      %mul3A_376 = arith.muli %min3A_374, %mul3A_375 : i32
      %dma_wait3A_377 = arith.constant 0 : i32
      %dma_wait3A_378 = arith.constant 2 : i32
      %dma_wait3A_379 = arith.constant 0 : i32
      %dma_wait3A_380 = arith.constant 0 : i32
      %dma_wait3A_381 = tpu.memref_slice %arg6[%dma_wait3A_378, %dma_wait3A_379, %dma_wait3A_380] : memref<10x2x64xi32, #tpu.memory_space<vmem>> -> memref<1x1x64xi32, #tpu.memory_space<vmem>>
      %dma_wait3A_382 = tpu.memref_squeeze %dma_wait3A_381 : memref<1x1x64xi32, #tpu.memory_space<vmem>> -> memref<64xi32, #tpu.memory_space<vmem>>
      %dma_wait3A_383 = tpu.memref_slice %arg3[%dma_wait3A_377, %mul3A_376] : memref<2x320000xi32, #tpu.memory_space<hbm>> -> memref<1x64xi32, #tpu.memory_space<hbm>>
      %dma_wait3A_384 = tpu.memref_squeeze %dma_wait3A_383 : memref<1x64xi32, #tpu.memory_space<hbm>> -> memref<64xi32, #tpu.memory_space<hbm>>
      %dma_wait3A_385 = arith.constant 0 : i32
      %dma_wait3A_386 = tpu.memref_slice %arg6[%dma_wait3A_378, %dma_wait3A_379, %dma_wait3A_385] : memref<10x2x64xi32, #tpu.memory_space<vmem>> -> memref<1x1x64xi32, #tpu.memory_space<vmem>>
      %dma_wait3A_387 = tpu.memref_squeeze %dma_wait3A_386 : memref<1x1x64xi32, #tpu.memory_space<vmem>> -> memref<64xi32, #tpu.memory_space<vmem>>
      %dma_wait3A_388 = tpu.memref_slice %arg3[%dma_wait3A_377, %mul3A_376] : memref<2x320000xi32, #tpu.memory_space<hbm>> -> memref<1x64xi32, #tpu.memory_space<hbm>>
      %dma_wait3A_389 = tpu.memref_squeeze %dma_wait3A_388 : memref<1x64xi32, #tpu.memory_space<hbm>> -> memref<64xi32, #tpu.memory_space<hbm>>
      tpu.wait_dma2 semaphore(%arg15 : memref<!tpu.dma_semaphore, #tpu.memory_space<semaphore_mem>>) src(%dma_wait3A_389 : memref<64xi32, #tpu.memory_space<hbm>>) dst(%dma_wait3A_387 : memref<64xi32, #tpu.memory_space<vmem>>)
      %dma_wait3A_390 = arith.constant 1 : i32
      %dma_wait3A_391 = arith.constant 2 : i32
      %dma_wait3A_392 = arith.constant 1 : i32
      %dma_wait3A_393 = arith.constant 0 : i32
      %dma_wait3A_394 = tpu.memref_slice %arg6[%dma_wait3A_391, %dma_wait3A_392, %dma_wait3A_393] : memref<10x2x64xi32, #tpu.memory_space<vmem>> -> memref<1x1x64xi32, #tpu.memory_space<vmem>>
      %dma_wait3A_395 = tpu.memref_squeeze %dma_wait3A_394 : memref<1x1x64xi32, #tpu.memory_space<vmem>> -> memref<64xi32, #tpu.memory_space<vmem>>
      %dma_wait3A_396 = tpu.memref_slice %arg3[%dma_wait3A_390, %mul3A_376] : memref<2x320000xi32, #tpu.memory_space<hbm>> -> memref<1x64xi32, #tpu.memory_space<hbm>>
      %dma_wait3A_397 = tpu.memref_squeeze %dma_wait3A_396 : memref<1x64xi32, #tpu.memory_space<hbm>> -> memref<64xi32, #tpu.memory_space<hbm>>
      %dma_wait3A_398 = arith.constant 0 : i32
      %dma_wait3A_399 = tpu.memref_slice %arg6[%dma_wait3A_391, %dma_wait3A_392, %dma_wait3A_398] : memref<10x2x64xi32, #tpu.memory_space<vmem>> -> memref<1x1x64xi32, #tpu.memory_space<vmem>>
      %dma_wait3A_400 = tpu.memref_squeeze %dma_wait3A_399 : memref<1x1x64xi32, #tpu.memory_space<vmem>> -> memref<64xi32, #tpu.memory_space<vmem>>
      %dma_wait3A_401 = tpu.memref_slice %arg3[%dma_wait3A_390, %mul3A_376] : memref<2x320000xi32, #tpu.memory_space<hbm>> -> memref<1x64xi32, #tpu.memory_space<hbm>>
      %dma_wait3A_402 = tpu.memref_squeeze %dma_wait3A_401 : memref<1x64xi32, #tpu.memory_space<hbm>> -> memref<64xi32, #tpu.memory_space<hbm>>
      tpu.wait_dma2 semaphore(%arg25 : memref<!tpu.dma_semaphore, #tpu.memory_space<semaphore_mem>>) src(%dma_wait3A_402 : memref<64xi32, #tpu.memory_space<hbm>>) dst(%dma_wait3A_400 : memref<64xi32, #tpu.memory_space<vmem>>)
      %mul3A_403 = arith.constant 32 : i32
      %mul3A_404 = arith.muli %mul3A_403, %add3A_364 : i32
      %add3A_405 = arith.addi %add3A, %mul3A_404 : i32
      %ge3A_406 = arith.constant 5000 : i32
      %ge3A_407 = arith.cmpi sge, %add3A_405, %ge3A_406 : i32
      %convert_element_type3A_408 = arith.extui %ge3A_407 : i1 to i32
      %cond3A_409 = arith.constant 0 : i32
      %cond3A_410 = arith.cmpi ne, %convert_element_type3A_408, %cond3A_409 : i32
      scf.if %cond3A_410 {
        %broadcast_in_dim3A = arith.constant -1 : i32
        %broadcast_in_dim3A_915 = vector.broadcast %broadcast_in_dim3A : i32 to vector<16xi32>
        %swap3A = arith.constant 2 : i32
        %swap3A_916 = arith.constant 0 : i32
        %swap3A_917 = arith.index_cast %swap3A : i32 to index
        %swap3A_918 = arith.index_cast %swap3A_916 : i32 to index
        %swap3A_919 = arith.constant 0 : index
        %swap3A_920 = tpu.vector_load %arg6[%swap3A_917, %swap3A_918, %swap3A_919] {strides = array<i32>} : memref<10x2x64xi32, #tpu.memory_space<vmem>>, vector<1x1x16xi32>,
        %swap3A_921 = vector.shape_cast %swap3A_920 : vector<1x1x16xi32> to vector<16xi32>
        %swap3A_922 = vector.shape_cast %broadcast_in_dim3A_915 : vector<16xi32> to vector<1x1x16xi32>
        tpu.vector_store %arg6[%swap3A_917, %swap3A_918, %swap3A_919], %swap3A_922 {strides = array<i32>} : memref<10x2x64xi32, #tpu.memory_space<vmem>>, vector<1x1x16xi32>,
        %swap3A_923 = arith.constant 2 : i32
        %swap3A_924 = arith.constant 0 : i32
        %swap3A_925 = arith.index_cast %swap3A_923 : i32 to index
        %swap3A_926 = arith.index_cast %swap3A_924 : i32 to index
        %swap3A_927 = arith.constant 16 : index
        %swap3A_928 = tpu.vector_load %arg6[%swap3A_925, %swap3A_926, %swap3A_927] {strides = array<i32>} : memref<10x2x64xi32, #tpu.memory_space<vmem>>, vector<1x1x16xi32>,
        %swap3A_929 = vector.shape_cast %swap3A_928 : vector<1x1x16xi32> to vector<16xi32>
        %swap3A_930 = vector.shape_cast %broadcast_in_dim3A_915 : vector<16xi32> to vector<1x1x16xi32>
        tpu.vector_store %arg6[%swap3A_925, %swap3A_926, %swap3A_927], %swap3A_930 {strides = array<i32>} : memref<10x2x64xi32, #tpu.memory_space<vmem>>, vector<1x1x16xi32>,
        %swap3A_931 = arith.constant 2 : i32
        %swap3A_932 = arith.constant 0 : i32
        %swap3A_933 = arith.index_cast %swap3A_931 : i32 to index
        %swap3A_934 = arith.index_cast %swap3A_932 : i32 to index
        %swap3A_935 = arith.constant 32 : index
        %swap3A_936 = tpu.vector_load %arg6[%swap3A_933, %swap3A_934, %swap3A_935] {strides = array<i32>} : memref<10x2x64xi32, #tpu.memory_space<vmem>>, vector<1x1x16xi32>,
        %swap3A_937 = vector.shape_cast %swap3A_936 : vector<1x1x16xi32> to vector<16xi32>
        %swap3A_938 = vector.shape_cast %broadcast_in_dim3A_915 : vector<16xi32> to vector<1x1x16xi32>
        tpu.vector_store %arg6[%swap3A_933, %swap3A_934, %swap3A_935], %swap3A_938 {strides = array<i32>} : memref<10x2x64xi32, #tpu.memory_space<vmem>>, vector<1x1x16xi32>,
        %swap3A_939 = arith.constant 2 : i32
        %swap3A_940 = arith.constant 0 : i32
        %swap3A_941 = arith.index_cast %swap3A_939 : i32 to index
        %swap3A_942 = arith.index_cast %swap3A_940 : i32 to index
        %swap3A_943 = arith.constant 48 : index
        %swap3A_944 = tpu.vector_load %arg6[%swap3A_941, %swap3A_942, %swap3A_943] {strides = array<i32>} : memref<10x2x64xi32, #tpu.memory_space<vmem>>, vector<1x1x16xi32>,
        %swap3A_945 = vector.shape_cast %swap3A_944 : vector<1x1x16xi32> to vector<16xi32>
        %swap3A_946 = vector.shape_cast %broadcast_in_dim3A_915 : vector<16xi32> to vector<1x1x16xi32>
        tpu.vector_store %arg6[%swap3A_941, %swap3A_942, %swap3A_943], %swap3A_946 {strides = array<i32>} : memref<10x2x64xi32, #tpu.memory_space<vmem>>, vector<1x1x16xi32>,
        %swap3A_947 = arith.constant 2 : i32
        %swap3A_948 = arith.constant 1 : i32
        %swap3A_949 = arith.index_cast %swap3A_947 : i32 to index
        %swap3A_950 = arith.index_cast %swap3A_948 : i32 to index
        %swap3A_951 = arith.constant 0 : index
        %swap3A_952 = tpu.vector_load %arg6[%swap3A_949, %swap3A_950, %swap3A_951] {strides = array<i32>} : memref<10x2x64xi32, #tpu.memory_space<vmem>>, vector<1x1x16xi32>,
        %swap3A_953 = vector.shape_cast %swap3A_952 : vector<1x1x16xi32> to vector<16xi32>
        %swap3A_954 = vector.shape_cast %broadcast_in_dim3A_915 : vector<16xi32> to vector<1x1x16xi32>
        tpu.vector_store %arg6[%swap3A_949, %swap3A_950, %swap3A_951], %swap3A_954 {strides = array<i32>} : memref<10x2x64xi32, #tpu.memory_space<vmem>>, vector<1x1x16xi32>,
        %swap3A_955 = arith.constant 2 : i32
        %swap3A_956 = arith.constant 1 : i32
        %swap3A_957 = arith.index_cast %swap3A_955 : i32 to index
        %swap3A_958 = arith.index_cast %swap3A_956 : i32 to index
        %swap3A_959 = arith.constant 16 : index
        %swap3A_960 = tpu.vector_load %arg6[%swap3A_957, %swap3A_958, %swap3A_959] {strides = array<i32>} : memref<10x2x64xi32, #tpu.memory_space<vmem>>, vector<1x1x16xi32>,
        %swap3A_961 = vector.shape_cast %swap3A_960 : vector<1x1x16xi32> to vector<16xi32>
        %swap3A_962 = vector.shape_cast %broadcast_in_dim3A_915 : vector<16xi32> to vector<1x1x16xi32>
        tpu.vector_store %arg6[%swap3A_957, %swap3A_958, %swap3A_959], %swap3A_962 {strides = array<i32>} : memref<10x2x64xi32, #tpu.memory_space<vmem>>, vector<1x1x16xi32>,
        %swap3A_963 = arith.constant 2 : i32
        %swap3A_964 = arith.constant 1 : i32
        %swap3A_965 = arith.index_cast %swap3A_963 : i32 to index
        %swap3A_966 = arith.index_cast %swap3A_964 : i32 to index
        %swap3A_967 = arith.constant 32 : index
        %swap3A_968 = tpu.vector_load %arg6[%swap3A_965, %swap3A_966, %swap3A_967] {strides = array<i32>} : memref<10x2x64xi32, #tpu.memory_space<vmem>>, vector<1x1x16xi32>,
        %swap3A_969 = vector.shape_cast %swap3A_968 : vector<1x1x16xi32> to vector<16xi32>
        %swap3A_970 = vector.shape_cast %broadcast_in_dim3A_915 : vector<16xi32> to vector<1x1x16xi32>
        tpu.vector_store %arg6[%swap3A_965, %swap3A_966, %swap3A_967], %swap3A_970 {strides = array<i32>} : memref<10x2x64xi32, #tpu.memory_space<vmem>>, vector<1x1x16xi32>,
        %swap3A_971 = arith.constant 2 : i32
        %swap3A_972 = arith.constant 1 : i32
        %swap3A_973 = arith.index_cast %swap3A_971 : i32 to index
        %swap3A_974 = arith.index_cast %swap3A_972 : i32 to index
        %swap3A_975 = arith.constant 48 : index
        %swap3A_976 = tpu.vector_load %arg6[%swap3A_973, %swap3A_974, %swap3A_975] {strides = array<i32>} : memref<10x2x64xi32, #tpu.memory_space<vmem>>, vector<1x1x16xi32>,
        %swap3A_977 = vector.shape_cast %swap3A_976 : vector<1x1x16xi32> to vector<16xi32>
        %swap3A_978 = vector.shape_cast %broadcast_in_dim3A_915 : vector<16xi32> to vector<1x1x16xi32>
        tpu.vector_store %arg6[%swap3A_973, %swap3A_974, %swap3A_975], %swap3A_978 {strides = array<i32>} : memref<10x2x64xi32, #tpu.memory_space<vmem>>, vector<1x1x16xi32>,
      } else {
      }
      %dma_start3A_411 = arith.constant 2 : i32
      %dma_start3A_412 = arith.constant 0 : i32
      %dma_start3A_413 = arith.constant 0 : i32
      %dma_start3A_414 = tpu.memref_slice %arg6[%dma_start3A_411, %dma_start3A_412, %dma_start3A_413] : memref<10x2x64xi32, #tpu.memory_space<vmem>> -> memref<1x1x64xi32, #tpu.memory_space<vmem>>
      %dma_start3A_415 = tpu.memref_squeeze %dma_start3A_414 : memref<1x1x64xi32, #tpu.memory_space<vmem>> -> memref<64xi32, #tpu.memory_space<vmem>>
      %dma_start3A_416 = arith.constant 0 : i32
      %dma_start3A_417 = arith.constant 0 : i32
      %dma_start3A_418 = tpu.memref_slice %arg2[%dma_start3A_416, %dma_start3A_417] : memref<10000x128xf32, #tpu.memory_space<hbm>> -> memref<10000x128xf32, #tpu.memory_space<hbm>>
      %dma_start3A_419 = arith.constant -1 : i32
      tpu.enqueue_indirect_dma source(%dma_start3A_418 : memref<10000x128xf32, #tpu.memory_space<hbm>>) target(%arg9 : memref<64x128xf32, #tpu.memory_space<vmem>>) offsets(%dma_start3A_415 : memref<64xi32, #tpu.memory_space<vmem>>) offset_filter(%dma_start3A_419) semaphore(%arg35 : memref<!tpu.dma_semaphore, #tpu.memory_space<semaphore_mem>>)
      %ge3A_420 = arith.constant 4 : i32
      %ge3A_421 = arith.cmpi sge, %add3A_364, %ge3A_420 : i32
      %convert_element_type3A_422 = arith.extui %ge3A_421 : i1 to i32
      %cond3A_423 = arith.constant 0 : i32
      %cond3A_424 = arith.cmpi ne, %convert_element_type3A_422, %cond3A_423 : i32
      scf.if %cond3A_424 {
        %dma_wait3A_915 = arith.constant 8 : i32
        %dma_wait3A_916 = arith.constant 0 : i32
        %dma_wait3A_917 = arith.constant 0 : i32
        %dma_wait3A_918 = tpu.memref_slice %arg6[%dma_wait3A_915, %dma_wait3A_916, %dma_wait3A_917] : memref<10x2x64xi32, #tpu.memory_space<vmem>> -> memref<1x1x64xi32, #tpu.memory_space<vmem>>
        %dma_wait3A_919 = tpu.memref_squeeze %dma_wait3A_918 : memref<1x1x64xi32, #tpu.memory_space<vmem>> -> memref<64xi32, #tpu.memory_space<vmem>>
        %dma_wait3A_920 = arith.constant 0 : i32
        %dma_wait3A_921 = arith.constant 0 : i32
        %dma_wait3A_922 = tpu.memref_slice %arg2[%dma_wait3A_920, %dma_wait3A_921] : memref<10000x128xf32, #tpu.memory_space<hbm>> -> memref<10000x128xf32, #tpu.memory_space<hbm>>
        tpu.wait_indirect_dma semaphore(%arg36 : memref<!tpu.dma_semaphore, #tpu.memory_space<semaphore_mem>>) src(%dma_wait3A_922 : memref<10000x128xf32, #tpu.memory_space<hbm>>) dst(%arg10 : memref<64x128xf32, #tpu.memory_space<vmem>>)
        %dma_start3A_923 = arith.constant 8 : i32
        %dma_start3A_924 = arith.constant 1 : i32
        %dma_start3A_925 = arith.constant 0 : i32
        %dma_start3A_926 = tpu.memref_slice %arg6[%dma_start3A_923, %dma_start3A_924, %dma_start3A_925] : memref<10x2x64xi32, #tpu.memory_space<vmem>> -> memref<1x1x64xi32, #tpu.memory_space<vmem>>
        %dma_start3A_927 = tpu.memref_squeeze %dma_start3A_926 : memref<1x1x64xi32, #tpu.memory_space<vmem>> -> memref<64xi32, #tpu.memory_space<vmem>>
        %dma_start3A_928 = arith.constant 0 : i32
        %dma_start3A_929 = arith.constant 0 : i32
        %dma_start3A_930 = tpu.memref_slice %arg12[%dma_start3A_928, %dma_start3A_929] : memref<10112x128xf32, #tpu.memory_space<vmem_shared>> -> memref<10112x128xf32, #tpu.memory_space<vmem_shared>>
        %dma_start3A_931 = arith.constant -1 : i32
        tpu.enqueue_indirect_dma source(%arg10 : memref<64x128xf32, #tpu.memory_space<vmem>>) target(%dma_start3A_930 : memref<10112x128xf32, #tpu.memory_space<vmem_shared>>) offsets(%dma_start3A_927 : memref<64xi32, #tpu.memory_space<vmem>>) offset_filter(%dma_start3A_931) semaphore(%arg41 : memref<!tpu.dma_semaphore, #tpu.memory_space<semaphore_mem>>) {add = true}
      } else {
      }
      %add3A_425 = arith.constant 5 : i32
      %add3A_426 = arith.addi %add3A_364, %add3A_425 : i32
      %lt3A_427 = arith.constant 160 : i32
      %lt3A_428 = arith.cmpi slt, %add3A_426, %lt3A_427 : i32
      %convert_element_type3A_429 = arith.extui %lt3A_428 : i1 to i32
      %cond3A_430 = arith.constant 0 : i32
      %cond3A_431 = arith.cmpi ne, %convert_element_type3A_429, %cond3A_430 : i32
      scf.if %cond3A_431 {
        %add3A_915 = arith.constant 5 : i32
        %add3A_916 = arith.addi %add3A_364, %add3A_915 : i32
        %mul3A_917 = arith.constant 32 : i32
        %mul3A_918 = arith.muli %mul3A_917, %add3A_916 : i32
        %add3A_919 = arith.addi %add3A, %mul3A_918 : i32
        %min3A_920 = arith.constant 4999 : i32
        %min3A_921 = arith.minsi %add3A_919, %min3A_920 : i32
        %mul3A_922 = arith.constant 64 : i32
        %mul3A_923 = arith.muli %min3A_921, %mul3A_922 : i32
        %dma_start3A_924 = arith.constant 0 : i32
        %dma_start3A_925 = arith.constant 7 : i32
        %dma_start3A_926 = arith.constant 0 : i32
        %dma_start3A_927 = arith.constant 0 : i32
        %dma_start3A_928 = tpu.memref_slice %arg6[%dma_start3A_925, %dma_start3A_926, %dma_start3A_927] : memref<10x2x64xi32, #tpu.memory_space<vmem>> -> memref<1x1x64xi32, #tpu.memory_space<vmem>>
        %dma_start3A_929 = tpu.memref_squeeze %dma_start3A_928 : memref<1x1x64xi32, #tpu.memory_space<vmem>> -> memref<64xi32, #tpu.memory_space<vmem>>
        %dma_start3A_930 = tpu.memref_slice %arg3[%dma_start3A_924, %mul3A_923] : memref<2x320000xi32, #tpu.memory_space<hbm>> -> memref<1x64xi32, #tpu.memory_space<hbm>>
        %dma_start3A_931 = tpu.memref_squeeze %dma_start3A_930 : memref<1x64xi32, #tpu.memory_space<hbm>> -> memref<64xi32, #tpu.memory_space<hbm>>
        %dma_start3A_932 = arith.constant 0 : i32
        %dma_start3A_933 = tpu.memref_slice %arg6[%dma_start3A_925, %dma_start3A_926, %dma_start3A_932] : memref<10x2x64xi32, #tpu.memory_space<vmem>> -> memref<1x1x64xi32, #tpu.memory_space<vmem>>
        %dma_start3A_934 = tpu.memref_squeeze %dma_start3A_933 : memref<1x1x64xi32, #tpu.memory_space<vmem>> -> memref<64xi32, #tpu.memory_space<vmem>>
        %dma_start3A_935 = tpu.memref_slice %arg3[%dma_start3A_924, %mul3A_923] : memref<2x320000xi32, #tpu.memory_space<hbm>> -> memref<1x64xi32, #tpu.memory_space<hbm>>
        %dma_start3A_936 = tpu.memref_squeeze %dma_start3A_935 : memref<1x64xi32, #tpu.memory_space<hbm>> -> memref<64xi32, #tpu.memory_space<hbm>>
        tpu.enqueue_dma source(%dma_start3A_936 : memref<64xi32, #tpu.memory_space<hbm>>) target(%dma_start3A_934 : memref<64xi32, #tpu.memory_space<vmem>>) target_semaphore(%arg20 : memref<!tpu.dma_semaphore, #tpu.memory_space<semaphore_mem>>)
        %dma_start3A_937 = arith.constant 1 : i32
        %dma_start3A_938 = arith.constant 7 : i32
        %dma_start3A_939 = arith.constant 1 : i32
        %dma_start3A_940 = arith.constant 0 : i32
        %dma_start3A_941 = tpu.memref_slice %arg6[%dma_start3A_938, %dma_start3A_939, %dma_start3A_940] : memref<10x2x64xi32, #tpu.memory_space<vmem>> -> memref<1x1x64xi32, #tpu.memory_space<vmem>>
        %dma_start3A_942 = tpu.memref_squeeze %dma_start3A_941 : memref<1x1x64xi32, #tpu.memory_space<vmem>> -> memref<64xi32, #tpu.memory_space<vmem>>
        %dma_start3A_943 = tpu.memref_slice %arg3[%dma_start3A_937, %mul3A_923] : memref<2x320000xi32, #tpu.memory_space<hbm>> -> memref<1x64xi32, #tpu.memory_space<hbm>>
        %dma_start3A_944 = tpu.memref_squeeze %dma_start3A_943 : memref<1x64xi32, #tpu.memory_space<hbm>> -> memref<64xi32, #tpu.memory_space<hbm>>
        %dma_start3A_945 = arith.constant 0 : i32
        %dma_start3A_946 = tpu.memref_slice %arg6[%dma_start3A_938, %dma_start3A_939, %dma_start3A_945] : memref<10x2x64xi32, #tpu.memory_space<vmem>> -> memref<1x1x64xi32, #tpu.memory_space<vmem>>
        %dma_start3A_947 = tpu.memref_squeeze %dma_start3A_946 : memref<1x1x64xi32, #tpu.memory_space<vmem>> -> memref<64xi32, #tpu.memory_space<vmem>>
        %dma_start3A_948 = tpu.memref_slice %arg3[%dma_start3A_937, %mul3A_923] : memref<2x320000xi32, #tpu.memory_space<hbm>> -> memref<1x64xi32, #tpu.memory_space<hbm>>
        %dma_start3A_949 = tpu.memref_squeeze %dma_start3A_948 : memref<1x64xi32, #tpu.memory_space<hbm>> -> memref<64xi32, #tpu.memory_space<hbm>>
        tpu.enqueue_dma source(%dma_start3A_949 : memref<64xi32, #tpu.memory_space<hbm>>) target(%dma_start3A_947 : memref<64xi32, #tpu.memory_space<vmem>>) target_semaphore(%arg30 : memref<!tpu.dma_semaphore, #tpu.memory_space<semaphore_mem>>)
      } else {
      }
      %add3A_432 = arith.constant 3 : i32
      %add3A_433 = arith.addi %add3A_226, %add3A_432 : i32
      %ge3A_434 = arith.constant 5 : i32
      %ge3A_435 = arith.cmpi sge, %add3A_433, %ge3A_434 : i32
      %convert_element_type3A_436 = arith.extui %ge3A_435 : i1 to i32
      %cond3A_437 = arith.constant 0 : i32
      %cond3A_438 = arith.cmpi ne, %convert_element_type3A_436, %cond3A_437 : i32
      scf.if %cond3A_438 {
        %dma_wait3A_915 = arith.constant 8 : i32
        %dma_wait3A_916 = arith.constant 1 : i32
        %dma_wait3A_917 = arith.constant 0 : i32
        %dma_wait3A_918 = tpu.memref_slice %arg6[%dma_wait3A_915, %dma_wait3A_916, %dma_wait3A_917] : memref<10x2x64xi32, #tpu.memory_space<vmem>> -> memref<1x1x64xi32, #tpu.memory_space<vmem>>
        %dma_wait3A_919 = tpu.memref_squeeze %dma_wait3A_918 : memref<1x1x64xi32, #tpu.memory_space<vmem>> -> memref<64xi32, #tpu.memory_space<vmem>>
        %dma_wait3A_920 = arith.constant 0 : i32
        %dma_wait3A_921 = arith.constant 0 : i32
        %dma_wait3A_922 = tpu.memref_slice %arg12[%dma_wait3A_920, %dma_wait3A_921] : memref<10112x128xf32, #tpu.memory_space<vmem_shared>> -> memref<10112x128xf32, #tpu.memory_space<vmem_shared>>
        tpu.wait_indirect_dma semaphore(%arg41 : memref<!tpu.dma_semaphore, #tpu.memory_space<semaphore_mem>>) src(%arg10 : memref<64x128xf32, #tpu.memory_space<vmem>>) dst(%dma_wait3A_922 : memref<10112x128xf32, #tpu.memory_space<vmem_shared>>)
      } else {
      }
      %mul3A_439 = arith.constant 32 : i32
      %mul3A_440 = arith.muli %mul3A_439, %add3A_433 : i32
      %add3A_441 = arith.addi %add3A, %mul3A_440 : i32
      %min3A_442 = arith.constant 4999 : i32
      %min3A_443 = arith.minsi %add3A_441, %min3A_442 : i32
      %mul3A_444 = arith.constant 64 : i32
      %mul3A_445 = arith.muli %min3A_443, %mul3A_444 : i32
      %dma_wait3A_446 = arith.constant 0 : i32
      %dma_wait3A_447 = arith.constant 3 : i32
      %dma_wait3A_448 = arith.constant 0 : i32
      %dma_wait3A_449 = arith.constant 0 : i32
      %dma_wait3A_450 = tpu.memref_slice %arg6[%dma_wait3A_447, %dma_wait3A_448, %dma_wait3A_449] : memref<10x2x64xi32, #tpu.memory_space<vmem>> -> memref<1x1x64xi32, #tpu.memory_space<vmem>>
      %dma_wait3A_451 = tpu.memref_squeeze %dma_wait3A_450 : memref<1x1x64xi32, #tpu.memory_space<vmem>> -> memref<64xi32, #tpu.memory_space<vmem>>
      %dma_wait3A_452 = tpu.memref_slice %arg3[%dma_wait3A_446, %mul3A_445] : memref<2x320000xi32, #tpu.memory_space<hbm>> -> memref<1x64xi32, #tpu.memory_space<hbm>>
      %dma_wait3A_453 = tpu.memref_squeeze %dma_wait3A_452 : memref<1x64xi32, #tpu.memory_space<hbm>> -> memref<64xi32, #tpu.memory_space<hbm>>
      %dma_wait3A_454 = arith.constant 0 : i32
      %dma_wait3A_455 = tpu.memref_slice %arg6[%dma_wait3A_447, %dma_wait3A_448, %dma_wait3A_454] : memref<10x2x64xi32, #tpu.memory_space<vmem>> -> memref<1x1x64xi32, #tpu.memory_space<vmem>>
      %dma_wait3A_456 = tpu.memref_squeeze %dma_wait3A_455 : memref<1x1x64xi32, #tpu.memory_space<vmem>> -> memref<64xi32, #tpu.memory_space<vmem>>
      %dma_wait3A_457 = tpu.memref_slice %arg3[%dma_wait3A_446, %mul3A_445] : memref<2x320000xi32, #tpu.memory_space<hbm>> -> memref<1x64xi32, #tpu.memory_space<hbm>>
      %dma_wait3A_458 = tpu.memref_squeeze %dma_wait3A_457 : memref<1x64xi32, #tpu.memory_space<hbm>> -> memref<64xi32, #tpu.memory_space<hbm>>
      tpu.wait_dma2 semaphore(%arg16 : memref<!tpu.dma_semaphore, #tpu.memory_space<semaphore_mem>>) src(%dma_wait3A_458 : memref<64xi32, #tpu.memory_space<hbm>>) dst(%dma_wait3A_456 : memref<64xi32, #tpu.memory_space<vmem>>)
      %dma_wait3A_459 = arith.constant 1 : i32
      %dma_wait3A_460 = arith.constant 3 : i32
      %dma_wait3A_461 = arith.constant 1 : i32
      %dma_wait3A_462 = arith.constant 0 : i32
      %dma_wait3A_463 = tpu.memref_slice %arg6[%dma_wait3A_460, %dma_wait3A_461, %dma_wait3A_462] : memref<10x2x64xi32, #tpu.memory_space<vmem>> -> memref<1x1x64xi32, #tpu.memory_space<vmem>>
      %dma_wait3A_464 = tpu.memref_squeeze %dma_wait3A_463 : memref<1x1x64xi32, #tpu.memory_space<vmem>> -> memref<64xi32, #tpu.memory_space<vmem>>
      %dma_wait3A_465 = tpu.memref_slice %arg3[%dma_wait3A_459, %mul3A_445] : memref<2x320000xi32, #tpu.memory_space<hbm>> -> memref<1x64xi32, #tpu.memory_space<hbm>>
      %dma_wait3A_466 = tpu.memref_squeeze %dma_wait3A_465 : memref<1x64xi32, #tpu.memory_space<hbm>> -> memref<64xi32, #tpu.memory_space<hbm>>
      %dma_wait3A_467 = arith.constant 0 : i32
      %dma_wait3A_468 = tpu.memref_slice %arg6[%dma_wait3A_460, %dma_wait3A_461, %dma_wait3A_467] : memref<10x2x64xi32, #tpu.memory_space<vmem>> -> memref<1x1x64xi32, #tpu.memory_space<vmem>>
      %dma_wait3A_469 = tpu.memref_squeeze %dma_wait3A_468 : memref<1x1x64xi32, #tpu.memory_space<vmem>> -> memref<64xi32, #tpu.memory_space<vmem>>
      %dma_wait3A_470 = tpu.memref_slice %arg3[%dma_wait3A_459, %mul3A_445] : memref<2x320000xi32, #tpu.memory_space<hbm>> -> memref<1x64xi32, #tpu.memory_space<hbm>>
      %dma_wait3A_471 = tpu.memref_squeeze %dma_wait3A_470 : memref<1x64xi32, #tpu.memory_space<hbm>> -> memref<64xi32, #tpu.memory_space<hbm>>
      tpu.wait_dma2 semaphore(%arg26 : memref<!tpu.dma_semaphore, #tpu.memory_space<semaphore_mem>>) src(%dma_wait3A_471 : memref<64xi32, #tpu.memory_space<hbm>>) dst(%dma_wait3A_469 : memref<64xi32, #tpu.memory_space<vmem>>)
      %mul3A_472 = arith.constant 32 : i32
      %mul3A_473 = arith.muli %mul3A_472, %add3A_433 : i32
      %add3A_474 = arith.addi %add3A, %mul3A_473 : i32
      %ge3A_475 = arith.constant 5000 : i32
      %ge3A_476 = arith.cmpi sge, %add3A_474, %ge3A_475 : i32
      %convert_element_type3A_477 = arith.extui %ge3A_476 : i1 to i32
      %cond3A_478 = arith.constant 0 : i32
      %cond3A_479 = arith.cmpi ne, %convert_element_type3A_477, %cond3A_478 : i32
      scf.if %cond3A_479 {
        %broadcast_in_dim3A = arith.constant -1 : i32
        %broadcast_in_dim3A_915 = vector.broadcast %broadcast_in_dim3A : i32 to vector<16xi32>
        %swap3A = arith.constant 3 : i32
        %swap3A_916 = arith.constant 0 : i32
        %swap3A_917 = arith.index_cast %swap3A : i32 to index
        %swap3A_918 = arith.index_cast %swap3A_916 : i32 to index
        %swap3A_919 = arith.constant 0 : index
        %swap3A_920 = tpu.vector_load %arg6[%swap3A_917, %swap3A_918, %swap3A_919] {strides = array<i32>} : memref<10x2x64xi32, #tpu.memory_space<vmem>>, vector<1x1x16xi32>,
        %swap3A_921 = vector.shape_cast %swap3A_920 : vector<1x1x16xi32> to vector<16xi32>
        %swap3A_922 = vector.shape_cast %broadcast_in_dim3A_915 : vector<16xi32> to vector<1x1x16xi32>
        tpu.vector_store %arg6[%swap3A_917, %swap3A_918, %swap3A_919], %swap3A_922 {strides = array<i32>} : memref<10x2x64xi32, #tpu.memory_space<vmem>>, vector<1x1x16xi32>,
        %swap3A_923 = arith.constant 3 : i32
        %swap3A_924 = arith.constant 0 : i32
        %swap3A_925 = arith.index_cast %swap3A_923 : i32 to index
        %swap3A_926 = arith.index_cast %swap3A_924 : i32 to index
        %swap3A_927 = arith.constant 16 : index
        %swap3A_928 = tpu.vector_load %arg6[%swap3A_925, %swap3A_926, %swap3A_927] {strides = array<i32>} : memref<10x2x64xi32, #tpu.memory_space<vmem>>, vector<1x1x16xi32>,
        %swap3A_929 = vector.shape_cast %swap3A_928 : vector<1x1x16xi32> to vector<16xi32>
        %swap3A_930 = vector.shape_cast %broadcast_in_dim3A_915 : vector<16xi32> to vector<1x1x16xi32>
        tpu.vector_store %arg6[%swap3A_925, %swap3A_926, %swap3A_927], %swap3A_930 {strides = array<i32>} : memref<10x2x64xi32, #tpu.memory_space<vmem>>, vector<1x1x16xi32>,
        %swap3A_931 = arith.constant 3 : i32
        %swap3A_932 = arith.constant 0 : i32
        %swap3A_933 = arith.index_cast %swap3A_931 : i32 to index
        %swap3A_934 = arith.index_cast %swap3A_932 : i32 to index
        %swap3A_935 = arith.constant 32 : index
        %swap3A_936 = tpu.vector_load %arg6[%swap3A_933, %swap3A_934, %swap3A_935] {strides = array<i32>} : memref<10x2x64xi32, #tpu.memory_space<vmem>>, vector<1x1x16xi32>,
        %swap3A_937 = vector.shape_cast %swap3A_936 : vector<1x1x16xi32> to vector<16xi32>
        %swap3A_938 = vector.shape_cast %broadcast_in_dim3A_915 : vector<16xi32> to vector<1x1x16xi32>
        tpu.vector_store %arg6[%swap3A_933, %swap3A_934, %swap3A_935], %swap3A_938 {strides = array<i32>} : memref<10x2x64xi32, #tpu.memory_space<vmem>>, vector<1x1x16xi32>,
        %swap3A_939 = arith.constant 3 : i32
        %swap3A_940 = arith.constant 0 : i32
        %swap3A_941 = arith.index_cast %swap3A_939 : i32 to index
        %swap3A_942 = arith.index_cast %swap3A_940 : i32 to index
        %swap3A_943 = arith.constant 48 : index
        %swap3A_944 = tpu.vector_load %arg6[%swap3A_941, %swap3A_942, %swap3A_943] {strides = array<i32>} : memref<10x2x64xi32, #tpu.memory_space<vmem>>, vector<1x1x16xi32>,
        %swap3A_945 = vector.shape_cast %swap3A_944 : vector<1x1x16xi32> to vector<16xi32>
        %swap3A_946 = vector.shape_cast %broadcast_in_dim3A_915 : vector<16xi32> to vector<1x1x16xi32>
        tpu.vector_store %arg6[%swap3A_941, %swap3A_942, %swap3A_943], %swap3A_946 {strides = array<i32>} : memref<10x2x64xi32, #tpu.memory_space<vmem>>, vector<1x1x16xi32>,
        %swap3A_947 = arith.constant 3 : i32
        %swap3A_948 = arith.constant 1 : i32
        %swap3A_949 = arith.index_cast %swap3A_947 : i32 to index
        %swap3A_950 = arith.index_cast %swap3A_948 : i32 to index
        %swap3A_951 = arith.constant 0 : index
        %swap3A_952 = tpu.vector_load %arg6[%swap3A_949, %swap3A_950, %swap3A_951] {strides = array<i32>} : memref<10x2x64xi32, #tpu.memory_space<vmem>>, vector<1x1x16xi32>,
        %swap3A_953 = vector.shape_cast %swap3A_952 : vector<1x1x16xi32> to vector<16xi32>
        %swap3A_954 = vector.shape_cast %broadcast_in_dim3A_915 : vector<16xi32> to vector<1x1x16xi32>
        tpu.vector_store %arg6[%swap3A_949, %swap3A_950, %swap3A_951], %swap3A_954 {strides = array<i32>} : memref<10x2x64xi32, #tpu.memory_space<vmem>>, vector<1x1x16xi32>,
        %swap3A_955 = arith.constant 3 : i32
        %swap3A_956 = arith.constant 1 : i32
        %swap3A_957 = arith.index_cast %swap3A_955 : i32 to index
        %swap3A_958 = arith.index_cast %swap3A_956 : i32 to index
        %swap3A_959 = arith.constant 16 : index
        %swap3A_960 = tpu.vector_load %arg6[%swap3A_957, %swap3A_958, %swap3A_959] {strides = array<i32>} : memref<10x2x64xi32, #tpu.memory_space<vmem>>, vector<1x1x16xi32>,
        %swap3A_961 = vector.shape_cast %swap3A_960 : vector<1x1x16xi32> to vector<16xi32>
        %swap3A_962 = vector.shape_cast %broadcast_in_dim3A_915 : vector<16xi32> to vector<1x1x16xi32>
        tpu.vector_store %arg6[%swap3A_957, %swap3A_958, %swap3A_959], %swap3A_962 {strides = array<i32>} : memref<10x2x64xi32, #tpu.memory_space<vmem>>, vector<1x1x16xi32>,
        %swap3A_963 = arith.constant 3 : i32
        %swap3A_964 = arith.constant 1 : i32
        %swap3A_965 = arith.index_cast %swap3A_963 : i32 to index
        %swap3A_966 = arith.index_cast %swap3A_964 : i32 to index
        %swap3A_967 = arith.constant 32 : index
        %swap3A_968 = tpu.vector_load %arg6[%swap3A_965, %swap3A_966, %swap3A_967] {strides = array<i32>} : memref<10x2x64xi32, #tpu.memory_space<vmem>>, vector<1x1x16xi32>,
        %swap3A_969 = vector.shape_cast %swap3A_968 : vector<1x1x16xi32> to vector<16xi32>
        %swap3A_970 = vector.shape_cast %broadcast_in_dim3A_915 : vector<16xi32> to vector<1x1x16xi32>
        tpu.vector_store %arg6[%swap3A_965, %swap3A_966, %swap3A_967], %swap3A_970 {strides = array<i32>} : memref<10x2x64xi32, #tpu.memory_space<vmem>>, vector<1x1x16xi32>,
        %swap3A_971 = arith.constant 3 : i32
        %swap3A_972 = arith.constant 1 : i32
        %swap3A_973 = arith.index_cast %swap3A_971 : i32 to index
        %swap3A_974 = arith.index_cast %swap3A_972 : i32 to index
        %swap3A_975 = arith.constant 48 : index
        %swap3A_976 = tpu.vector_load %arg6[%swap3A_973, %swap3A_974, %swap3A_975] {strides = array<i32>} : memref<10x2x64xi32, #tpu.memory_space<vmem>>, vector<1x1x16xi32>,
        %swap3A_977 = vector.shape_cast %swap3A_976 : vector<1x1x16xi32> to vector<16xi32>
        %swap3A_978 = vector.shape_cast %broadcast_in_dim3A_915 : vector<16xi32> to vector<1x1x16xi32>
        tpu.vector_store %arg6[%swap3A_973, %swap3A_974, %swap3A_975], %swap3A_978 {strides = array<i32>} : memref<10x2x64xi32, #tpu.memory_space<vmem>>, vector<1x1x16xi32>,
      } else {
      }
      %dma_start3A_480 = arith.constant 3 : i32
      %dma_start3A_481 = arith.constant 0 : i32
      %dma_start3A_482 = arith.constant 0 : i32
      %dma_start3A_483 = tpu.memref_slice %arg6[%dma_start3A_480, %dma_start3A_481, %dma_start3A_482] : memref<10x2x64xi32, #tpu.memory_space<vmem>> -> memref<1x1x64xi32, #tpu.memory_space<vmem>>
      %dma_start3A_484 = tpu.memref_squeeze %dma_start3A_483 : memref<1x1x64xi32, #tpu.memory_space<vmem>> -> memref<64xi32, #tpu.memory_space<vmem>>
      %dma_start3A_485 = arith.constant 0 : i32
      %dma_start3A_486 = arith.constant 0 : i32
      %dma_start3A_487 = tpu.memref_slice %arg2[%dma_start3A_485, %dma_start3A_486] : memref<10000x128xf32, #tpu.memory_space<hbm>> -> memref<10000x128xf32, #tpu.memory_space<hbm>>
      %dma_start3A_488 = arith.constant -1 : i32
      tpu.enqueue_indirect_dma source(%dma_start3A_487 : memref<10000x128xf32, #tpu.memory_space<hbm>>) target(%arg10 : memref<64x128xf32, #tpu.memory_space<vmem>>) offsets(%dma_start3A_484 : memref<64xi32, #tpu.memory_space<vmem>>) offset_filter(%dma_start3A_488) semaphore(%arg36 : memref<!tpu.dma_semaphore, #tpu.memory_space<semaphore_mem>>)
      %ge3A_489 = arith.constant 4 : i32
      %ge3A_490 = arith.cmpi sge, %add3A_433, %ge3A_489 : i32
      %convert_element_type3A_491 = arith.extui %ge3A_490 : i1 to i32
      %cond3A_492 = arith.constant 0 : i32
      %cond3A_493 = arith.cmpi ne, %convert_element_type3A_491, %cond3A_492 : i32
      scf.if %cond3A_493 {
        %dma_wait3A_915 = arith.constant 9 : i32
        %dma_wait3A_916 = arith.constant 0 : i32
        %dma_wait3A_917 = arith.constant 0 : i32
        %dma_wait3A_918 = tpu.memref_slice %arg6[%dma_wait3A_915, %dma_wait3A_916, %dma_wait3A_917] : memref<10x2x64xi32, #tpu.memory_space<vmem>> -> memref<1x1x64xi32, #tpu.memory_space<vmem>>
        %dma_wait3A_919 = tpu.memref_squeeze %dma_wait3A_918 : memref<1x1x64xi32, #tpu.memory_space<vmem>> -> memref<64xi32, #tpu.memory_space<vmem>>
        %dma_wait3A_920 = arith.constant 0 : i32
        %dma_wait3A_921 = arith.constant 0 : i32
        %dma_wait3A_922 = tpu.memref_slice %arg2[%dma_wait3A_920, %dma_wait3A_921] : memref<10000x128xf32, #tpu.memory_space<hbm>> -> memref<10000x128xf32, #tpu.memory_space<hbm>>
        tpu.wait_indirect_dma semaphore(%arg37 : memref<!tpu.dma_semaphore, #tpu.memory_space<semaphore_mem>>) src(%dma_wait3A_922 : memref<10000x128xf32, #tpu.memory_space<hbm>>) dst(%arg11 : memref<64x128xf32, #tpu.memory_space<vmem>>)
        %dma_start3A_923 = arith.constant 9 : i32
        %dma_start3A_924 = arith.constant 1 : i32
        %dma_start3A_925 = arith.constant 0 : i32
        %dma_start3A_926 = tpu.memref_slice %arg6[%dma_start3A_923, %dma_start3A_924, %dma_start3A_925] : memref<10x2x64xi32, #tpu.memory_space<vmem>> -> memref<1x1x64xi32, #tpu.memory_space<vmem>>
        %dma_start3A_927 = tpu.memref_squeeze %dma_start3A_926 : memref<1x1x64xi32, #tpu.memory_space<vmem>> -> memref<64xi32, #tpu.memory_space<vmem>>
        %dma_start3A_928 = arith.constant 0 : i32
        %dma_start3A_929 = arith.constant 0 : i32
        %dma_start3A_930 = tpu.memref_slice %arg12[%dma_start3A_928, %dma_start3A_929] : memref<10112x128xf32, #tpu.memory_space<vmem_shared>> -> memref<10112x128xf32, #tpu.memory_space<vmem_shared>>
        %dma_start3A_931 = arith.constant -1 : i32
        tpu.enqueue_indirect_dma source(%arg11 : memref<64x128xf32, #tpu.memory_space<vmem>>) target(%dma_start3A_930 : memref<10112x128xf32, #tpu.memory_space<vmem_shared>>) offsets(%dma_start3A_927 : memref<64xi32, #tpu.memory_space<vmem>>) offset_filter(%dma_start3A_931) semaphore(%arg42 : memref<!tpu.dma_semaphore, #tpu.memory_space<semaphore_mem>>) {add = true}
      } else {
      }
      %add3A_494 = arith.constant 5 : i32
      %add3A_495 = arith.addi %add3A_433, %add3A_494 : i32
      %lt3A_496 = arith.constant 160 : i32
      %lt3A_497 = arith.cmpi slt, %add3A_495, %lt3A_496 : i32
      %convert_element_type3A_498 = arith.extui %lt3A_497 : i1 to i32
      %cond3A_499 = arith.constant 0 : i32
      %cond3A_500 = arith.cmpi ne, %convert_element_type3A_498, %cond3A_499 : i32
      scf.if %cond3A_500 {
        %add3A_915 = arith.constant 5 : i32
        %add3A_916 = arith.addi %add3A_433, %add3A_915 : i32
        %mul3A_917 = arith.constant 32 : i32
        %mul3A_918 = arith.muli %mul3A_917, %add3A_916 : i32
        %add3A_919 = arith.addi %add3A, %mul3A_918 : i32
        %min3A_920 = arith.constant 4999 : i32
        %min3A_921 = arith.minsi %add3A_919, %min3A_920 : i32
        %mul3A_922 = arith.constant 64 : i32
        %mul3A_923 = arith.muli %min3A_921, %mul3A_922 : i32
        %dma_start3A_924 = arith.constant 0 : i32
        %dma_start3A_925 = arith.constant 8 : i32
        %dma_start3A_926 = arith.constant 0 : i32
        %dma_start3A_927 = arith.constant 0 : i32
        %dma_start3A_928 = tpu.memref_slice %arg6[%dma_start3A_925, %dma_start3A_926, %dma_start3A_927] : memref<10x2x64xi32, #tpu.memory_space<vmem>> -> memref<1x1x64xi32, #tpu.memory_space<vmem>>
        %dma_start3A_929 = tpu.memref_squeeze %dma_start3A_928 : memref<1x1x64xi32, #tpu.memory_space<vmem>> -> memref<64xi32, #tpu.memory_space<vmem>>
        %dma_start3A_930 = tpu.memref_slice %arg3[%dma_start3A_924, %mul3A_923] : memref<2x320000xi32, #tpu.memory_space<hbm>> -> memref<1x64xi32, #tpu.memory_space<hbm>>
        %dma_start3A_931 = tpu.memref_squeeze %dma_start3A_930 : memref<1x64xi32, #tpu.memory_space<hbm>> -> memref<64xi32, #tpu.memory_space<hbm>>
        %dma_start3A_932 = arith.constant 0 : i32
        %dma_start3A_933 = tpu.memref_slice %arg6[%dma_start3A_925, %dma_start3A_926, %dma_start3A_932] : memref<10x2x64xi32, #tpu.memory_space<vmem>> -> memref<1x1x64xi32, #tpu.memory_space<vmem>>
        %dma_start3A_934 = tpu.memref_squeeze %dma_start3A_933 : memref<1x1x64xi32, #tpu.memory_space<vmem>> -> memref<64xi32, #tpu.memory_space<vmem>>
        %dma_start3A_935 = tpu.memref_slice %arg3[%dma_start3A_924, %mul3A_923] : memref<2x320000xi32, #tpu.memory_space<hbm>> -> memref<1x64xi32, #tpu.memory_space<hbm>>
        %dma_start3A_936 = tpu.memref_squeeze %dma_start3A_935 : memref<1x64xi32, #tpu.memory_space<hbm>> -> memref<64xi32, #tpu.memory_space<hbm>>
        tpu.enqueue_dma source(%dma_start3A_936 : memref<64xi32, #tpu.memory_space<hbm>>) target(%dma_start3A_934 : memref<64xi32, #tpu.memory_space<vmem>>) target_semaphore(%arg21 : memref<!tpu.dma_semaphore, #tpu.memory_space<semaphore_mem>>)
        %dma_start3A_937 = arith.constant 1 : i32
        %dma_start3A_938 = arith.constant 8 : i32
        %dma_start3A_939 = arith.constant 1 : i32
        %dma_start3A_940 = arith.constant 0 : i32
        %dma_start3A_941 = tpu.memref_slice %arg6[%dma_start3A_938, %dma_start3A_939, %dma_start3A_940] : memref<10x2x64xi32, #tpu.memory_space<vmem>> -> memref<1x1x64xi32, #tpu.memory_space<vmem>>
        %dma_start3A_942 = tpu.memref_squeeze %dma_start3A_941 : memref<1x1x64xi32, #tpu.memory_space<vmem>> -> memref<64xi32, #tpu.memory_space<vmem>>
        %dma_start3A_943 = tpu.memref_slice %arg3[%dma_start3A_937, %mul3A_923] : memref<2x320000xi32, #tpu.memory_space<hbm>> -> memref<1x64xi32, #tpu.memory_space<hbm>>
        %dma_start3A_944 = tpu.memref_squeeze %dma_start3A_943 : memref<1x64xi32, #tpu.memory_space<hbm>> -> memref<64xi32, #tpu.memory_space<hbm>>
        %dma_start3A_945 = arith.constant 0 : i32
        %dma_start3A_946 = tpu.memref_slice %arg6[%dma_start3A_938, %dma_start3A_939, %dma_start3A_945] : memref<10x2x64xi32, #tpu.memory_space<vmem>> -> memref<1x1x64xi32, #tpu.memory_space<vmem>>
        %dma_start3A_947 = tpu.memref_squeeze %dma_start3A_946 : memref<1x1x64xi32, #tpu.memory_space<vmem>> -> memref<64xi32, #tpu.memory_space<vmem>>
        %dma_start3A_948 = tpu.memref_slice %arg3[%dma_start3A_937, %mul3A_923] : memref<2x320000xi32, #tpu.memory_space<hbm>> -> memref<1x64xi32, #tpu.memory_space<hbm>>
        %dma_start3A_949 = tpu.memref_squeeze %dma_start3A_948 : memref<1x64xi32, #tpu.memory_space<hbm>> -> memref<64xi32, #tpu.memory_space<hbm>>
        tpu.enqueue_dma source(%dma_start3A_949 : memref<64xi32, #tpu.memory_space<hbm>>) target(%dma_start3A_947 : memref<64xi32, #tpu.memory_space<vmem>>) target_semaphore(%arg31 : memref<!tpu.dma_semaphore, #tpu.memory_space<semaphore_mem>>)
      } else {
      }
      %add3A_501 = arith.constant 4 : i32
      %add3A_502 = arith.addi %add3A_226, %add3A_501 : i32
      %ge3A_503 = arith.constant 5 : i32
      %ge3A_504 = arith.cmpi sge, %add3A_502, %ge3A_503 : i32
      %convert_element_type3A_505 = arith.extui %ge3A_504 : i1 to i32
      %cond3A_506 = arith.constant 0 : i32
      %cond3A_507 = arith.cmpi ne, %convert_element_type3A_505, %cond3A_506 : i32
      scf.if %cond3A_507 {
        %dma_wait3A_915 = arith.constant 9 : i32
        %dma_wait3A_916 = arith.constant 1 : i32
        %dma_wait3A_917 = arith.constant 0 : i32
        %dma_wait3A_918 = tpu.memref_slice %arg6[%dma_wait3A_915, %dma_wait3A_916, %dma_wait3A_917] : memref<10x2x64xi32, #tpu.memory_space<vmem>> -> memref<1x1x64xi32, #tpu.memory_space<vmem>>
        %dma_wait3A_919 = tpu.memref_squeeze %dma_wait3A_918 : memref<1x1x64xi32, #tpu.memory_space<vmem>> -> memref<64xi32, #tpu.memory_space<vmem>>
        %dma_wait3A_920 = arith.constant 0 : i32
        %dma_wait3A_921 = arith.constant 0 : i32
        %dma_wait3A_922 = tpu.memref_slice %arg12[%dma_wait3A_920, %dma_wait3A_921] : memref<10112x128xf32, #tpu.memory_space<vmem_shared>> -> memref<10112x128xf32, #tpu.memory_space<vmem_shared>>
        tpu.wait_indirect_dma semaphore(%arg42 : memref<!tpu.dma_semaphore, #tpu.memory_space<semaphore_mem>>) src(%arg11 : memref<64x128xf32, #tpu.memory_space<vmem>>) dst(%dma_wait3A_922 : memref<10112x128xf32, #tpu.memory_space<vmem_shared>>)
      } else {
      }
      %mul3A_508 = arith.constant 32 : i32
      %mul3A_509 = arith.muli %mul3A_508, %add3A_502 : i32
      %add3A_510 = arith.addi %add3A, %mul3A_509 : i32
      %min3A_511 = arith.constant 4999 : i32
      %min3A_512 = arith.minsi %add3A_510, %min3A_511 : i32
      %mul3A_513 = arith.constant 64 : i32
      %mul3A_514 = arith.muli %min3A_512, %mul3A_513 : i32
      %dma_wait3A_515 = arith.constant 0 : i32
      %dma_wait3A_516 = arith.constant 4 : i32
      %dma_wait3A_517 = arith.constant 0 : i32
      %dma_wait3A_518 = arith.constant 0 : i32
      %dma_wait3A_519 = tpu.memref_slice %arg6[%dma_wait3A_516, %dma_wait3A_517, %dma_wait3A_518] : memref<10x2x64xi32, #tpu.memory_space<vmem>> -> memref<1x1x64xi32, #tpu.memory_space<vmem>>
      %dma_wait3A_520 = tpu.memref_squeeze %dma_wait3A_519 : memref<1x1x64xi32, #tpu.memory_space<vmem>> -> memref<64xi32, #tpu.memory_space<vmem>>
      %dma_wait3A_521 = tpu.memref_slice %arg3[%dma_wait3A_515, %mul3A_514] : memref<2x320000xi32, #tpu.memory_space<hbm>> -> memref<1x64xi32, #tpu.memory_space<hbm>>
      %dma_wait3A_522 = tpu.memref_squeeze %dma_wait3A_521 : memref<1x64xi32, #tpu.memory_space<hbm>> -> memref<64xi32, #tpu.memory_space<hbm>>
      %dma_wait3A_523 = arith.constant 0 : i32
      %dma_wait3A_524 = tpu.memref_slice %arg6[%dma_wait3A_516, %dma_wait3A_517, %dma_wait3A_523] : memref<10x2x64xi32, #tpu.memory_space<vmem>> -> memref<1x1x64xi32, #tpu.memory_space<vmem>>
      %dma_wait3A_525 = tpu.memref_squeeze %dma_wait3A_524 : memref<1x1x64xi32, #tpu.memory_space<vmem>> -> memref<64xi32, #tpu.memory_space<vmem>>
      %dma_wait3A_526 = tpu.memref_slice %arg3[%dma_wait3A_515, %mul3A_514] : memref<2x320000xi32, #tpu.memory_space<hbm>> -> memref<1x64xi32, #tpu.memory_space<hbm>>
      %dma_wait3A_527 = tpu.memref_squeeze %dma_wait3A_526 : memref<1x64xi32, #tpu.memory_space<hbm>> -> memref<64xi32, #tpu.memory_space<hbm>>
      tpu.wait_dma2 semaphore(%arg17 : memref<!tpu.dma_semaphore, #tpu.memory_space<semaphore_mem>>) src(%dma_wait3A_527 : memref<64xi32, #tpu.memory_space<hbm>>) dst(%dma_wait3A_525 : memref<64xi32, #tpu.memory_space<vmem>>)
      %dma_wait3A_528 = arith.constant 1 : i32
      %dma_wait3A_529 = arith.constant 4 : i32
      %dma_wait3A_530 = arith.constant 1 : i32
      %dma_wait3A_531 = arith.constant 0 : i32
      %dma_wait3A_532 = tpu.memref_slice %arg6[%dma_wait3A_529, %dma_wait3A_530, %dma_wait3A_531] : memref<10x2x64xi32, #tpu.memory_space<vmem>> -> memref<1x1x64xi32, #tpu.memory_space<vmem>>
      %dma_wait3A_533 = tpu.memref_squeeze %dma_wait3A_532 : memref<1x1x64xi32, #tpu.memory_space<vmem>> -> memref<64xi32, #tpu.memory_space<vmem>>
      %dma_wait3A_534 = tpu.memref_slice %arg3[%dma_wait3A_528, %mul3A_514] : memref<2x320000xi32, #tpu.memory_space<hbm>> -> memref<1x64xi32, #tpu.memory_space<hbm>>
      %dma_wait3A_535 = tpu.memref_squeeze %dma_wait3A_534 : memref<1x64xi32, #tpu.memory_space<hbm>> -> memref<64xi32, #tpu.memory_space<hbm>>
      %dma_wait3A_536 = arith.constant 0 : i32
      %dma_wait3A_537 = tpu.memref_slice %arg6[%dma_wait3A_529, %dma_wait3A_530, %dma_wait3A_536] : memref<10x2x64xi32, #tpu.memory_space<vmem>> -> memref<1x1x64xi32, #tpu.memory_space<vmem>>
      %dma_wait3A_538 = tpu.memref_squeeze %dma_wait3A_537 : memref<1x1x64xi32, #tpu.memory_space<vmem>> -> memref<64xi32, #tpu.memory_space<vmem>>
      %dma_wait3A_539 = tpu.memref_slice %arg3[%dma_wait3A_528, %mul3A_514] : memref<2x320000xi32, #tpu.memory_space<hbm>> -> memref<1x64xi32, #tpu.memory_space<hbm>>
      %dma_wait3A_540 = tpu.memref_squeeze %dma_wait3A_539 : memref<1x64xi32, #tpu.memory_space<hbm>> -> memref<64xi32, #tpu.memory_space<hbm>>
      tpu.wait_dma2 semaphore(%arg27 : memref<!tpu.dma_semaphore, #tpu.memory_space<semaphore_mem>>) src(%dma_wait3A_540 : memref<64xi32, #tpu.memory_space<hbm>>) dst(%dma_wait3A_538 : memref<64xi32, #tpu.memory_space<vmem>>)
      %mul3A_541 = arith.constant 32 : i32
      %mul3A_542 = arith.muli %mul3A_541, %add3A_502 : i32
      %add3A_543 = arith.addi %add3A, %mul3A_542 : i32
      %ge3A_544 = arith.constant 5000 : i32
      %ge3A_545 = arith.cmpi sge, %add3A_543, %ge3A_544 : i32
      %convert_element_type3A_546 = arith.extui %ge3A_545 : i1 to i32
      %cond3A_547 = arith.constant 0 : i32
      %cond3A_548 = arith.cmpi ne, %convert_element_type3A_546, %cond3A_547 : i32
      scf.if %cond3A_548 {
        %broadcast_in_dim3A = arith.constant -1 : i32
        %broadcast_in_dim3A_915 = vector.broadcast %broadcast_in_dim3A : i32 to vector<16xi32>
        %swap3A = arith.constant 4 : i32
        %swap3A_916 = arith.constant 0 : i32
        %swap3A_917 = arith.index_cast %swap3A : i32 to index
        %swap3A_918 = arith.index_cast %swap3A_916 : i32 to index
        %swap3A_919 = arith.constant 0 : index
        %swap3A_920 = tpu.vector_load %arg6[%swap3A_917, %swap3A_918, %swap3A_919] {strides = array<i32>} : memref<10x2x64xi32, #tpu.memory_space<vmem>>, vector<1x1x16xi32>,
        %swap3A_921 = vector.shape_cast %swap3A_920 : vector<1x1x16xi32> to vector<16xi32>
        %swap3A_922 = vector.shape_cast %broadcast_in_dim3A_915 : vector<16xi32> to vector<1x1x16xi32>
        tpu.vector_store %arg6[%swap3A_917, %swap3A_918, %swap3A_919], %swap3A_922 {strides = array<i32>} : memref<10x2x64xi32, #tpu.memory_space<vmem>>, vector<1x1x16xi32>,
        %swap3A_923 = arith.constant 4 : i32
        %swap3A_924 = arith.constant 0 : i32
        %swap3A_925 = arith.index_cast %swap3A_923 : i32 to index
        %swap3A_926 = arith.index_cast %swap3A_924 : i32 to index
        %swap3A_927 = arith.constant 16 : index
        %swap3A_928 = tpu.vector_load %arg6[%swap3A_925, %swap3A_926, %swap3A_927] {strides = array<i32>} : memref<10x2x64xi32, #tpu.memory_space<vmem>>, vector<1x1x16xi32>,
        %swap3A_929 = vector.shape_cast %swap3A_928 : vector<1x1x16xi32> to vector<16xi32>
        %swap3A_930 = vector.shape_cast %broadcast_in_dim3A_915 : vector<16xi32> to vector<1x1x16xi32>
        tpu.vector_store %arg6[%swap3A_925, %swap3A_926, %swap3A_927], %swap3A_930 {strides = array<i32>} : memref<10x2x64xi32, #tpu.memory_space<vmem>>, vector<1x1x16xi32>,
        %swap3A_931 = arith.constant 4 : i32
        %swap3A_932 = arith.constant 0 : i32
        %swap3A_933 = arith.index_cast %swap3A_931 : i32 to index
        %swap3A_934 = arith.index_cast %swap3A_932 : i32 to index
        %swap3A_935 = arith.constant 32 : index
        %swap3A_936 = tpu.vector_load %arg6[%swap3A_933, %swap3A_934, %swap3A_935] {strides = array<i32>} : memref<10x2x64xi32, #tpu.memory_space<vmem>>, vector<1x1x16xi32>,
        %swap3A_937 = vector.shape_cast %swap3A_936 : vector<1x1x16xi32> to vector<16xi32>
        %swap3A_938 = vector.shape_cast %broadcast_in_dim3A_915 : vector<16xi32> to vector<1x1x16xi32>
        tpu.vector_store %arg6[%swap3A_933, %swap3A_934, %swap3A_935], %swap3A_938 {strides = array<i32>} : memref<10x2x64xi32, #tpu.memory_space<vmem>>, vector<1x1x16xi32>,
        %swap3A_939 = arith.constant 4 : i32
        %swap3A_940 = arith.constant 0 : i32
        %swap3A_941 = arith.index_cast %swap3A_939 : i32 to index
        %swap3A_942 = arith.index_cast %swap3A_940 : i32 to index
        %swap3A_943 = arith.constant 48 : index
        %swap3A_944 = tpu.vector_load %arg6[%swap3A_941, %swap3A_942, %swap3A_943] {strides = array<i32>} : memref<10x2x64xi32, #tpu.memory_space<vmem>>, vector<1x1x16xi32>,
        %swap3A_945 = vector.shape_cast %swap3A_944 : vector<1x1x16xi32> to vector<16xi32>
        %swap3A_946 = vector.shape_cast %broadcast_in_dim3A_915 : vector<16xi32> to vector<1x1x16xi32>
        tpu.vector_store %arg6[%swap3A_941, %swap3A_942, %swap3A_943], %swap3A_946 {strides = array<i32>} : memref<10x2x64xi32, #tpu.memory_space<vmem>>, vector<1x1x16xi32>,
        %swap3A_947 = arith.constant 4 : i32
        %swap3A_948 = arith.constant 1 : i32
        %swap3A_949 = arith.index_cast %swap3A_947 : i32 to index
        %swap3A_950 = arith.index_cast %swap3A_948 : i32 to index
        %swap3A_951 = arith.constant 0 : index
        %swap3A_952 = tpu.vector_load %arg6[%swap3A_949, %swap3A_950, %swap3A_951] {strides = array<i32>} : memref<10x2x64xi32, #tpu.memory_space<vmem>>, vector<1x1x16xi32>,
        %swap3A_953 = vector.shape_cast %swap3A_952 : vector<1x1x16xi32> to vector<16xi32>
        %swap3A_954 = vector.shape_cast %broadcast_in_dim3A_915 : vector<16xi32> to vector<1x1x16xi32>
        tpu.vector_store %arg6[%swap3A_949, %swap3A_950, %swap3A_951], %swap3A_954 {strides = array<i32>} : memref<10x2x64xi32, #tpu.memory_space<vmem>>, vector<1x1x16xi32>,
        %swap3A_955 = arith.constant 4 : i32
        %swap3A_956 = arith.constant 1 : i32
        %swap3A_957 = arith.index_cast %swap3A_955 : i32 to index
        %swap3A_958 = arith.index_cast %swap3A_956 : i32 to index
        %swap3A_959 = arith.constant 16 : index
        %swap3A_960 = tpu.vector_load %arg6[%swap3A_957, %swap3A_958, %swap3A_959] {strides = array<i32>} : memref<10x2x64xi32, #tpu.memory_space<vmem>>, vector<1x1x16xi32>,
        %swap3A_961 = vector.shape_cast %swap3A_960 : vector<1x1x16xi32> to vector<16xi32>
        %swap3A_962 = vector.shape_cast %broadcast_in_dim3A_915 : vector<16xi32> to vector<1x1x16xi32>
        tpu.vector_store %arg6[%swap3A_957, %swap3A_958, %swap3A_959], %swap3A_962 {strides = array<i32>} : memref<10x2x64xi32, #tpu.memory_space<vmem>>, vector<1x1x16xi32>,
        %swap3A_963 = arith.constant 4 : i32
        %swap3A_964 = arith.constant 1 : i32
        %swap3A_965 = arith.index_cast %swap3A_963 : i32 to index
        %swap3A_966 = arith.index_cast %swap3A_964 : i32 to index
        %swap3A_967 = arith.constant 32 : index
        %swap3A_968 = tpu.vector_load %arg6[%swap3A_965, %swap3A_966, %swap3A_967] {strides = array<i32>} : memref<10x2x64xi32, #tpu.memory_space<vmem>>, vector<1x1x16xi32>,
        %swap3A_969 = vector.shape_cast %swap3A_968 : vector<1x1x16xi32> to vector<16xi32>
        %swap3A_970 = vector.shape_cast %broadcast_in_dim3A_915 : vector<16xi32> to vector<1x1x16xi32>
        tpu.vector_store %arg6[%swap3A_965, %swap3A_966, %swap3A_967], %swap3A_970 {strides = array<i32>} : memref<10x2x64xi32, #tpu.memory_space<vmem>>, vector<1x1x16xi32>,
        %swap3A_971 = arith.constant 4 : i32
        %swap3A_972 = arith.constant 1 : i32
        %swap3A_973 = arith.index_cast %swap3A_971 : i32 to index
        %swap3A_974 = arith.index_cast %swap3A_972 : i32 to index
        %swap3A_975 = arith.constant 48 : index
        %swap3A_976 = tpu.vector_load %arg6[%swap3A_973, %swap3A_974, %swap3A_975] {strides = array<i32>} : memref<10x2x64xi32, #tpu.memory_space<vmem>>, vector<1x1x16xi32>,
        %swap3A_977 = vector.shape_cast %swap3A_976 : vector<1x1x16xi32> to vector<16xi32>
        %swap3A_978 = vector.shape_cast %broadcast_in_dim3A_915 : vector<16xi32> to vector<1x1x16xi32>
        tpu.vector_store %arg6[%swap3A_973, %swap3A_974, %swap3A_975], %swap3A_978 {strides = array<i32>} : memref<10x2x64xi32, #tpu.memory_space<vmem>>, vector<1x1x16xi32>,
      } else {
      }
      %dma_start3A_549 = arith.constant 4 : i32
      %dma_start3A_550 = arith.constant 0 : i32
      %dma_start3A_551 = arith.constant 0 : i32
      %dma_start3A_552 = tpu.memref_slice %arg6[%dma_start3A_549, %dma_start3A_550, %dma_start3A_551] : memref<10x2x64xi32, #tpu.memory_space<vmem>> -> memref<1x1x64xi32, #tpu.memory_space<vmem>>
      %dma_start3A_553 = tpu.memref_squeeze %dma_start3A_552 : memref<1x1x64xi32, #tpu.memory_space<vmem>> -> memref<64xi32, #tpu.memory_space<vmem>>
      %dma_start3A_554 = arith.constant 0 : i32
      %dma_start3A_555 = arith.constant 0 : i32
      %dma_start3A_556 = tpu.memref_slice %arg2[%dma_start3A_554, %dma_start3A_555] : memref<10000x128xf32, #tpu.memory_space<hbm>> -> memref<10000x128xf32, #tpu.memory_space<hbm>>
      %dma_start3A_557 = arith.constant -1 : i32
      tpu.enqueue_indirect_dma source(%dma_start3A_556 : memref<10000x128xf32, #tpu.memory_space<hbm>>) target(%arg11 : memref<64x128xf32, #tpu.memory_space<vmem>>) offsets(%dma_start3A_553 : memref<64xi32, #tpu.memory_space<vmem>>) offset_filter(%dma_start3A_557) semaphore(%arg37 : memref<!tpu.dma_semaphore, #tpu.memory_space<semaphore_mem>>)
      %ge3A_558 = arith.constant 4 : i32
      %ge3A_559 = arith.cmpi sge, %add3A_502, %ge3A_558 : i32
      %convert_element_type3A_560 = arith.extui %ge3A_559 : i1 to i32
      %cond3A_561 = arith.constant 0 : i32
      %cond3A_562 = arith.cmpi ne, %convert_element_type3A_560, %cond3A_561 : i32
      scf.if %cond3A_562 {
        %dma_wait3A_915 = arith.constant 0 : i32
        %dma_wait3A_916 = arith.constant 0 : i32
        %dma_wait3A_917 = arith.constant 0 : i32
        %dma_wait3A_918 = tpu.memref_slice %arg6[%dma_wait3A_915, %dma_wait3A_916, %dma_wait3A_917] : memref<10x2x64xi32, #tpu.memory_space<vmem>> -> memref<1x1x64xi32, #tpu.memory_space<vmem>>
        %dma_wait3A_919 = tpu.memref_squeeze %dma_wait3A_918 : memref<1x1x64xi32, #tpu.memory_space<vmem>> -> memref<64xi32, #tpu.memory_space<vmem>>
        %dma_wait3A_920 = arith.constant 0 : i32
        %dma_wait3A_921 = arith.constant 0 : i32
        %dma_wait3A_922 = tpu.memref_slice %arg2[%dma_wait3A_920, %dma_wait3A_921] : memref<10000x128xf32, #tpu.memory_space<hbm>> -> memref<10000x128xf32, #tpu.memory_space<hbm>>
        tpu.wait_indirect_dma semaphore(%arg33 : memref<!tpu.dma_semaphore, #tpu.memory_space<semaphore_mem>>) src(%dma_wait3A_922 : memref<10000x128xf32, #tpu.memory_space<hbm>>) dst(%arg7 : memref<64x128xf32, #tpu.memory_space<vmem>>)
        %dma_start3A_923 = arith.constant 0 : i32
        %dma_start3A_924 = arith.constant 1 : i32
        %dma_start3A_925 = arith.constant 0 : i32
        %dma_start3A_926 = tpu.memref_slice %arg6[%dma_start3A_923, %dma_start3A_924, %dma_start3A_925] : memref<10x2x64xi32, #tpu.memory_space<vmem>> -> memref<1x1x64xi32, #tpu.memory_space<vmem>>
        %dma_start3A_927 = tpu.memref_squeeze %dma_start3A_926 : memref<1x1x64xi32, #tpu.memory_space<vmem>> -> memref<64xi32, #tpu.memory_space<vmem>>
        %dma_start3A_928 = arith.constant 0 : i32
        %dma_start3A_929 = arith.constant 0 : i32
        %dma_start3A_930 = tpu.memref_slice %arg12[%dma_start3A_928, %dma_start3A_929] : memref<10112x128xf32, #tpu.memory_space<vmem_shared>> -> memref<10112x128xf32, #tpu.memory_space<vmem_shared>>
        %dma_start3A_931 = arith.constant -1 : i32
        tpu.enqueue_indirect_dma source(%arg7 : memref<64x128xf32, #tpu.memory_space<vmem>>) target(%dma_start3A_930 : memref<10112x128xf32, #tpu.memory_space<vmem_shared>>) offsets(%dma_start3A_927 : memref<64xi32, #tpu.memory_space<vmem>>) offset_filter(%dma_start3A_931) semaphore(%arg38 : memref<!tpu.dma_semaphore, #tpu.memory_space<semaphore_mem>>) {add = true}
      } else {
      }
      %add3A_563 = arith.constant 5 : i32
      %add3A_564 = arith.addi %add3A_502, %add3A_563 : i32
      %lt3A_565 = arith.constant 160 : i32
      %lt3A_566 = arith.cmpi slt, %add3A_564, %lt3A_565 : i32
      %convert_element_type3A_567 = arith.extui %lt3A_566 : i1 to i32
      %cond3A_568 = arith.constant 0 : i32
      %cond3A_569 = arith.cmpi ne, %convert_element_type3A_567, %cond3A_568 : i32
      scf.if %cond3A_569 {
        %add3A_915 = arith.constant 5 : i32
        %add3A_916 = arith.addi %add3A_502, %add3A_915 : i32
        %mul3A_917 = arith.constant 32 : i32
        %mul3A_918 = arith.muli %mul3A_917, %add3A_916 : i32
        %add3A_919 = arith.addi %add3A, %mul3A_918 : i32
        %min3A_920 = arith.constant 4999 : i32
        %min3A_921 = arith.minsi %add3A_919, %min3A_920 : i32
        %mul3A_922 = arith.constant 64 : i32
        %mul3A_923 = arith.muli %min3A_921, %mul3A_922 : i32
        %dma_start3A_924 = arith.constant 0 : i32
        %dma_start3A_925 = arith.constant 9 : i32
        %dma_start3A_926 = arith.constant 0 : i32
        %dma_start3A_927 = arith.constant 0 : i32
        %dma_start3A_928 = tpu.memref_slice %arg6[%dma_start3A_925, %dma_start3A_926, %dma_start3A_927] : memref<10x2x64xi32, #tpu.memory_space<vmem>> -> memref<1x1x64xi32, #tpu.memory_space<vmem>>
        %dma_start3A_929 = tpu.memref_squeeze %dma_start3A_928 : memref<1x1x64xi32, #tpu.memory_space<vmem>> -> memref<64xi32, #tpu.memory_space<vmem>>
        %dma_start3A_930 = tpu.memref_slice %arg3[%dma_start3A_924, %mul3A_923] : memref<2x320000xi32, #tpu.memory_space<hbm>> -> memref<1x64xi32, #tpu.memory_space<hbm>>
        %dma_start3A_931 = tpu.memref_squeeze %dma_start3A_930 : memref<1x64xi32, #tpu.memory_space<hbm>> -> memref<64xi32, #tpu.memory_space<hbm>>
        %dma_start3A_932 = arith.constant 0 : i32
        %dma_start3A_933 = tpu.memref_slice %arg6[%dma_start3A_925, %dma_start3A_926, %dma_start3A_932] : memref<10x2x64xi32, #tpu.memory_space<vmem>> -> memref<1x1x64xi32, #tpu.memory_space<vmem>>
        %dma_start3A_934 = tpu.memref_squeeze %dma_start3A_933 : memref<1x1x64xi32, #tpu.memory_space<vmem>> -> memref<64xi32, #tpu.memory_space<vmem>>
        %dma_start3A_935 = tpu.memref_slice %arg3[%dma_start3A_924, %mul3A_923] : memref<2x320000xi32, #tpu.memory_space<hbm>> -> memref<1x64xi32, #tpu.memory_space<hbm>>
        %dma_start3A_936 = tpu.memref_squeeze %dma_start3A_935 : memref<1x64xi32, #tpu.memory_space<hbm>> -> memref<64xi32, #tpu.memory_space<hbm>>
        tpu.enqueue_dma source(%dma_start3A_936 : memref<64xi32, #tpu.memory_space<hbm>>) target(%dma_start3A_934 : memref<64xi32, #tpu.memory_space<vmem>>) target_semaphore(%arg22 : memref<!tpu.dma_semaphore, #tpu.memory_space<semaphore_mem>>)
        %dma_start3A_937 = arith.constant 1 : i32
        %dma_start3A_938 = arith.constant 9 : i32
        %dma_start3A_939 = arith.constant 1 : i32
        %dma_start3A_940 = arith.constant 0 : i32
        %dma_start3A_941 = tpu.memref_slice %arg6[%dma_start3A_938, %dma_start3A_939, %dma_start3A_940] : memref<10x2x64xi32, #tpu.memory_space<vmem>> -> memref<1x1x64xi32, #tpu.memory_space<vmem>>
        %dma_start3A_942 = tpu.memref_squeeze %dma_start3A_941 : memref<1x1x64xi32, #tpu.memory_space<vmem>> -> memref<64xi32, #tpu.memory_space<vmem>>
        %dma_start3A_943 = tpu.memref_slice %arg3[%dma_start3A_937, %mul3A_923] : memref<2x320000xi32, #tpu.memory_space<hbm>> -> memref<1x64xi32, #tpu.memory_space<hbm>>
        %dma_start3A_944 = tpu.memref_squeeze %dma_start3A_943 : memref<1x64xi32, #tpu.memory_space<hbm>> -> memref<64xi32, #tpu.memory_space<hbm>>
        %dma_start3A_945 = arith.constant 0 : i32
        %dma_start3A_946 = tpu.memref_slice %arg6[%dma_start3A_938, %dma_start3A_939, %dma_start3A_945] : memref<10x2x64xi32, #tpu.memory_space<vmem>> -> memref<1x1x64xi32, #tpu.memory_space<vmem>>
        %dma_start3A_947 = tpu.memref_squeeze %dma_start3A_946 : memref<1x1x64xi32, #tpu.memory_space<vmem>> -> memref<64xi32, #tpu.memory_space<vmem>>
        %dma_start3A_948 = tpu.memref_slice %arg3[%dma_start3A_937, %mul3A_923] : memref<2x320000xi32, #tpu.memory_space<hbm>> -> memref<1x64xi32, #tpu.memory_space<hbm>>
        %dma_start3A_949 = tpu.memref_squeeze %dma_start3A_948 : memref<1x64xi32, #tpu.memory_space<hbm>> -> memref<64xi32, #tpu.memory_space<hbm>>
        tpu.enqueue_dma source(%dma_start3A_949 : memref<64xi32, #tpu.memory_space<hbm>>) target(%dma_start3A_947 : memref<64xi32, #tpu.memory_space<vmem>>) target_semaphore(%arg32 : memref<!tpu.dma_semaphore, #tpu.memory_space<semaphore_mem>>)
      } else {
      }
      %add3A_570 = arith.constant 5 : i32
      %add3A_571 = arith.addi %add3A_226, %add3A_570 : i32
      %ge3A_572 = arith.constant 5 : i32
      %ge3A_573 = arith.cmpi sge, %add3A_571, %ge3A_572 : i32
      %convert_element_type3A_574 = arith.extui %ge3A_573 : i1 to i32
      %cond3A_575 = arith.constant 0 : i32
      %cond3A_576 = arith.cmpi ne, %convert_element_type3A_574, %cond3A_575 : i32
      scf.if %cond3A_576 {
        %dma_wait3A_915 = arith.constant 0 : i32
        %dma_wait3A_916 = arith.constant 1 : i32
        %dma_wait3A_917 = arith.constant 0 : i32
        %dma_wait3A_918 = tpu.memref_slice %arg6[%dma_wait3A_915, %dma_wait3A_916, %dma_wait3A_917] : memref<10x2x64xi32, #tpu.memory_space<vmem>> -> memref<1x1x64xi32, #tpu.memory_space<vmem>>
        %dma_wait3A_919 = tpu.memref_squeeze %dma_wait3A_918 : memref<1x1x64xi32, #tpu.memory_space<vmem>> -> memref<64xi32, #tpu.memory_space<vmem>>
        %dma_wait3A_920 = arith.constant 0 : i32
        %dma_wait3A_921 = arith.constant 0 : i32
        %dma_wait3A_922 = tpu.memref_slice %arg12[%dma_wait3A_920, %dma_wait3A_921] : memref<10112x128xf32, #tpu.memory_space<vmem_shared>> -> memref<10112x128xf32, #tpu.memory_space<vmem_shared>>
        tpu.wait_indirect_dma semaphore(%arg38 : memref<!tpu.dma_semaphore, #tpu.memory_space<semaphore_mem>>) src(%arg7 : memref<64x128xf32, #tpu.memory_space<vmem>>) dst(%dma_wait3A_922 : memref<10112x128xf32, #tpu.memory_space<vmem_shared>>)
      } else {
      }
      %mul3A_577 = arith.constant 32 : i32
      %mul3A_578 = arith.muli %mul3A_577, %add3A_571 : i32
      %add3A_579 = arith.addi %add3A, %mul3A_578 : i32
      %min3A_580 = arith.constant 4999 : i32
      %min3A_581 = arith.minsi %add3A_579, %min3A_580 : i32
      %mul3A_582 = arith.constant 64 : i32
      %mul3A_583 = arith.muli %min3A_581, %mul3A_582 : i32
      %dma_wait3A_584 = arith.constant 0 : i32
      %dma_wait3A_585 = arith.constant 5 : i32
      %dma_wait3A_586 = arith.constant 0 : i32
      %dma_wait3A_587 = arith.constant 0 : i32
      %dma_wait3A_588 = tpu.memref_slice %arg6[%dma_wait3A_585, %dma_wait3A_586, %dma_wait3A_587] : memref<10x2x64xi32, #tpu.memory_space<vmem>> -> memref<1x1x64xi32, #tpu.memory_space<vmem>>
      %dma_wait3A_589 = tpu.memref_squeeze %dma_wait3A_588 : memref<1x1x64xi32, #tpu.memory_space<vmem>> -> memref<64xi32, #tpu.memory_space<vmem>>
      %dma_wait3A_590 = tpu.memref_slice %arg3[%dma_wait3A_584, %mul3A_583] : memref<2x320000xi32, #tpu.memory_space<hbm>> -> memref<1x64xi32, #tpu.memory_space<hbm>>
      %dma_wait3A_591 = tpu.memref_squeeze %dma_wait3A_590 : memref<1x64xi32, #tpu.memory_space<hbm>> -> memref<64xi32, #tpu.memory_space<hbm>>
      %dma_wait3A_592 = arith.constant 0 : i32
      %dma_wait3A_593 = tpu.memref_slice %arg6[%dma_wait3A_585, %dma_wait3A_586, %dma_wait3A_592] : memref<10x2x64xi32, #tpu.memory_space<vmem>> -> memref<1x1x64xi32, #tpu.memory_space<vmem>>
      %dma_wait3A_594 = tpu.memref_squeeze %dma_wait3A_593 : memref<1x1x64xi32, #tpu.memory_space<vmem>> -> memref<64xi32, #tpu.memory_space<vmem>>
      %dma_wait3A_595 = tpu.memref_slice %arg3[%dma_wait3A_584, %mul3A_583] : memref<2x320000xi32, #tpu.memory_space<hbm>> -> memref<1x64xi32, #tpu.memory_space<hbm>>
      %dma_wait3A_596 = tpu.memref_squeeze %dma_wait3A_595 : memref<1x64xi32, #tpu.memory_space<hbm>> -> memref<64xi32, #tpu.memory_space<hbm>>
      tpu.wait_dma2 semaphore(%arg18 : memref<!tpu.dma_semaphore, #tpu.memory_space<semaphore_mem>>) src(%dma_wait3A_596 : memref<64xi32, #tpu.memory_space<hbm>>) dst(%dma_wait3A_594 : memref<64xi32, #tpu.memory_space<vmem>>)
      %dma_wait3A_597 = arith.constant 1 : i32
      %dma_wait3A_598 = arith.constant 5 : i32
      %dma_wait3A_599 = arith.constant 1 : i32
      %dma_wait3A_600 = arith.constant 0 : i32
      %dma_wait3A_601 = tpu.memref_slice %arg6[%dma_wait3A_598, %dma_wait3A_599, %dma_wait3A_600] : memref<10x2x64xi32, #tpu.memory_space<vmem>> -> memref<1x1x64xi32, #tpu.memory_space<vmem>>
      %dma_wait3A_602 = tpu.memref_squeeze %dma_wait3A_601 : memref<1x1x64xi32, #tpu.memory_space<vmem>> -> memref<64xi32, #tpu.memory_space<vmem>>
      %dma_wait3A_603 = tpu.memref_slice %arg3[%dma_wait3A_597, %mul3A_583] : memref<2x320000xi32, #tpu.memory_space<hbm>> -> memref<1x64xi32, #tpu.memory_space<hbm>>
      %dma_wait3A_604 = tpu.memref_squeeze %dma_wait3A_603 : memref<1x64xi32, #tpu.memory_space<hbm>> -> memref<64xi32, #tpu.memory_space<hbm>>
      %dma_wait3A_605 = arith.constant 0 : i32
      %dma_wait3A_606 = tpu.memref_slice %arg6[%dma_wait3A_598, %dma_wait3A_599, %dma_wait3A_605] : memref<10x2x64xi32, #tpu.memory_space<vmem>> -> memref<1x1x64xi32, #tpu.memory_space<vmem>>
      %dma_wait3A_607 = tpu.memref_squeeze %dma_wait3A_606 : memref<1x1x64xi32, #tpu.memory_space<vmem>> -> memref<64xi32, #tpu.memory_space<vmem>>
      %dma_wait3A_608 = tpu.memref_slice %arg3[%dma_wait3A_597, %mul3A_583] : memref<2x320000xi32, #tpu.memory_space<hbm>> -> memref<1x64xi32, #tpu.memory_space<hbm>>
      %dma_wait3A_609 = tpu.memref_squeeze %dma_wait3A_608 : memref<1x64xi32, #tpu.memory_space<hbm>> -> memref<64xi32, #tpu.memory_space<hbm>>
      tpu.wait_dma2 semaphore(%arg28 : memref<!tpu.dma_semaphore, #tpu.memory_space<semaphore_mem>>) src(%dma_wait3A_609 : memref<64xi32, #tpu.memory_space<hbm>>) dst(%dma_wait3A_607 : memref<64xi32, #tpu.memory_space<vmem>>)
      %mul3A_610 = arith.constant 32 : i32
      %mul3A_611 = arith.muli %mul3A_610, %add3A_571 : i32
      %add3A_612 = arith.addi %add3A, %mul3A_611 : i32
      %ge3A_613 = arith.constant 5000 : i32
      %ge3A_614 = arith.cmpi sge, %add3A_612, %ge3A_613 : i32
      %convert_element_type3A_615 = arith.extui %ge3A_614 : i1 to i32
      %cond3A_616 = arith.constant 0 : i32
      %cond3A_617 = arith.cmpi ne, %convert_element_type3A_615, %cond3A_616 : i32
      scf.if %cond3A_617 {
        %broadcast_in_dim3A = arith.constant -1 : i32
        %broadcast_in_dim3A_915 = vector.broadcast %broadcast_in_dim3A : i32 to vector<16xi32>
        %swap3A = arith.constant 5 : i32
        %swap3A_916 = arith.constant 0 : i32
        %swap3A_917 = arith.index_cast %swap3A : i32 to index
        %swap3A_918 = arith.index_cast %swap3A_916 : i32 to index
        %swap3A_919 = arith.constant 0 : index
        %swap3A_920 = tpu.vector_load %arg6[%swap3A_917, %swap3A_918, %swap3A_919] {strides = array<i32>} : memref<10x2x64xi32, #tpu.memory_space<vmem>>, vector<1x1x16xi32>,
        %swap3A_921 = vector.shape_cast %swap3A_920 : vector<1x1x16xi32> to vector<16xi32>
        %swap3A_922 = vector.shape_cast %broadcast_in_dim3A_915 : vector<16xi32> to vector<1x1x16xi32>
        tpu.vector_store %arg6[%swap3A_917, %swap3A_918, %swap3A_919], %swap3A_922 {strides = array<i32>} : memref<10x2x64xi32, #tpu.memory_space<vmem>>, vector<1x1x16xi32>,
        %swap3A_923 = arith.constant 5 : i32
        %swap3A_924 = arith.constant 0 : i32
        %swap3A_925 = arith.index_cast %swap3A_923 : i32 to index
        %swap3A_926 = arith.index_cast %swap3A_924 : i32 to index
        %swap3A_927 = arith.constant 16 : index
        %swap3A_928 = tpu.vector_load %arg6[%swap3A_925, %swap3A_926, %swap3A_927] {strides = array<i32>} : memref<10x2x64xi32, #tpu.memory_space<vmem>>, vector<1x1x16xi32>,
        %swap3A_929 = vector.shape_cast %swap3A_928 : vector<1x1x16xi32> to vector<16xi32>
        %swap3A_930 = vector.shape_cast %broadcast_in_dim3A_915 : vector<16xi32> to vector<1x1x16xi32>
        tpu.vector_store %arg6[%swap3A_925, %swap3A_926, %swap3A_927], %swap3A_930 {strides = array<i32>} : memref<10x2x64xi32, #tpu.memory_space<vmem>>, vector<1x1x16xi32>,
        %swap3A_931 = arith.constant 5 : i32
        %swap3A_932 = arith.constant 0 : i32
        %swap3A_933 = arith.index_cast %swap3A_931 : i32 to index
        %swap3A_934 = arith.index_cast %swap3A_932 : i32 to index
        %swap3A_935 = arith.constant 32 : index
        %swap3A_936 = tpu.vector_load %arg6[%swap3A_933, %swap3A_934, %swap3A_935] {strides = array<i32>} : memref<10x2x64xi32, #tpu.memory_space<vmem>>, vector<1x1x16xi32>,
        %swap3A_937 = vector.shape_cast %swap3A_936 : vector<1x1x16xi32> to vector<16xi32>
        %swap3A_938 = vector.shape_cast %broadcast_in_dim3A_915 : vector<16xi32> to vector<1x1x16xi32>
        tpu.vector_store %arg6[%swap3A_933, %swap3A_934, %swap3A_935], %swap3A_938 {strides = array<i32>} : memref<10x2x64xi32, #tpu.memory_space<vmem>>, vector<1x1x16xi32>,
        %swap3A_939 = arith.constant 5 : i32
        %swap3A_940 = arith.constant 0 : i32
        %swap3A_941 = arith.index_cast %swap3A_939 : i32 to index
        %swap3A_942 = arith.index_cast %swap3A_940 : i32 to index
        %swap3A_943 = arith.constant 48 : index
        %swap3A_944 = tpu.vector_load %arg6[%swap3A_941, %swap3A_942, %swap3A_943] {strides = array<i32>} : memref<10x2x64xi32, #tpu.memory_space<vmem>>, vector<1x1x16xi32>,
        %swap3A_945 = vector.shape_cast %swap3A_944 : vector<1x1x16xi32> to vector<16xi32>
        %swap3A_946 = vector.shape_cast %broadcast_in_dim3A_915 : vector<16xi32> to vector<1x1x16xi32>
        tpu.vector_store %arg6[%swap3A_941, %swap3A_942, %swap3A_943], %swap3A_946 {strides = array<i32>} : memref<10x2x64xi32, #tpu.memory_space<vmem>>, vector<1x1x16xi32>,
        %swap3A_947 = arith.constant 5 : i32
        %swap3A_948 = arith.constant 1 : i32
        %swap3A_949 = arith.index_cast %swap3A_947 : i32 to index
        %swap3A_950 = arith.index_cast %swap3A_948 : i32 to index
        %swap3A_951 = arith.constant 0 : index
        %swap3A_952 = tpu.vector_load %arg6[%swap3A_949, %swap3A_950, %swap3A_951] {strides = array<i32>} : memref<10x2x64xi32, #tpu.memory_space<vmem>>, vector<1x1x16xi32>,
        %swap3A_953 = vector.shape_cast %swap3A_952 : vector<1x1x16xi32> to vector<16xi32>
        %swap3A_954 = vector.shape_cast %broadcast_in_dim3A_915 : vector<16xi32> to vector<1x1x16xi32>
        tpu.vector_store %arg6[%swap3A_949, %swap3A_950, %swap3A_951], %swap3A_954 {strides = array<i32>} : memref<10x2x64xi32, #tpu.memory_space<vmem>>, vector<1x1x16xi32>,
        %swap3A_955 = arith.constant 5 : i32
        %swap3A_956 = arith.constant 1 : i32
        %swap3A_957 = arith.index_cast %swap3A_955 : i32 to index
        %swap3A_958 = arith.index_cast %swap3A_956 : i32 to index
        %swap3A_959 = arith.constant 16 : index
        %swap3A_960 = tpu.vector_load %arg6[%swap3A_957, %swap3A_958, %swap3A_959] {strides = array<i32>} : memref<10x2x64xi32, #tpu.memory_space<vmem>>, vector<1x1x16xi32>,
        %swap3A_961 = vector.shape_cast %swap3A_960 : vector<1x1x16xi32> to vector<16xi32>
        %swap3A_962 = vector.shape_cast %broadcast_in_dim3A_915 : vector<16xi32> to vector<1x1x16xi32>
        tpu.vector_store %arg6[%swap3A_957, %swap3A_958, %swap3A_959], %swap3A_962 {strides = array<i32>} : memref<10x2x64xi32, #tpu.memory_space<vmem>>, vector<1x1x16xi32>,
        %swap3A_963 = arith.constant 5 : i32
        %swap3A_964 = arith.constant 1 : i32
        %swap3A_965 = arith.index_cast %swap3A_963 : i32 to index
        %swap3A_966 = arith.index_cast %swap3A_964 : i32 to index
        %swap3A_967 = arith.constant 32 : index
        %swap3A_968 = tpu.vector_load %arg6[%swap3A_965, %swap3A_966, %swap3A_967] {strides = array<i32>} : memref<10x2x64xi32, #tpu.memory_space<vmem>>, vector<1x1x16xi32>,
        %swap3A_969 = vector.shape_cast %swap3A_968 : vector<1x1x16xi32> to vector<16xi32>
        %swap3A_970 = vector.shape_cast %broadcast_in_dim3A_915 : vector<16xi32> to vector<1x1x16xi32>
        tpu.vector_store %arg6[%swap3A_965, %swap3A_966, %swap3A_967], %swap3A_970 {strides = array<i32>} : memref<10x2x64xi32, #tpu.memory_space<vmem>>, vector<1x1x16xi32>,
        %swap3A_971 = arith.constant 5 : i32
        %swap3A_972 = arith.constant 1 : i32
        %swap3A_973 = arith.index_cast %swap3A_971 : i32 to index
        %swap3A_974 = arith.index_cast %swap3A_972 : i32 to index
        %swap3A_975 = arith.constant 48 : index
        %swap3A_976 = tpu.vector_load %arg6[%swap3A_973, %swap3A_974, %swap3A_975] {strides = array<i32>} : memref<10x2x64xi32, #tpu.memory_space<vmem>>, vector<1x1x16xi32>,
        %swap3A_977 = vector.shape_cast %swap3A_976 : vector<1x1x16xi32> to vector<16xi32>
        %swap3A_978 = vector.shape_cast %broadcast_in_dim3A_915 : vector<16xi32> to vector<1x1x16xi32>
        tpu.vector_store %arg6[%swap3A_973, %swap3A_974, %swap3A_975], %swap3A_978 {strides = array<i32>} : memref<10x2x64xi32, #tpu.memory_space<vmem>>, vector<1x1x16xi32>,
      } else {
      }
      %dma_start3A_618 = arith.constant 5 : i32
      %dma_start3A_619 = arith.constant 0 : i32
      %dma_start3A_620 = arith.constant 0 : i32
      %dma_start3A_621 = tpu.memref_slice %arg6[%dma_start3A_618, %dma_start3A_619, %dma_start3A_620] : memref<10x2x64xi32, #tpu.memory_space<vmem>> -> memref<1x1x64xi32, #tpu.memory_space<vmem>>
      %dma_start3A_622 = tpu.memref_squeeze %dma_start3A_621 : memref<1x1x64xi32, #tpu.memory_space<vmem>> -> memref<64xi32, #tpu.memory_space<vmem>>
      %dma_start3A_623 = arith.constant 0 : i32
      %dma_start3A_624 = arith.constant 0 : i32
      %dma_start3A_625 = tpu.memref_slice %arg2[%dma_start3A_623, %dma_start3A_624] : memref<10000x128xf32, #tpu.memory_space<hbm>> -> memref<10000x128xf32, #tpu.memory_space<hbm>>
      %dma_start3A_626 = arith.constant -1 : i32
      tpu.enqueue_indirect_dma source(%dma_start3A_625 : memref<10000x128xf32, #tpu.memory_space<hbm>>) target(%arg7 : memref<64x128xf32, #tpu.memory_space<vmem>>) offsets(%dma_start3A_622 : memref<64xi32, #tpu.memory_space<vmem>>) offset_filter(%dma_start3A_626) semaphore(%arg33 : memref<!tpu.dma_semaphore, #tpu.memory_space<semaphore_mem>>)
      %ge3A_627 = arith.constant 4 : i32
      %ge3A_628 = arith.cmpi sge, %add3A_571, %ge3A_627 : i32
      %convert_element_type3A_629 = arith.extui %ge3A_628 : i1 to i32
      %cond3A_630 = arith.constant 0 : i32
      %cond3A_631 = arith.cmpi ne, %convert_element_type3A_629, %cond3A_630 : i32
      scf.if %cond3A_631 {
        %dma_wait3A_915 = arith.constant 1 : i32
        %dma_wait3A_916 = arith.constant 0 : i32
        %dma_wait3A_917 = arith.constant 0 : i32
        %dma_wait3A_918 = tpu.memref_slice %arg6[%dma_wait3A_915, %dma_wait3A_916, %dma_wait3A_917] : memref<10x2x64xi32, #tpu.memory_space<vmem>> -> memref<1x1x64xi32, #tpu.memory_space<vmem>>
        %dma_wait3A_919 = tpu.memref_squeeze %dma_wait3A_918 : memref<1x1x64xi32, #tpu.memory_space<vmem>> -> memref<64xi32, #tpu.memory_space<vmem>>
        %dma_wait3A_920 = arith.constant 0 : i32
        %dma_wait3A_921 = arith.constant 0 : i32
        %dma_wait3A_922 = tpu.memref_slice %arg2[%dma_wait3A_920, %dma_wait3A_921] : memref<10000x128xf32, #tpu.memory_space<hbm>> -> memref<10000x128xf32, #tpu.memory_space<hbm>>
        tpu.wait_indirect_dma semaphore(%arg34 : memref<!tpu.dma_semaphore, #tpu.memory_space<semaphore_mem>>) src(%dma_wait3A_922 : memref<10000x128xf32, #tpu.memory_space<hbm>>) dst(%arg8 : memref<64x128xf32, #tpu.memory_space<vmem>>)
        %dma_start3A_923 = arith.constant 1 : i32
        %dma_start3A_924 = arith.constant 1 : i32
        %dma_start3A_925 = arith.constant 0 : i32
        %dma_start3A_926 = tpu.memref_slice %arg6[%dma_start3A_923, %dma_start3A_924, %dma_start3A_925] : memref<10x2x64xi32, #tpu.memory_space<vmem>> -> memref<1x1x64xi32, #tpu.memory_space<vmem>>
        %dma_start3A_927 = tpu.memref_squeeze %dma_start3A_926 : memref<1x1x64xi32, #tpu.memory_space<vmem>> -> memref<64xi32, #tpu.memory_space<vmem>>
        %dma_start3A_928 = arith.constant 0 : i32
        %dma_start3A_929 = arith.constant 0 : i32
        %dma_start3A_930 = tpu.memref_slice %arg12[%dma_start3A_928, %dma_start3A_929] : memref<10112x128xf32, #tpu.memory_space<vmem_shared>> -> memref<10112x128xf32, #tpu.memory_space<vmem_shared>>
        %dma_start3A_931 = arith.constant -1 : i32
        tpu.enqueue_indirect_dma source(%arg8 : memref<64x128xf32, #tpu.memory_space<vmem>>) target(%dma_start3A_930 : memref<10112x128xf32, #tpu.memory_space<vmem_shared>>) offsets(%dma_start3A_927 : memref<64xi32, #tpu.memory_space<vmem>>) offset_filter(%dma_start3A_931) semaphore(%arg39 : memref<!tpu.dma_semaphore, #tpu.memory_space<semaphore_mem>>) {add = true}
      } else {
      }
      %add3A_632 = arith.constant 5 : i32
      %add3A_633 = arith.addi %add3A_571, %add3A_632 : i32
      %lt3A_634 = arith.constant 160 : i32
      %lt3A_635 = arith.cmpi slt, %add3A_633, %lt3A_634 : i32
      %convert_element_type3A_636 = arith.extui %lt3A_635 : i1 to i32
      %cond3A_637 = arith.constant 0 : i32
      %cond3A_638 = arith.cmpi ne, %convert_element_type3A_636, %cond3A_637 : i32
      scf.if %cond3A_638 {
        %add3A_915 = arith.constant 5 : i32
        %add3A_916 = arith.addi %add3A_571, %add3A_915 : i32
        %mul3A_917 = arith.constant 32 : i32
        %mul3A_918 = arith.muli %mul3A_917, %add3A_916 : i32
        %add3A_919 = arith.addi %add3A, %mul3A_918 : i32
        %min3A_920 = arith.constant 4999 : i32
        %min3A_921 = arith.minsi %add3A_919, %min3A_920 : i32
        %mul3A_922 = arith.constant 64 : i32
        %mul3A_923 = arith.muli %min3A_921, %mul3A_922 : i32
        %dma_start3A_924 = arith.constant 0 : i32
        %dma_start3A_925 = arith.constant 0 : i32
        %dma_start3A_926 = arith.constant 0 : i32
        %dma_start3A_927 = arith.constant 0 : i32
        %dma_start3A_928 = tpu.memref_slice %arg6[%dma_start3A_925, %dma_start3A_926, %dma_start3A_927] : memref<10x2x64xi32, #tpu.memory_space<vmem>> -> memref<1x1x64xi32, #tpu.memory_space<vmem>>
        %dma_start3A_929 = tpu.memref_squeeze %dma_start3A_928 : memref<1x1x64xi32, #tpu.memory_space<vmem>> -> memref<64xi32, #tpu.memory_space<vmem>>
        %dma_start3A_930 = tpu.memref_slice %arg3[%dma_start3A_924, %mul3A_923] : memref<2x320000xi32, #tpu.memory_space<hbm>> -> memref<1x64xi32, #tpu.memory_space<hbm>>
        %dma_start3A_931 = tpu.memref_squeeze %dma_start3A_930 : memref<1x64xi32, #tpu.memory_space<hbm>> -> memref<64xi32, #tpu.memory_space<hbm>>
        %dma_start3A_932 = arith.constant 0 : i32
        %dma_start3A_933 = tpu.memref_slice %arg6[%dma_start3A_925, %dma_start3A_926, %dma_start3A_932] : memref<10x2x64xi32, #tpu.memory_space<vmem>> -> memref<1x1x64xi32, #tpu.memory_space<vmem>>
        %dma_start3A_934 = tpu.memref_squeeze %dma_start3A_933 : memref<1x1x64xi32, #tpu.memory_space<vmem>> -> memref<64xi32, #tpu.memory_space<vmem>>
        %dma_start3A_935 = tpu.memref_slice %arg3[%dma_start3A_924, %mul3A_923] : memref<2x320000xi32, #tpu.memory_space<hbm>> -> memref<1x64xi32, #tpu.memory_space<hbm>>
        %dma_start3A_936 = tpu.memref_squeeze %dma_start3A_935 : memref<1x64xi32, #tpu.memory_space<hbm>> -> memref<64xi32, #tpu.memory_space<hbm>>
        tpu.enqueue_dma source(%dma_start3A_936 : memref<64xi32, #tpu.memory_space<hbm>>) target(%dma_start3A_934 : memref<64xi32, #tpu.memory_space<vmem>>) target_semaphore(%arg13 : memref<!tpu.dma_semaphore, #tpu.memory_space<semaphore_mem>>)
        %dma_start3A_937 = arith.constant 1 : i32
        %dma_start3A_938 = arith.constant 0 : i32
        %dma_start3A_939 = arith.constant 1 : i32
        %dma_start3A_940 = arith.constant 0 : i32
        %dma_start3A_941 = tpu.memref_slice %arg6[%dma_start3A_938, %dma_start3A_939, %dma_start3A_940] : memref<10x2x64xi32, #tpu.memory_space<vmem>> -> memref<1x1x64xi32, #tpu.memory_space<vmem>>
        %dma_start3A_942 = tpu.memref_squeeze %dma_start3A_941 : memref<1x1x64xi32, #tpu.memory_space<vmem>> -> memref<64xi32, #tpu.memory_space<vmem>>
        %dma_start3A_943 = tpu.memref_slice %arg3[%dma_start3A_937, %mul3A_923] : memref<2x320000xi32, #tpu.memory_space<hbm>> -> memref<1x64xi32, #tpu.memory_space<hbm>>
        %dma_start3A_944 = tpu.memref_squeeze %dma_start3A_943 : memref<1x64xi32, #tpu.memory_space<hbm>> -> memref<64xi32, #tpu.memory_space<hbm>>
        %dma_start3A_945 = arith.constant 0 : i32
        %dma_start3A_946 = tpu.memref_slice %arg6[%dma_start3A_938, %dma_start3A_939, %dma_start3A_945] : memref<10x2x64xi32, #tpu.memory_space<vmem>> -> memref<1x1x64xi32, #tpu.memory_space<vmem>>
        %dma_start3A_947 = tpu.memref_squeeze %dma_start3A_946 : memref<1x1x64xi32, #tpu.memory_space<vmem>> -> memref<64xi32, #tpu.memory_space<vmem>>
        %dma_start3A_948 = tpu.memref_slice %arg3[%dma_start3A_937, %mul3A_923] : memref<2x320000xi32, #tpu.memory_space<hbm>> -> memref<1x64xi32, #tpu.memory_space<hbm>>
        %dma_start3A_949 = tpu.memref_squeeze %dma_start3A_948 : memref<1x64xi32, #tpu.memory_space<hbm>> -> memref<64xi32, #tpu.memory_space<hbm>>
        tpu.enqueue_dma source(%dma_start3A_949 : memref<64xi32, #tpu.memory_space<hbm>>) target(%dma_start3A_947 : memref<64xi32, #tpu.memory_space<vmem>>) target_semaphore(%arg23 : memref<!tpu.dma_semaphore, #tpu.memory_space<semaphore_mem>>)
      } else {
      }
      %add3A_639 = arith.constant 6 : i32
      %add3A_640 = arith.addi %add3A_226, %add3A_639 : i32
      %ge3A_641 = arith.constant 5 : i32
      %ge3A_642 = arith.cmpi sge, %add3A_640, %ge3A_641 : i32
      %convert_element_type3A_643 = arith.extui %ge3A_642 : i1 to i32
      %cond3A_644 = arith.constant 0 : i32
      %cond3A_645 = arith.cmpi ne, %convert_element_type3A_643, %cond3A_644 : i32
      scf.if %cond3A_645 {
        %dma_wait3A_915 = arith.constant 1 : i32
        %dma_wait3A_916 = arith.constant 1 : i32
        %dma_wait3A_917 = arith.constant 0 : i32
        %dma_wait3A_918 = tpu.memref_slice %arg6[%dma_wait3A_915, %dma_wait3A_916, %dma_wait3A_917] : memref<10x2x64xi32, #tpu.memory_space<vmem>> -> memref<1x1x64xi32, #tpu.memory_space<vmem>>
        %dma_wait3A_919 = tpu.memref_squeeze %dma_wait3A_918 : memref<1x1x64xi32, #tpu.memory_space<vmem>> -> memref<64xi32, #tpu.memory_space<vmem>>
        %dma_wait3A_920 = arith.constant 0 : i32
        %dma_wait3A_921 = arith.constant 0 : i32
        %dma_wait3A_922 = tpu.memref_slice %arg12[%dma_wait3A_920, %dma_wait3A_921] : memref<10112x128xf32, #tpu.memory_space<vmem_shared>> -> memref<10112x128xf32, #tpu.memory_space<vmem_shared>>
        tpu.wait_indirect_dma semaphore(%arg39 : memref<!tpu.dma_semaphore, #tpu.memory_space<semaphore_mem>>) src(%arg8 : memref<64x128xf32, #tpu.memory_space<vmem>>) dst(%dma_wait3A_922 : memref<10112x128xf32, #tpu.memory_space<vmem_shared>>)
      } else {
      }
      %mul3A_646 = arith.constant 32 : i32
      %mul3A_647 = arith.muli %mul3A_646, %add3A_640 : i32
      %add3A_648 = arith.addi %add3A, %mul3A_647 : i32
      %min3A_649 = arith.constant 4999 : i32
      %min3A_650 = arith.minsi %add3A_648, %min3A_649 : i32
      %mul3A_651 = arith.constant 64 : i32
      %mul3A_652 = arith.muli %min3A_650, %mul3A_651 : i32
      %dma_wait3A_653 = arith.constant 0 : i32
      %dma_wait3A_654 = arith.constant 6 : i32
      %dma_wait3A_655 = arith.constant 0 : i32
      %dma_wait3A_656 = arith.constant 0 : i32
      %dma_wait3A_657 = tpu.memref_slice %arg6[%dma_wait3A_654, %dma_wait3A_655, %dma_wait3A_656] : memref<10x2x64xi32, #tpu.memory_space<vmem>> -> memref<1x1x64xi32, #tpu.memory_space<vmem>>
      %dma_wait3A_658 = tpu.memref_squeeze %dma_wait3A_657 : memref<1x1x64xi32, #tpu.memory_space<vmem>> -> memref<64xi32, #tpu.memory_space<vmem>>
      %dma_wait3A_659 = tpu.memref_slice %arg3[%dma_wait3A_653, %mul3A_652] : memref<2x320000xi32, #tpu.memory_space<hbm>> -> memref<1x64xi32, #tpu.memory_space<hbm>>
      %dma_wait3A_660 = tpu.memref_squeeze %dma_wait3A_659 : memref<1x64xi32, #tpu.memory_space<hbm>> -> memref<64xi32, #tpu.memory_space<hbm>>
      %dma_wait3A_661 = arith.constant 0 : i32
      %dma_wait3A_662 = tpu.memref_slice %arg6[%dma_wait3A_654, %dma_wait3A_655, %dma_wait3A_661] : memref<10x2x64xi32, #tpu.memory_space<vmem>> -> memref<1x1x64xi32, #tpu.memory_space<vmem>>
      %dma_wait3A_663 = tpu.memref_squeeze %dma_wait3A_662 : memref<1x1x64xi32, #tpu.memory_space<vmem>> -> memref<64xi32, #tpu.memory_space<vmem>>
      %dma_wait3A_664 = tpu.memref_slice %arg3[%dma_wait3A_653, %mul3A_652] : memref<2x320000xi32, #tpu.memory_space<hbm>> -> memref<1x64xi32, #tpu.memory_space<hbm>>
      %dma_wait3A_665 = tpu.memref_squeeze %dma_wait3A_664 : memref<1x64xi32, #tpu.memory_space<hbm>> -> memref<64xi32, #tpu.memory_space<hbm>>
      tpu.wait_dma2 semaphore(%arg19 : memref<!tpu.dma_semaphore, #tpu.memory_space<semaphore_mem>>) src(%dma_wait3A_665 : memref<64xi32, #tpu.memory_space<hbm>>) dst(%dma_wait3A_663 : memref<64xi32, #tpu.memory_space<vmem>>)
      %dma_wait3A_666 = arith.constant 1 : i32
      %dma_wait3A_667 = arith.constant 6 : i32
      %dma_wait3A_668 = arith.constant 1 : i32
      %dma_wait3A_669 = arith.constant 0 : i32
      %dma_wait3A_670 = tpu.memref_slice %arg6[%dma_wait3A_667, %dma_wait3A_668, %dma_wait3A_669] : memref<10x2x64xi32, #tpu.memory_space<vmem>> -> memref<1x1x64xi32, #tpu.memory_space<vmem>>
      %dma_wait3A_671 = tpu.memref_squeeze %dma_wait3A_670 : memref<1x1x64xi32, #tpu.memory_space<vmem>> -> memref<64xi32, #tpu.memory_space<vmem>>
      %dma_wait3A_672 = tpu.memref_slice %arg3[%dma_wait3A_666, %mul3A_652] : memref<2x320000xi32, #tpu.memory_space<hbm>> -> memref<1x64xi32, #tpu.memory_space<hbm>>
      %dma_wait3A_673 = tpu.memref_squeeze %dma_wait3A_672 : memref<1x64xi32, #tpu.memory_space<hbm>> -> memref<64xi32, #tpu.memory_space<hbm>>
      %dma_wait3A_674 = arith.constant 0 : i32
      %dma_wait3A_675 = tpu.memref_slice %arg6[%dma_wait3A_667, %dma_wait3A_668, %dma_wait3A_674] : memref<10x2x64xi32, #tpu.memory_space<vmem>> -> memref<1x1x64xi32, #tpu.memory_space<vmem>>
      %dma_wait3A_676 = tpu.memref_squeeze %dma_wait3A_675 : memref<1x1x64xi32, #tpu.memory_space<vmem>> -> memref<64xi32, #tpu.memory_space<vmem>>
      %dma_wait3A_677 = tpu.memref_slice %arg3[%dma_wait3A_666, %mul3A_652] : memref<2x320000xi32, #tpu.memory_space<hbm>> -> memref<1x64xi32, #tpu.memory_space<hbm>>
      %dma_wait3A_678 = tpu.memref_squeeze %dma_wait3A_677 : memref<1x64xi32, #tpu.memory_space<hbm>> -> memref<64xi32, #tpu.memory_space<hbm>>
      tpu.wait_dma2 semaphore(%arg29 : memref<!tpu.dma_semaphore, #tpu.memory_space<semaphore_mem>>) src(%dma_wait3A_678 : memref<64xi32, #tpu.memory_space<hbm>>) dst(%dma_wait3A_676 : memref<64xi32, #tpu.memory_space<vmem>>)
      %mul3A_679 = arith.constant 32 : i32
      %mul3A_680 = arith.muli %mul3A_679, %add3A_640 : i32
      %add3A_681 = arith.addi %add3A, %mul3A_680 : i32
      %ge3A_682 = arith.constant 5000 : i32
      %ge3A_683 = arith.cmpi sge, %add3A_681, %ge3A_682 : i32
      %convert_element_type3A_684 = arith.extui %ge3A_683 : i1 to i32
      %cond3A_685 = arith.constant 0 : i32
      %cond3A_686 = arith.cmpi ne, %convert_element_type3A_684, %cond3A_685 : i32
      scf.if %cond3A_686 {
        %broadcast_in_dim3A = arith.constant -1 : i32
        %broadcast_in_dim3A_915 = vector.broadcast %broadcast_in_dim3A : i32 to vector<16xi32>
        %swap3A = arith.constant 6 : i32
        %swap3A_916 = arith.constant 0 : i32
        %swap3A_917 = arith.index_cast %swap3A : i32 to index
        %swap3A_918 = arith.index_cast %swap3A_916 : i32 to index
        %swap3A_919 = arith.constant 0 : index
        %swap3A_920 = tpu.vector_load %arg6[%swap3A_917, %swap3A_918, %swap3A_919] {strides = array<i32>} : memref<10x2x64xi32, #tpu.memory_space<vmem>>, vector<1x1x16xi32>,
        %swap3A_921 = vector.shape_cast %swap3A_920 : vector<1x1x16xi32> to vector<16xi32>
        %swap3A_922 = vector.shape_cast %broadcast_in_dim3A_915 : vector<16xi32> to vector<1x1x16xi32>
        tpu.vector_store %arg6[%swap3A_917, %swap3A_918, %swap3A_919], %swap3A_922 {strides = array<i32>} : memref<10x2x64xi32, #tpu.memory_space<vmem>>, vector<1x1x16xi32>,
        %swap3A_923 = arith.constant 6 : i32
        %swap3A_924 = arith.constant 0 : i32
        %swap3A_925 = arith.index_cast %swap3A_923 : i32 to index
        %swap3A_926 = arith.index_cast %swap3A_924 : i32 to index
        %swap3A_927 = arith.constant 16 : index
        %swap3A_928 = tpu.vector_load %arg6[%swap3A_925, %swap3A_926, %swap3A_927] {strides = array<i32>} : memref<10x2x64xi32, #tpu.memory_space<vmem>>, vector<1x1x16xi32>,
        %swap3A_929 = vector.shape_cast %swap3A_928 : vector<1x1x16xi32> to vector<16xi32>
        %swap3A_930 = vector.shape_cast %broadcast_in_dim3A_915 : vector<16xi32> to vector<1x1x16xi32>
        tpu.vector_store %arg6[%swap3A_925, %swap3A_926, %swap3A_927], %swap3A_930 {strides = array<i32>} : memref<10x2x64xi32, #tpu.memory_space<vmem>>, vector<1x1x16xi32>,
        %swap3A_931 = arith.constant 6 : i32
        %swap3A_932 = arith.constant 0 : i32
        %swap3A_933 = arith.index_cast %swap3A_931 : i32 to index
        %swap3A_934 = arith.index_cast %swap3A_932 : i32 to index
        %swap3A_935 = arith.constant 32 : index
        %swap3A_936 = tpu.vector_load %arg6[%swap3A_933, %swap3A_934, %swap3A_935] {strides = array<i32>} : memref<10x2x64xi32, #tpu.memory_space<vmem>>, vector<1x1x16xi32>,
        %swap3A_937 = vector.shape_cast %swap3A_936 : vector<1x1x16xi32> to vector<16xi32>
        %swap3A_938 = vector.shape_cast %broadcast_in_dim3A_915 : vector<16xi32> to vector<1x1x16xi32>
        tpu.vector_store %arg6[%swap3A_933, %swap3A_934, %swap3A_935], %swap3A_938 {strides = array<i32>} : memref<10x2x64xi32, #tpu.memory_space<vmem>>, vector<1x1x16xi32>,
        %swap3A_939 = arith.constant 6 : i32
        %swap3A_940 = arith.constant 0 : i32
        %swap3A_941 = arith.index_cast %swap3A_939 : i32 to index
        %swap3A_942 = arith.index_cast %swap3A_940 : i32 to index
        %swap3A_943 = arith.constant 48 : index
        %swap3A_944 = tpu.vector_load %arg6[%swap3A_941, %swap3A_942, %swap3A_943] {strides = array<i32>} : memref<10x2x64xi32, #tpu.memory_space<vmem>>, vector<1x1x16xi32>,
        %swap3A_945 = vector.shape_cast %swap3A_944 : vector<1x1x16xi32> to vector<16xi32>
        %swap3A_946 = vector.shape_cast %broadcast_in_dim3A_915 : vector<16xi32> to vector<1x1x16xi32>
        tpu.vector_store %arg6[%swap3A_941, %swap3A_942, %swap3A_943], %swap3A_946 {strides = array<i32>} : memref<10x2x64xi32, #tpu.memory_space<vmem>>, vector<1x1x16xi32>,
        %swap3A_947 = arith.constant 6 : i32
        %swap3A_948 = arith.constant 1 : i32
        %swap3A_949 = arith.index_cast %swap3A_947 : i32 to index
        %swap3A_950 = arith.index_cast %swap3A_948 : i32 to index
        %swap3A_951 = arith.constant 0 : index
        %swap3A_952 = tpu.vector_load %arg6[%swap3A_949, %swap3A_950, %swap3A_951] {strides = array<i32>} : memref<10x2x64xi32, #tpu.memory_space<vmem>>, vector<1x1x16xi32>,
        %swap3A_953 = vector.shape_cast %swap3A_952 : vector<1x1x16xi32> to vector<16xi32>
        %swap3A_954 = vector.shape_cast %broadcast_in_dim3A_915 : vector<16xi32> to vector<1x1x16xi32>
        tpu.vector_store %arg6[%swap3A_949, %swap3A_950, %swap3A_951], %swap3A_954 {strides = array<i32>} : memref<10x2x64xi32, #tpu.memory_space<vmem>>, vector<1x1x16xi32>,
        %swap3A_955 = arith.constant 6 : i32
        %swap3A_956 = arith.constant 1 : i32
        %swap3A_957 = arith.index_cast %swap3A_955 : i32 to index
        %swap3A_958 = arith.index_cast %swap3A_956 : i32 to index
        %swap3A_959 = arith.constant 16 : index
        %swap3A_960 = tpu.vector_load %arg6[%swap3A_957, %swap3A_958, %swap3A_959] {strides = array<i32>} : memref<10x2x64xi32, #tpu.memory_space<vmem>>, vector<1x1x16xi32>,
        %swap3A_961 = vector.shape_cast %swap3A_960 : vector<1x1x16xi32> to vector<16xi32>
        %swap3A_962 = vector.shape_cast %broadcast_in_dim3A_915 : vector<16xi32> to vector<1x1x16xi32>
        tpu.vector_store %arg6[%swap3A_957, %swap3A_958, %swap3A_959], %swap3A_962 {strides = array<i32>} : memref<10x2x64xi32, #tpu.memory_space<vmem>>, vector<1x1x16xi32>,
        %swap3A_963 = arith.constant 6 : i32
        %swap3A_964 = arith.constant 1 : i32
        %swap3A_965 = arith.index_cast %swap3A_963 : i32 to index
        %swap3A_966 = arith.index_cast %swap3A_964 : i32 to index
        %swap3A_967 = arith.constant 32 : index
        %swap3A_968 = tpu.vector_load %arg6[%swap3A_965, %swap3A_966, %swap3A_967] {strides = array<i32>} : memref<10x2x64xi32, #tpu.memory_space<vmem>>, vector<1x1x16xi32>,
        %swap3A_969 = vector.shape_cast %swap3A_968 : vector<1x1x16xi32> to vector<16xi32>
        %swap3A_970 = vector.shape_cast %broadcast_in_dim3A_915 : vector<16xi32> to vector<1x1x16xi32>
        tpu.vector_store %arg6[%swap3A_965, %swap3A_966, %swap3A_967], %swap3A_970 {strides = array<i32>} : memref<10x2x64xi32, #tpu.memory_space<vmem>>, vector<1x1x16xi32>,
        %swap3A_971 = arith.constant 6 : i32
        %swap3A_972 = arith.constant 1 : i32
        %swap3A_973 = arith.index_cast %swap3A_971 : i32 to index
        %swap3A_974 = arith.index_cast %swap3A_972 : i32 to index
        %swap3A_975 = arith.constant 48 : index
        %swap3A_976 = tpu.vector_load %arg6[%swap3A_973, %swap3A_974, %swap3A_975] {strides = array<i32>} : memref<10x2x64xi32, #tpu.memory_space<vmem>>, vector<1x1x16xi32>,
        %swap3A_977 = vector.shape_cast %swap3A_976 : vector<1x1x16xi32> to vector<16xi32>
        %swap3A_978 = vector.shape_cast %broadcast_in_dim3A_915 : vector<16xi32> to vector<1x1x16xi32>
        tpu.vector_store %arg6[%swap3A_973, %swap3A_974, %swap3A_975], %swap3A_978 {strides = array<i32>} : memref<10x2x64xi32, #tpu.memory_space<vmem>>, vector<1x1x16xi32>,
      } else {
      }
      %dma_start3A_687 = arith.constant 6 : i32
      %dma_start3A_688 = arith.constant 0 : i32
      %dma_start3A_689 = arith.constant 0 : i32
      %dma_start3A_690 = tpu.memref_slice %arg6[%dma_start3A_687, %dma_start3A_688, %dma_start3A_689] : memref<10x2x64xi32, #tpu.memory_space<vmem>> -> memref<1x1x64xi32, #tpu.memory_space<vmem>>
      %dma_start3A_691 = tpu.memref_squeeze %dma_start3A_690 : memref<1x1x64xi32, #tpu.memory_space<vmem>> -> memref<64xi32, #tpu.memory_space<vmem>>
      %dma_start3A_692 = arith.constant 0 : i32
      %dma_start3A_693 = arith.constant 0 : i32
      %dma_start3A_694 = tpu.memref_slice %arg2[%dma_start3A_692, %dma_start3A_693] : memref<10000x128xf32, #tpu.memory_space<hbm>> -> memref<10000x128xf32, #tpu.memory_space<hbm>>
      %dma_start3A_695 = arith.constant -1 : i32
      tpu.enqueue_indirect_dma source(%dma_start3A_694 : memref<10000x128xf32, #tpu.memory_space<hbm>>) target(%arg8 : memref<64x128xf32, #tpu.memory_space<vmem>>) offsets(%dma_start3A_691 : memref<64xi32, #tpu.memory_space<vmem>>) offset_filter(%dma_start3A_695) semaphore(%arg34 : memref<!tpu.dma_semaphore, #tpu.memory_space<semaphore_mem>>)
      %ge3A_696 = arith.constant 4 : i32
      %ge3A_697 = arith.cmpi sge, %add3A_640, %ge3A_696 : i32
      %convert_element_type3A_698 = arith.extui %ge3A_697 : i1 to i32
      %cond3A_699 = arith.constant 0 : i32
      %cond3A_700 = arith.cmpi ne, %convert_element_type3A_698, %cond3A_699 : i32
      scf.if %cond3A_700 {
        %dma_wait3A_915 = arith.constant 2 : i32
        %dma_wait3A_916 = arith.constant 0 : i32
        %dma_wait3A_917 = arith.constant 0 : i32
        %dma_wait3A_918 = tpu.memref_slice %arg6[%dma_wait3A_915, %dma_wait3A_916, %dma_wait3A_917] : memref<10x2x64xi32, #tpu.memory_space<vmem>> -> memref<1x1x64xi32, #tpu.memory_space<vmem>>
        %dma_wait3A_919 = tpu.memref_squeeze %dma_wait3A_918 : memref<1x1x64xi32, #tpu.memory_space<vmem>> -> memref<64xi32, #tpu.memory_space<vmem>>
        %dma_wait3A_920 = arith.constant 0 : i32
        %dma_wait3A_921 = arith.constant 0 : i32
        %dma_wait3A_922 = tpu.memref_slice %arg2[%dma_wait3A_920, %dma_wait3A_921] : memref<10000x128xf32, #tpu.memory_space<hbm>> -> memref<10000x128xf32, #tpu.memory_space<hbm>>
        tpu.wait_indirect_dma semaphore(%arg35 : memref<!tpu.dma_semaphore, #tpu.memory_space<semaphore_mem>>) src(%dma_wait3A_922 : memref<10000x128xf32, #tpu.memory_space<hbm>>) dst(%arg9 : memref<64x128xf32, #tpu.memory_space<vmem>>)
        %dma_start3A_923 = arith.constant 2 : i32
        %dma_start3A_924 = arith.constant 1 : i32
        %dma_start3A_925 = arith.constant 0 : i32
        %dma_start3A_926 = tpu.memref_slice %arg6[%dma_start3A_923, %dma_start3A_924, %dma_start3A_925] : memref<10x2x64xi32, #tpu.memory_space<vmem>> -> memref<1x1x64xi32, #tpu.memory_space<vmem>>
        %dma_start3A_927 = tpu.memref_squeeze %dma_start3A_926 : memref<1x1x64xi32, #tpu.memory_space<vmem>> -> memref<64xi32, #tpu.memory_space<vmem>>
        %dma_start3A_928 = arith.constant 0 : i32
        %dma_start3A_929 = arith.constant 0 : i32
        %dma_start3A_930 = tpu.memref_slice %arg12[%dma_start3A_928, %dma_start3A_929] : memref<10112x128xf32, #tpu.memory_space<vmem_shared>> -> memref<10112x128xf32, #tpu.memory_space<vmem_shared>>
        %dma_start3A_931 = arith.constant -1 : i32
        tpu.enqueue_indirect_dma source(%arg9 : memref<64x128xf32, #tpu.memory_space<vmem>>) target(%dma_start3A_930 : memref<10112x128xf32, #tpu.memory_space<vmem_shared>>) offsets(%dma_start3A_927 : memref<64xi32, #tpu.memory_space<vmem>>) offset_filter(%dma_start3A_931) semaphore(%arg40 : memref<!tpu.dma_semaphore, #tpu.memory_space<semaphore_mem>>) {add = true}
      } else {
      }
      %add3A_701 = arith.constant 5 : i32
      %add3A_702 = arith.addi %add3A_640, %add3A_701 : i32
      %lt3A_703 = arith.constant 160 : i32
      %lt3A_704 = arith.cmpi slt, %add3A_702, %lt3A_703 : i32
      %convert_element_type3A_705 = arith.extui %lt3A_704 : i1 to i32
      %cond3A_706 = arith.constant 0 : i32
      %cond3A_707 = arith.cmpi ne, %convert_element_type3A_705, %cond3A_706 : i32
      scf.if %cond3A_707 {
        %add3A_915 = arith.constant 5 : i32
        %add3A_916 = arith.addi %add3A_640, %add3A_915 : i32
        %mul3A_917 = arith.constant 32 : i32
        %mul3A_918 = arith.muli %mul3A_917, %add3A_916 : i32
        %add3A_919 = arith.addi %add3A, %mul3A_918 : i32
        %min3A_920 = arith.constant 4999 : i32
        %min3A_921 = arith.minsi %add3A_919, %min3A_920 : i32
        %mul3A_922 = arith.constant 64 : i32
        %mul3A_923 = arith.muli %min3A_921, %mul3A_922 : i32
        %dma_start3A_924 = arith.constant 0 : i32
        %dma_start3A_925 = arith.constant 1 : i32
        %dma_start3A_926 = arith.constant 0 : i32
        %dma_start3A_927 = arith.constant 0 : i32
        %dma_start3A_928 = tpu.memref_slice %arg6[%dma_start3A_925, %dma_start3A_926, %dma_start3A_927] : memref<10x2x64xi32, #tpu.memory_space<vmem>> -> memref<1x1x64xi32, #tpu.memory_space<vmem>>
        %dma_start3A_929 = tpu.memref_squeeze %dma_start3A_928 : memref<1x1x64xi32, #tpu.memory_space<vmem>> -> memref<64xi32, #tpu.memory_space<vmem>>
        %dma_start3A_930 = tpu.memref_slice %arg3[%dma_start3A_924, %mul3A_923] : memref<2x320000xi32, #tpu.memory_space<hbm>> -> memref<1x64xi32, #tpu.memory_space<hbm>>
        %dma_start3A_931 = tpu.memref_squeeze %dma_start3A_930 : memref<1x64xi32, #tpu.memory_space<hbm>> -> memref<64xi32, #tpu.memory_space<hbm>>
        %dma_start3A_932 = arith.constant 0 : i32
        %dma_start3A_933 = tpu.memref_slice %arg6[%dma_start3A_925, %dma_start3A_926, %dma_start3A_932] : memref<10x2x64xi32, #tpu.memory_space<vmem>> -> memref<1x1x64xi32, #tpu.memory_space<vmem>>
        %dma_start3A_934 = tpu.memref_squeeze %dma_start3A_933 : memref<1x1x64xi32, #tpu.memory_space<vmem>> -> memref<64xi32, #tpu.memory_space<vmem>>
        %dma_start3A_935 = tpu.memref_slice %arg3[%dma_start3A_924, %mul3A_923] : memref<2x320000xi32, #tpu.memory_space<hbm>> -> memref<1x64xi32, #tpu.memory_space<hbm>>
        %dma_start3A_936 = tpu.memref_squeeze %dma_start3A_935 : memref<1x64xi32, #tpu.memory_space<hbm>> -> memref<64xi32, #tpu.memory_space<hbm>>
        tpu.enqueue_dma source(%dma_start3A_936 : memref<64xi32, #tpu.memory_space<hbm>>) target(%dma_start3A_934 : memref<64xi32, #tpu.memory_space<vmem>>) target_semaphore(%arg14 : memref<!tpu.dma_semaphore, #tpu.memory_space<semaphore_mem>>)
        %dma_start3A_937 = arith.constant 1 : i32
        %dma_start3A_938 = arith.constant 1 : i32
        %dma_start3A_939 = arith.constant 1 : i32
        %dma_start3A_940 = arith.constant 0 : i32
        %dma_start3A_941 = tpu.memref_slice %arg6[%dma_start3A_938, %dma_start3A_939, %dma_start3A_940] : memref<10x2x64xi32, #tpu.memory_space<vmem>> -> memref<1x1x64xi32, #tpu.memory_space<vmem>>
        %dma_start3A_942 = tpu.memref_squeeze %dma_start3A_941 : memref<1x1x64xi32, #tpu.memory_space<vmem>> -> memref<64xi32, #tpu.memory_space<vmem>>
        %dma_start3A_943 = tpu.memref_slice %arg3[%dma_start3A_937, %mul3A_923] : memref<2x320000xi32, #tpu.memory_space<hbm>> -> memref<1x64xi32, #tpu.memory_space<hbm>>
        %dma_start3A_944 = tpu.memref_squeeze %dma_start3A_943 : memref<1x64xi32, #tpu.memory_space<hbm>> -> memref<64xi32, #tpu.memory_space<hbm>>
        %dma_start3A_945 = arith.constant 0 : i32
        %dma_start3A_946 = tpu.memref_slice %arg6[%dma_start3A_938, %dma_start3A_939, %dma_start3A_945] : memref<10x2x64xi32, #tpu.memory_space<vmem>> -> memref<1x1x64xi32, #tpu.memory_space<vmem>>
        %dma_start3A_947 = tpu.memref_squeeze %dma_start3A_946 : memref<1x1x64xi32, #tpu.memory_space<vmem>> -> memref<64xi32, #tpu.memory_space<vmem>>
        %dma_start3A_948 = tpu.memref_slice %arg3[%dma_start3A_937, %mul3A_923] : memref<2x320000xi32, #tpu.memory_space<hbm>> -> memref<1x64xi32, #tpu.memory_space<hbm>>
        %dma_start3A_949 = tpu.memref_squeeze %dma_start3A_948 : memref<1x64xi32, #tpu.memory_space<hbm>> -> memref<64xi32, #tpu.memory_space<hbm>>
        tpu.enqueue_dma source(%dma_start3A_949 : memref<64xi32, #tpu.memory_space<hbm>>) target(%dma_start3A_947 : memref<64xi32, #tpu.memory_space<vmem>>) target_semaphore(%arg24 : memref<!tpu.dma_semaphore, #tpu.memory_space<semaphore_mem>>)
      } else {
      }
      %add3A_708 = arith.constant 7 : i32
      %add3A_709 = arith.addi %add3A_226, %add3A_708 : i32
      %ge3A_710 = arith.constant 5 : i32
      %ge3A_711 = arith.cmpi sge, %add3A_709, %ge3A_710 : i32
      %convert_element_type3A_712 = arith.extui %ge3A_711 : i1 to i32
      %cond3A_713 = arith.constant 0 : i32
      %cond3A_714 = arith.cmpi ne, %convert_element_type3A_712, %cond3A_713 : i32
      scf.if %cond3A_714 {
        %dma_wait3A_915 = arith.constant 2 : i32
        %dma_wait3A_916 = arith.constant 1 : i32
        %dma_wait3A_917 = arith.constant 0 : i32
        %dma_wait3A_918 = tpu.memref_slice %arg6[%dma_wait3A_915, %dma_wait3A_916, %dma_wait3A_917] : memref<10x2x64xi32, #tpu.memory_space<vmem>> -> memref<1x1x64xi32, #tpu.memory_space<vmem>>
        %dma_wait3A_919 = tpu.memref_squeeze %dma_wait3A_918 : memref<1x1x64xi32, #tpu.memory_space<vmem>> -> memref<64xi32, #tpu.memory_space<vmem>>
        %dma_wait3A_920 = arith.constant 0 : i32
        %dma_wait3A_921 = arith.constant 0 : i32
        %dma_wait3A_922 = tpu.memref_slice %arg12[%dma_wait3A_920, %dma_wait3A_921] : memref<10112x128xf32, #tpu.memory_space<vmem_shared>> -> memref<10112x128xf32, #tpu.memory_space<vmem_shared>>
        tpu.wait_indirect_dma semaphore(%arg40 : memref<!tpu.dma_semaphore, #tpu.memory_space<semaphore_mem>>) src(%arg9 : memref<64x128xf32, #tpu.memory_space<vmem>>) dst(%dma_wait3A_922 : memref<10112x128xf32, #tpu.memory_space<vmem_shared>>)
      } else {
      }
      %mul3A_715 = arith.constant 32 : i32
      %mul3A_716 = arith.muli %mul3A_715, %add3A_709 : i32
      %add3A_717 = arith.addi %add3A, %mul3A_716 : i32
      %min3A_718 = arith.constant 4999 : i32
      %min3A_719 = arith.minsi %add3A_717, %min3A_718 : i32
      %mul3A_720 = arith.constant 64 : i32
      %mul3A_721 = arith.muli %min3A_719, %mul3A_720 : i32
      %dma_wait3A_722 = arith.constant 0 : i32
      %dma_wait3A_723 = arith.constant 7 : i32
      %dma_wait3A_724 = arith.constant 0 : i32
      %dma_wait3A_725 = arith.constant 0 : i32
      %dma_wait3A_726 = tpu.memref_slice %arg6[%dma_wait3A_723, %dma_wait3A_724, %dma_wait3A_725] : memref<10x2x64xi32, #tpu.memory_space<vmem>> -> memref<1x1x64xi32, #tpu.memory_space<vmem>>
      %dma_wait3A_727 = tpu.memref_squeeze %dma_wait3A_726 : memref<1x1x64xi32, #tpu.memory_space<vmem>> -> memref<64xi32, #tpu.memory_space<vmem>>
      %dma_wait3A_728 = tpu.memref_slice %arg3[%dma_wait3A_722, %mul3A_721] : memref<2x320000xi32, #tpu.memory_space<hbm>> -> memref<1x64xi32, #tpu.memory_space<hbm>>
      %dma_wait3A_729 = tpu.memref_squeeze %dma_wait3A_728 : memref<1x64xi32, #tpu.memory_space<hbm>> -> memref<64xi32, #tpu.memory_space<hbm>>
      %dma_wait3A_730 = arith.constant 0 : i32
      %dma_wait3A_731 = tpu.memref_slice %arg6[%dma_wait3A_723, %dma_wait3A_724, %dma_wait3A_730] : memref<10x2x64xi32, #tpu.memory_space<vmem>> -> memref<1x1x64xi32, #tpu.memory_space<vmem>>
      %dma_wait3A_732 = tpu.memref_squeeze %dma_wait3A_731 : memref<1x1x64xi32, #tpu.memory_space<vmem>> -> memref<64xi32, #tpu.memory_space<vmem>>
      %dma_wait3A_733 = tpu.memref_slice %arg3[%dma_wait3A_722, %mul3A_721] : memref<2x320000xi32, #tpu.memory_space<hbm>> -> memref<1x64xi32, #tpu.memory_space<hbm>>
      %dma_wait3A_734 = tpu.memref_squeeze %dma_wait3A_733 : memref<1x64xi32, #tpu.memory_space<hbm>> -> memref<64xi32, #tpu.memory_space<hbm>>
      tpu.wait_dma2 semaphore(%arg20 : memref<!tpu.dma_semaphore, #tpu.memory_space<semaphore_mem>>) src(%dma_wait3A_734 : memref<64xi32, #tpu.memory_space<hbm>>) dst(%dma_wait3A_732 : memref<64xi32, #tpu.memory_space<vmem>>)
      %dma_wait3A_735 = arith.constant 1 : i32
      %dma_wait3A_736 = arith.constant 7 : i32
      %dma_wait3A_737 = arith.constant 1 : i32
      %dma_wait3A_738 = arith.constant 0 : i32
      %dma_wait3A_739 = tpu.memref_slice %arg6[%dma_wait3A_736, %dma_wait3A_737, %dma_wait3A_738] : memref<10x2x64xi32, #tpu.memory_space<vmem>> -> memref<1x1x64xi32, #tpu.memory_space<vmem>>
      %dma_wait3A_740 = tpu.memref_squeeze %dma_wait3A_739 : memref<1x1x64xi32, #tpu.memory_space<vmem>> -> memref<64xi32, #tpu.memory_space<vmem>>
      %dma_wait3A_741 = tpu.memref_slice %arg3[%dma_wait3A_735, %mul3A_721] : memref<2x320000xi32, #tpu.memory_space<hbm>> -> memref<1x64xi32, #tpu.memory_space<hbm>>
      %dma_wait3A_742 = tpu.memref_squeeze %dma_wait3A_741 : memref<1x64xi32, #tpu.memory_space<hbm>> -> memref<64xi32, #tpu.memory_space<hbm>>
      %dma_wait3A_743 = arith.constant 0 : i32
      %dma_wait3A_744 = tpu.memref_slice %arg6[%dma_wait3A_736, %dma_wait3A_737, %dma_wait3A_743] : memref<10x2x64xi32, #tpu.memory_space<vmem>> -> memref<1x1x64xi32, #tpu.memory_space<vmem>>
      %dma_wait3A_745 = tpu.memref_squeeze %dma_wait3A_744 : memref<1x1x64xi32, #tpu.memory_space<vmem>> -> memref<64xi32, #tpu.memory_space<vmem>>
      %dma_wait3A_746 = tpu.memref_slice %arg3[%dma_wait3A_735, %mul3A_721] : memref<2x320000xi32, #tpu.memory_space<hbm>> -> memref<1x64xi32, #tpu.memory_space<hbm>>
      %dma_wait3A_747 = tpu.memref_squeeze %dma_wait3A_746 : memref<1x64xi32, #tpu.memory_space<hbm>> -> memref<64xi32, #tpu.memory_space<hbm>>
      tpu.wait_dma2 semaphore(%arg30 : memref<!tpu.dma_semaphore, #tpu.memory_space<semaphore_mem>>) src(%dma_wait3A_747 : memref<64xi32, #tpu.memory_space<hbm>>) dst(%dma_wait3A_745 : memref<64xi32, #tpu.memory_space<vmem>>)
      %mul3A_748 = arith.constant 32 : i32
      %mul3A_749 = arith.muli %mul3A_748, %add3A_709 : i32
      %add3A_750 = arith.addi %add3A, %mul3A_749 : i32
      %ge3A_751 = arith.constant 5000 : i32
      %ge3A_752 = arith.cmpi sge, %add3A_750, %ge3A_751 : i32
      %convert_element_type3A_753 = arith.extui %ge3A_752 : i1 to i32
      %cond3A_754 = arith.constant 0 : i32
      %cond3A_755 = arith.cmpi ne, %convert_element_type3A_753, %cond3A_754 : i32
      scf.if %cond3A_755 {
        %broadcast_in_dim3A = arith.constant -1 : i32
        %broadcast_in_dim3A_915 = vector.broadcast %broadcast_in_dim3A : i32 to vector<16xi32>
        %swap3A = arith.constant 7 : i32
        %swap3A_916 = arith.constant 0 : i32
        %swap3A_917 = arith.index_cast %swap3A : i32 to index
        %swap3A_918 = arith.index_cast %swap3A_916 : i32 to index
        %swap3A_919 = arith.constant 0 : index
        %swap3A_920 = tpu.vector_load %arg6[%swap3A_917, %swap3A_918, %swap3A_919] {strides = array<i32>} : memref<10x2x64xi32, #tpu.memory_space<vmem>>, vector<1x1x16xi32>,
        %swap3A_921 = vector.shape_cast %swap3A_920 : vector<1x1x16xi32> to vector<16xi32>
        %swap3A_922 = vector.shape_cast %broadcast_in_dim3A_915 : vector<16xi32> to vector<1x1x16xi32>
        tpu.vector_store %arg6[%swap3A_917, %swap3A_918, %swap3A_919], %swap3A_922 {strides = array<i32>} : memref<10x2x64xi32, #tpu.memory_space<vmem>>, vector<1x1x16xi32>,
        %swap3A_923 = arith.constant 7 : i32
        %swap3A_924 = arith.constant 0 : i32
        %swap3A_925 = arith.index_cast %swap3A_923 : i32 to index
        %swap3A_926 = arith.index_cast %swap3A_924 : i32 to index
        %swap3A_927 = arith.constant 16 : index
        %swap3A_928 = tpu.vector_load %arg6[%swap3A_925, %swap3A_926, %swap3A_927] {strides = array<i32>} : memref<10x2x64xi32, #tpu.memory_space<vmem>>, vector<1x1x16xi32>,
        %swap3A_929 = vector.shape_cast %swap3A_928 : vector<1x1x16xi32> to vector<16xi32>
        %swap3A_930 = vector.shape_cast %broadcast_in_dim3A_915 : vector<16xi32> to vector<1x1x16xi32>
        tpu.vector_store %arg6[%swap3A_925, %swap3A_926, %swap3A_927], %swap3A_930 {strides = array<i32>} : memref<10x2x64xi32, #tpu.memory_space<vmem>>, vector<1x1x16xi32>,
        %swap3A_931 = arith.constant 7 : i32
        %swap3A_932 = arith.constant 0 : i32
        %swap3A_933 = arith.index_cast %swap3A_931 : i32 to index
        %swap3A_934 = arith.index_cast %swap3A_932 : i32 to index
        %swap3A_935 = arith.constant 32 : index
        %swap3A_936 = tpu.vector_load %arg6[%swap3A_933, %swap3A_934, %swap3A_935] {strides = array<i32>} : memref<10x2x64xi32, #tpu.memory_space<vmem>>, vector<1x1x16xi32>,
        %swap3A_937 = vector.shape_cast %swap3A_936 : vector<1x1x16xi32> to vector<16xi32>
        %swap3A_938 = vector.shape_cast %broadcast_in_dim3A_915 : vector<16xi32> to vector<1x1x16xi32>
        tpu.vector_store %arg6[%swap3A_933, %swap3A_934, %swap3A_935], %swap3A_938 {strides = array<i32>} : memref<10x2x64xi32, #tpu.memory_space<vmem>>, vector<1x1x16xi32>,
        %swap3A_939 = arith.constant 7 : i32
        %swap3A_940 = arith.constant 0 : i32
        %swap3A_941 = arith.index_cast %swap3A_939 : i32 to index
        %swap3A_942 = arith.index_cast %swap3A_940 : i32 to index
        %swap3A_943 = arith.constant 48 : index
        %swap3A_944 = tpu.vector_load %arg6[%swap3A_941, %swap3A_942, %swap3A_943] {strides = array<i32>} : memref<10x2x64xi32, #tpu.memory_space<vmem>>, vector<1x1x16xi32>,
        %swap3A_945 = vector.shape_cast %swap3A_944 : vector<1x1x16xi32> to vector<16xi32>
        %swap3A_946 = vector.shape_cast %broadcast_in_dim3A_915 : vector<16xi32> to vector<1x1x16xi32>
        tpu.vector_store %arg6[%swap3A_941, %swap3A_942, %swap3A_943], %swap3A_946 {strides = array<i32>} : memref<10x2x64xi32, #tpu.memory_space<vmem>>, vector<1x1x16xi32>,
        %swap3A_947 = arith.constant 7 : i32
        %swap3A_948 = arith.constant 1 : i32
        %swap3A_949 = arith.index_cast %swap3A_947 : i32 to index
        %swap3A_950 = arith.index_cast %swap3A_948 : i32 to index
        %swap3A_951 = arith.constant 0 : index
        %swap3A_952 = tpu.vector_load %arg6[%swap3A_949, %swap3A_950, %swap3A_951] {strides = array<i32>} : memref<10x2x64xi32, #tpu.memory_space<vmem>>, vector<1x1x16xi32>,
        %swap3A_953 = vector.shape_cast %swap3A_952 : vector<1x1x16xi32> to vector<16xi32>
        %swap3A_954 = vector.shape_cast %broadcast_in_dim3A_915 : vector<16xi32> to vector<1x1x16xi32>
        tpu.vector_store %arg6[%swap3A_949, %swap3A_950, %swap3A_951], %swap3A_954 {strides = array<i32>} : memref<10x2x64xi32, #tpu.memory_space<vmem>>, vector<1x1x16xi32>,
        %swap3A_955 = arith.constant 7 : i32
        %swap3A_956 = arith.constant 1 : i32
        %swap3A_957 = arith.index_cast %swap3A_955 : i32 to index
        %swap3A_958 = arith.index_cast %swap3A_956 : i32 to index
        %swap3A_959 = arith.constant 16 : index
        %swap3A_960 = tpu.vector_load %arg6[%swap3A_957, %swap3A_958, %swap3A_959] {strides = array<i32>} : memref<10x2x64xi32, #tpu.memory_space<vmem>>, vector<1x1x16xi32>,
        %swap3A_961 = vector.shape_cast %swap3A_960 : vector<1x1x16xi32> to vector<16xi32>
        %swap3A_962 = vector.shape_cast %broadcast_in_dim3A_915 : vector<16xi32> to vector<1x1x16xi32>
        tpu.vector_store %arg6[%swap3A_957, %swap3A_958, %swap3A_959], %swap3A_962 {strides = array<i32>} : memref<10x2x64xi32, #tpu.memory_space<vmem>>, vector<1x1x16xi32>,
        %swap3A_963 = arith.constant 7 : i32
        %swap3A_964 = arith.constant 1 : i32
        %swap3A_965 = arith.index_cast %swap3A_963 : i32 to index
        %swap3A_966 = arith.index_cast %swap3A_964 : i32 to index
        %swap3A_967 = arith.constant 32 : index
        %swap3A_968 = tpu.vector_load %arg6[%swap3A_965, %swap3A_966, %swap3A_967] {strides = array<i32>} : memref<10x2x64xi32, #tpu.memory_space<vmem>>, vector<1x1x16xi32>,
        %swap3A_969 = vector.shape_cast %swap3A_968 : vector<1x1x16xi32> to vector<16xi32>
        %swap3A_970 = vector.shape_cast %broadcast_in_dim3A_915 : vector<16xi32> to vector<1x1x16xi32>
        tpu.vector_store %arg6[%swap3A_965, %swap3A_966, %swap3A_967], %swap3A_970 {strides = array<i32>} : memref<10x2x64xi32, #tpu.memory_space<vmem>>, vector<1x1x16xi32>,
        %swap3A_971 = arith.constant 7 : i32
        %swap3A_972 = arith.constant 1 : i32
        %swap3A_973 = arith.index_cast %swap3A_971 : i32 to index
        %swap3A_974 = arith.index_cast %swap3A_972 : i32 to index
        %swap3A_975 = arith.constant 48 : index
        %swap3A_976 = tpu.vector_load %arg6[%swap3A_973, %swap3A_974, %swap3A_975] {strides = array<i32>} : memref<10x2x64xi32, #tpu.memory_space<vmem>>, vector<1x1x16xi32>,
        %swap3A_977 = vector.shape_cast %swap3A_976 : vector<1x1x16xi32> to vector<16xi32>
        %swap3A_978 = vector.shape_cast %broadcast_in_dim3A_915 : vector<16xi32> to vector<1x1x16xi32>
        tpu.vector_store %arg6[%swap3A_973, %swap3A_974, %swap3A_975], %swap3A_978 {strides = array<i32>} : memref<10x2x64xi32, #tpu.memory_space<vmem>>, vector<1x1x16xi32>,
      } else {
      }
      %dma_start3A_756 = arith.constant 7 : i32
      %dma_start3A_757 = arith.constant 0 : i32
      %dma_start3A_758 = arith.constant 0 : i32
      %dma_start3A_759 = tpu.memref_slice %arg6[%dma_start3A_756, %dma_start3A_757, %dma_start3A_758] : memref<10x2x64xi32, #tpu.memory_space<vmem>> -> memref<1x1x64xi32, #tpu.memory_space<vmem>>
      %dma_start3A_760 = tpu.memref_squeeze %dma_start3A_759 : memref<1x1x64xi32, #tpu.memory_space<vmem>> -> memref<64xi32, #tpu.memory_space<vmem>>
      %dma_start3A_761 = arith.constant 0 : i32
      %dma_start3A_762 = arith.constant 0 : i32
      %dma_start3A_763 = tpu.memref_slice %arg2[%dma_start3A_761, %dma_start3A_762] : memref<10000x128xf32, #tpu.memory_space<hbm>> -> memref<10000x128xf32, #tpu.memory_space<hbm>>
      %dma_start3A_764 = arith.constant -1 : i32
      tpu.enqueue_indirect_dma source(%dma_start3A_763 : memref<10000x128xf32, #tpu.memory_space<hbm>>) target(%arg9 : memref<64x128xf32, #tpu.memory_space<vmem>>) offsets(%dma_start3A_760 : memref<64xi32, #tpu.memory_space<vmem>>) offset_filter(%dma_start3A_764) semaphore(%arg35 : memref<!tpu.dma_semaphore, #tpu.memory_space<semaphore_mem>>)
      %ge3A_765 = arith.constant 4 : i32
      %ge3A_766 = arith.cmpi sge, %add3A_709, %ge3A_765 : i32
      %convert_element_type3A_767 = arith.extui %ge3A_766 : i1 to i32
      %cond3A_768 = arith.constant 0 : i32
      %cond3A_769 = arith.cmpi ne, %convert_element_type3A_767, %cond3A_768 : i32
      scf.if %cond3A_769 {
        %dma_wait3A_915 = arith.constant 3 : i32
        %dma_wait3A_916 = arith.constant 0 : i32
        %dma_wait3A_917 = arith.constant 0 : i32
        %dma_wait3A_918 = tpu.memref_slice %arg6[%dma_wait3A_915, %dma_wait3A_916, %dma_wait3A_917] : memref<10x2x64xi32, #tpu.memory_space<vmem>> -> memref<1x1x64xi32, #tpu.memory_space<vmem>>
        %dma_wait3A_919 = tpu.memref_squeeze %dma_wait3A_918 : memref<1x1x64xi32, #tpu.memory_space<vmem>> -> memref<64xi32, #tpu.memory_space<vmem>>
        %dma_wait3A_920 = arith.constant 0 : i32
        %dma_wait3A_921 = arith.constant 0 : i32
        %dma_wait3A_922 = tpu.memref_slice %arg2[%dma_wait3A_920, %dma_wait3A_921] : memref<10000x128xf32, #tpu.memory_space<hbm>> -> memref<10000x128xf32, #tpu.memory_space<hbm>>
        tpu.wait_indirect_dma semaphore(%arg36 : memref<!tpu.dma_semaphore, #tpu.memory_space<semaphore_mem>>) src(%dma_wait3A_922 : memref<10000x128xf32, #tpu.memory_space<hbm>>) dst(%arg10 : memref<64x128xf32, #tpu.memory_space<vmem>>)
        %dma_start3A_923 = arith.constant 3 : i32
        %dma_start3A_924 = arith.constant 1 : i32
        %dma_start3A_925 = arith.constant 0 : i32
        %dma_start3A_926 = tpu.memref_slice %arg6[%dma_start3A_923, %dma_start3A_924, %dma_start3A_925] : memref<10x2x64xi32, #tpu.memory_space<vmem>> -> memref<1x1x64xi32, #tpu.memory_space<vmem>>
        %dma_start3A_927 = tpu.memref_squeeze %dma_start3A_926 : memref<1x1x64xi32, #tpu.memory_space<vmem>> -> memref<64xi32, #tpu.memory_space<vmem>>
        %dma_start3A_928 = arith.constant 0 : i32
        %dma_start3A_929 = arith.constant 0 : i32
        %dma_start3A_930 = tpu.memref_slice %arg12[%dma_start3A_928, %dma_start3A_929] : memref<10112x128xf32, #tpu.memory_space<vmem_shared>> -> memref<10112x128xf32, #tpu.memory_space<vmem_shared>>
        %dma_start3A_931 = arith.constant -1 : i32
        tpu.enqueue_indirect_dma source(%arg10 : memref<64x128xf32, #tpu.memory_space<vmem>>) target(%dma_start3A_930 : memref<10112x128xf32, #tpu.memory_space<vmem_shared>>) offsets(%dma_start3A_927 : memref<64xi32, #tpu.memory_space<vmem>>) offset_filter(%dma_start3A_931) semaphore(%arg41 : memref<!tpu.dma_semaphore, #tpu.memory_space<semaphore_mem>>) {add = true}
      } else {
      }
      %add3A_770 = arith.constant 5 : i32
      %add3A_771 = arith.addi %add3A_709, %add3A_770 : i32
      %lt3A_772 = arith.constant 160 : i32
      %lt3A_773 = arith.cmpi slt, %add3A_771, %lt3A_772 : i32
      %convert_element_type3A_774 = arith.extui %lt3A_773 : i1 to i32
      %cond3A_775 = arith.constant 0 : i32
      %cond3A_776 = arith.cmpi ne, %convert_element_type3A_774, %cond3A_775 : i32
      scf.if %cond3A_776 {
        %add3A_915 = arith.constant 5 : i32
        %add3A_916 = arith.addi %add3A_709, %add3A_915 : i32
        %mul3A_917 = arith.constant 32 : i32
        %mul3A_918 = arith.muli %mul3A_917, %add3A_916 : i32
        %add3A_919 = arith.addi %add3A, %mul3A_918 : i32
        %min3A_920 = arith.constant 4999 : i32
        %min3A_921 = arith.minsi %add3A_919, %min3A_920 : i32
        %mul3A_922 = arith.constant 64 : i32
        %mul3A_923 = arith.muli %min3A_921, %mul3A_922 : i32
        %dma_start3A_924 = arith.constant 0 : i32
        %dma_start3A_925 = arith.constant 2 : i32
        %dma_start3A_926 = arith.constant 0 : i32
        %dma_start3A_927 = arith.constant 0 : i32
        %dma_start3A_928 = tpu.memref_slice %arg6[%dma_start3A_925, %dma_start3A_926, %dma_start3A_927] : memref<10x2x64xi32, #tpu.memory_space<vmem>> -> memref<1x1x64xi32, #tpu.memory_space<vmem>>
        %dma_start3A_929 = tpu.memref_squeeze %dma_start3A_928 : memref<1x1x64xi32, #tpu.memory_space<vmem>> -> memref<64xi32, #tpu.memory_space<vmem>>
        %dma_start3A_930 = tpu.memref_slice %arg3[%dma_start3A_924, %mul3A_923] : memref<2x320000xi32, #tpu.memory_space<hbm>> -> memref<1x64xi32, #tpu.memory_space<hbm>>
        %dma_start3A_931 = tpu.memref_squeeze %dma_start3A_930 : memref<1x64xi32, #tpu.memory_space<hbm>> -> memref<64xi32, #tpu.memory_space<hbm>>
        %dma_start3A_932 = arith.constant 0 : i32
        %dma_start3A_933 = tpu.memref_slice %arg6[%dma_start3A_925, %dma_start3A_926, %dma_start3A_932] : memref<10x2x64xi32, #tpu.memory_space<vmem>> -> memref<1x1x64xi32, #tpu.memory_space<vmem>>
        %dma_start3A_934 = tpu.memref_squeeze %dma_start3A_933 : memref<1x1x64xi32, #tpu.memory_space<vmem>> -> memref<64xi32, #tpu.memory_space<vmem>>
        %dma_start3A_935 = tpu.memref_slice %arg3[%dma_start3A_924, %mul3A_923] : memref<2x320000xi32, #tpu.memory_space<hbm>> -> memref<1x64xi32, #tpu.memory_space<hbm>>
        %dma_start3A_936 = tpu.memref_squeeze %dma_start3A_935 : memref<1x64xi32, #tpu.memory_space<hbm>> -> memref<64xi32, #tpu.memory_space<hbm>>
        tpu.enqueue_dma source(%dma_start3A_936 : memref<64xi32, #tpu.memory_space<hbm>>) target(%dma_start3A_934 : memref<64xi32, #tpu.memory_space<vmem>>) target_semaphore(%arg15 : memref<!tpu.dma_semaphore, #tpu.memory_space<semaphore_mem>>)
        %dma_start3A_937 = arith.constant 1 : i32
        %dma_start3A_938 = arith.constant 2 : i32
        %dma_start3A_939 = arith.constant 1 : i32
        %dma_start3A_940 = arith.constant 0 : i32
        %dma_start3A_941 = tpu.memref_slice %arg6[%dma_start3A_938, %dma_start3A_939, %dma_start3A_940] : memref<10x2x64xi32, #tpu.memory_space<vmem>> -> memref<1x1x64xi32, #tpu.memory_space<vmem>>
        %dma_start3A_942 = tpu.memref_squeeze %dma_start3A_941 : memref<1x1x64xi32, #tpu.memory_space<vmem>> -> memref<64xi32, #tpu.memory_space<vmem>>
        %dma_start3A_943 = tpu.memref_slice %arg3[%dma_start3A_937, %mul3A_923] : memref<2x320000xi32, #tpu.memory_space<hbm>> -> memref<1x64xi32, #tpu.memory_space<hbm>>
        %dma_start3A_944 = tpu.memref_squeeze %dma_start3A_943 : memref<1x64xi32, #tpu.memory_space<hbm>> -> memref<64xi32, #tpu.memory_space<hbm>>
        %dma_start3A_945 = arith.constant 0 : i32
        %dma_start3A_946 = tpu.memref_slice %arg6[%dma_start3A_938, %dma_start3A_939, %dma_start3A_945] : memref<10x2x64xi32, #tpu.memory_space<vmem>> -> memref<1x1x64xi32, #tpu.memory_space<vmem>>
        %dma_start3A_947 = tpu.memref_squeeze %dma_start3A_946 : memref<1x1x64xi32, #tpu.memory_space<vmem>> -> memref<64xi32, #tpu.memory_space<vmem>>
        %dma_start3A_948 = tpu.memref_slice %arg3[%dma_start3A_937, %mul3A_923] : memref<2x320000xi32, #tpu.memory_space<hbm>> -> memref<1x64xi32, #tpu.memory_space<hbm>>
        %dma_start3A_949 = tpu.memref_squeeze %dma_start3A_948 : memref<1x64xi32, #tpu.memory_space<hbm>> -> memref<64xi32, #tpu.memory_space<hbm>>
        tpu.enqueue_dma source(%dma_start3A_949 : memref<64xi32, #tpu.memory_space<hbm>>) target(%dma_start3A_947 : memref<64xi32, #tpu.memory_space<vmem>>) target_semaphore(%arg25 : memref<!tpu.dma_semaphore, #tpu.memory_space<semaphore_mem>>)
      } else {
      }
      %add3A_777 = arith.constant 8 : i32
      %add3A_778 = arith.addi %add3A_226, %add3A_777 : i32
      %ge3A_779 = arith.constant 5 : i32
      %ge3A_780 = arith.cmpi sge, %add3A_778, %ge3A_779 : i32
      %convert_element_type3A_781 = arith.extui %ge3A_780 : i1 to i32
      %cond3A_782 = arith.constant 0 : i32
      %cond3A_783 = arith.cmpi ne, %convert_element_type3A_781, %cond3A_782 : i32
      scf.if %cond3A_783 {
        %dma_wait3A_915 = arith.constant 3 : i32
        %dma_wait3A_916 = arith.constant 1 : i32
        %dma_wait3A_917 = arith.constant 0 : i32
        %dma_wait3A_918 = tpu.memref_slice %arg6[%dma_wait3A_915, %dma_wait3A_916, %dma_wait3A_917] : memref<10x2x64xi32, #tpu.memory_space<vmem>> -> memref<1x1x64xi32, #tpu.memory_space<vmem>>
        %dma_wait3A_919 = tpu.memref_squeeze %dma_wait3A_918 : memref<1x1x64xi32, #tpu.memory_space<vmem>> -> memref<64xi32, #tpu.memory_space<vmem>>
        %dma_wait3A_920 = arith.constant 0 : i32
        %dma_wait3A_921 = arith.constant 0 : i32
        %dma_wait3A_922 = tpu.memref_slice %arg12[%dma_wait3A_920, %dma_wait3A_921] : memref<10112x128xf32, #tpu.memory_space<vmem_shared>> -> memref<10112x128xf32, #tpu.memory_space<vmem_shared>>
        tpu.wait_indirect_dma semaphore(%arg41 : memref<!tpu.dma_semaphore, #tpu.memory_space<semaphore_mem>>) src(%arg10 : memref<64x128xf32, #tpu.memory_space<vmem>>) dst(%dma_wait3A_922 : memref<10112x128xf32, #tpu.memory_space<vmem_shared>>)
      } else {
      }
      %mul3A_784 = arith.constant 32 : i32
      %mul3A_785 = arith.muli %mul3A_784, %add3A_778 : i32
      %add3A_786 = arith.addi %add3A, %mul3A_785 : i32
      %min3A_787 = arith.constant 4999 : i32
      %min3A_788 = arith.minsi %add3A_786, %min3A_787 : i32
      %mul3A_789 = arith.constant 64 : i32
      %mul3A_790 = arith.muli %min3A_788, %mul3A_789 : i32
      %dma_wait3A_791 = arith.constant 0 : i32
      %dma_wait3A_792 = arith.constant 8 : i32
      %dma_wait3A_793 = arith.constant 0 : i32
      %dma_wait3A_794 = arith.constant 0 : i32
      %dma_wait3A_795 = tpu.memref_slice %arg6[%dma_wait3A_792, %dma_wait3A_793, %dma_wait3A_794] : memref<10x2x64xi32, #tpu.memory_space<vmem>> -> memref<1x1x64xi32, #tpu.memory_space<vmem>>
      %dma_wait3A_796 = tpu.memref_squeeze %dma_wait3A_795 : memref<1x1x64xi32, #tpu.memory_space<vmem>> -> memref<64xi32, #tpu.memory_space<vmem>>
      %dma_wait3A_797 = tpu.memref_slice %arg3[%dma_wait3A_791, %mul3A_790] : memref<2x320000xi32, #tpu.memory_space<hbm>> -> memref<1x64xi32, #tpu.memory_space<hbm>>
      %dma_wait3A_798 = tpu.memref_squeeze %dma_wait3A_797 : memref<1x64xi32, #tpu.memory_space<hbm>> -> memref<64xi32, #tpu.memory_space<hbm>>
      %dma_wait3A_799 = arith.constant 0 : i32
      %dma_wait3A_800 = tpu.memref_slice %arg6[%dma_wait3A_792, %dma_wait3A_793, %dma_wait3A_799] : memref<10x2x64xi32, #tpu.memory_space<vmem>> -> memref<1x1x64xi32, #tpu.memory_space<vmem>>
      %dma_wait3A_801 = tpu.memref_squeeze %dma_wait3A_800 : memref<1x1x64xi32, #tpu.memory_space<vmem>> -> memref<64xi32, #tpu.memory_space<vmem>>
      %dma_wait3A_802 = tpu.memref_slice %arg3[%dma_wait3A_791, %mul3A_790] : memref<2x320000xi32, #tpu.memory_space<hbm>> -> memref<1x64xi32, #tpu.memory_space<hbm>>
      %dma_wait3A_803 = tpu.memref_squeeze %dma_wait3A_802 : memref<1x64xi32, #tpu.memory_space<hbm>> -> memref<64xi32, #tpu.memory_space<hbm>>
      tpu.wait_dma2 semaphore(%arg21 : memref<!tpu.dma_semaphore, #tpu.memory_space<semaphore_mem>>) src(%dma_wait3A_803 : memref<64xi32, #tpu.memory_space<hbm>>) dst(%dma_wait3A_801 : memref<64xi32, #tpu.memory_space<vmem>>)
      %dma_wait3A_804 = arith.constant 1 : i32
      %dma_wait3A_805 = arith.constant 8 : i32
      %dma_wait3A_806 = arith.constant 1 : i32
      %dma_wait3A_807 = arith.constant 0 : i32
      %dma_wait3A_808 = tpu.memref_slice %arg6[%dma_wait3A_805, %dma_wait3A_806, %dma_wait3A_807] : memref<10x2x64xi32, #tpu.memory_space<vmem>> -> memref<1x1x64xi32, #tpu.memory_space<vmem>>
      %dma_wait3A_809 = tpu.memref_squeeze %dma_wait3A_808 : memref<1x1x64xi32, #tpu.memory_space<vmem>> -> memref<64xi32, #tpu.memory_space<vmem>>
      %dma_wait3A_810 = tpu.memref_slice %arg3[%dma_wait3A_804, %mul3A_790] : memref<2x320000xi32, #tpu.memory_space<hbm>> -> memref<1x64xi32, #tpu.memory_space<hbm>>
      %dma_wait3A_811 = tpu.memref_squeeze %dma_wait3A_810 : memref<1x64xi32, #tpu.memory_space<hbm>> -> memref<64xi32, #tpu.memory_space<hbm>>
      %dma_wait3A_812 = arith.constant 0 : i32
      %dma_wait3A_813 = tpu.memref_slice %arg6[%dma_wait3A_805, %dma_wait3A_806, %dma_wait3A_812] : memref<10x2x64xi32, #tpu.memory_space<vmem>> -> memref<1x1x64xi32, #tpu.memory_space<vmem>>
      %dma_wait3A_814 = tpu.memref_squeeze %dma_wait3A_813 : memref<1x1x64xi32, #tpu.memory_space<vmem>> -> memref<64xi32, #tpu.memory_space<vmem>>
      %dma_wait3A_815 = tpu.memref_slice %arg3[%dma_wait3A_804, %mul3A_790] : memref<2x320000xi32, #tpu.memory_space<hbm>> -> memref<1x64xi32, #tpu.memory_space<hbm>>
      %dma_wait3A_816 = tpu.memref_squeeze %dma_wait3A_815 : memref<1x64xi32, #tpu.memory_space<hbm>> -> memref<64xi32, #tpu.memory_space<hbm>>
      tpu.wait_dma2 semaphore(%arg31 : memref<!tpu.dma_semaphore, #tpu.memory_space<semaphore_mem>>) src(%dma_wait3A_816 : memref<64xi32, #tpu.memory_space<hbm>>) dst(%dma_wait3A_814 : memref<64xi32, #tpu.memory_space<vmem>>)
      %mul3A_817 = arith.constant 32 : i32
      %mul3A_818 = arith.muli %mul3A_817, %add3A_778 : i32
      %add3A_819 = arith.addi %add3A, %mul3A_818 : i32
      %ge3A_820 = arith.constant 5000 : i32
      %ge3A_821 = arith.cmpi sge, %add3A_819, %ge3A_820 : i32
      %convert_element_type3A_822 = arith.extui %ge3A_821 : i1 to i32
      %cond3A_823 = arith.constant 0 : i32
      %cond3A_824 = arith.cmpi ne, %convert_element_type3A_822, %cond3A_823 : i32
      scf.if %cond3A_824 {
        %broadcast_in_dim3A = arith.constant -1 : i32
        %broadcast_in_dim3A_915 = vector.broadcast %broadcast_in_dim3A : i32 to vector<16xi32>
        %swap3A = arith.constant 8 : i32
        %swap3A_916 = arith.constant 0 : i32
        %swap3A_917 = arith.index_cast %swap3A : i32 to index
        %swap3A_918 = arith.index_cast %swap3A_916 : i32 to index
        %swap3A_919 = arith.constant 0 : index
        %swap3A_920 = tpu.vector_load %arg6[%swap3A_917, %swap3A_918, %swap3A_919] {strides = array<i32>} : memref<10x2x64xi32, #tpu.memory_space<vmem>>, vector<1x1x16xi32>,
        %swap3A_921 = vector.shape_cast %swap3A_920 : vector<1x1x16xi32> to vector<16xi32>
        %swap3A_922 = vector.shape_cast %broadcast_in_dim3A_915 : vector<16xi32> to vector<1x1x16xi32>
        tpu.vector_store %arg6[%swap3A_917, %swap3A_918, %swap3A_919], %swap3A_922 {strides = array<i32>} : memref<10x2x64xi32, #tpu.memory_space<vmem>>, vector<1x1x16xi32>,
        %swap3A_923 = arith.constant 8 : i32
        %swap3A_924 = arith.constant 0 : i32
        %swap3A_925 = arith.index_cast %swap3A_923 : i32 to index
        %swap3A_926 = arith.index_cast %swap3A_924 : i32 to index
        %swap3A_927 = arith.constant 16 : index
        %swap3A_928 = tpu.vector_load %arg6[%swap3A_925, %swap3A_926, %swap3A_927] {strides = array<i32>} : memref<10x2x64xi32, #tpu.memory_space<vmem>>, vector<1x1x16xi32>,
        %swap3A_929 = vector.shape_cast %swap3A_928 : vector<1x1x16xi32> to vector<16xi32>
        %swap3A_930 = vector.shape_cast %broadcast_in_dim3A_915 : vector<16xi32> to vector<1x1x16xi32>
        tpu.vector_store %arg6[%swap3A_925, %swap3A_926, %swap3A_927], %swap3A_930 {strides = array<i32>} : memref<10x2x64xi32, #tpu.memory_space<vmem>>, vector<1x1x16xi32>,
        %swap3A_931 = arith.constant 8 : i32
        %swap3A_932 = arith.constant 0 : i32
        %swap3A_933 = arith.index_cast %swap3A_931 : i32 to index
        %swap3A_934 = arith.index_cast %swap3A_932 : i32 to index
        %swap3A_935 = arith.constant 32 : index
        %swap3A_936 = tpu.vector_load %arg6[%swap3A_933, %swap3A_934, %swap3A_935] {strides = array<i32>} : memref<10x2x64xi32, #tpu.memory_space<vmem>>, vector<1x1x16xi32>,
        %swap3A_937 = vector.shape_cast %swap3A_936 : vector<1x1x16xi32> to vector<16xi32>
        %swap3A_938 = vector.shape_cast %broadcast_in_dim3A_915 : vector<16xi32> to vector<1x1x16xi32>
        tpu.vector_store %arg6[%swap3A_933, %swap3A_934, %swap3A_935], %swap3A_938 {strides = array<i32>} : memref<10x2x64xi32, #tpu.memory_space<vmem>>, vector<1x1x16xi32>,
        %swap3A_939 = arith.constant 8 : i32
        %swap3A_940 = arith.constant 0 : i32
        %swap3A_941 = arith.index_cast %swap3A_939 : i32 to index
        %swap3A_942 = arith.index_cast %swap3A_940 : i32 to index
        %swap3A_943 = arith.constant 48 : index
        %swap3A_944 = tpu.vector_load %arg6[%swap3A_941, %swap3A_942, %swap3A_943] {strides = array<i32>} : memref<10x2x64xi32, #tpu.memory_space<vmem>>, vector<1x1x16xi32>,
        %swap3A_945 = vector.shape_cast %swap3A_944 : vector<1x1x16xi32> to vector<16xi32>
        %swap3A_946 = vector.shape_cast %broadcast_in_dim3A_915 : vector<16xi32> to vector<1x1x16xi32>
        tpu.vector_store %arg6[%swap3A_941, %swap3A_942, %swap3A_943], %swap3A_946 {strides = array<i32>} : memref<10x2x64xi32, #tpu.memory_space<vmem>>, vector<1x1x16xi32>,
        %swap3A_947 = arith.constant 8 : i32
        %swap3A_948 = arith.constant 1 : i32
        %swap3A_949 = arith.index_cast %swap3A_947 : i32 to index
        %swap3A_950 = arith.index_cast %swap3A_948 : i32 to index
        %swap3A_951 = arith.constant 0 : index
        %swap3A_952 = tpu.vector_load %arg6[%swap3A_949, %swap3A_950, %swap3A_951] {strides = array<i32>} : memref<10x2x64xi32, #tpu.memory_space<vmem>>, vector<1x1x16xi32>,
        %swap3A_953 = vector.shape_cast %swap3A_952 : vector<1x1x16xi32> to vector<16xi32>
        %swap3A_954 = vector.shape_cast %broadcast_in_dim3A_915 : vector<16xi32> to vector<1x1x16xi32>
        tpu.vector_store %arg6[%swap3A_949, %swap3A_950, %swap3A_951], %swap3A_954 {strides = array<i32>} : memref<10x2x64xi32, #tpu.memory_space<vmem>>, vector<1x1x16xi32>,
        %swap3A_955 = arith.constant 8 : i32
        %swap3A_956 = arith.constant 1 : i32
        %swap3A_957 = arith.index_cast %swap3A_955 : i32 to index
        %swap3A_958 = arith.index_cast %swap3A_956 : i32 to index
        %swap3A_959 = arith.constant 16 : index
        %swap3A_960 = tpu.vector_load %arg6[%swap3A_957, %swap3A_958, %swap3A_959] {strides = array<i32>} : memref<10x2x64xi32, #tpu.memory_space<vmem>>, vector<1x1x16xi32>,
        %swap3A_961 = vector.shape_cast %swap3A_960 : vector<1x1x16xi32> to vector<16xi32>
        %swap3A_962 = vector.shape_cast %broadcast_in_dim3A_915 : vector<16xi32> to vector<1x1x16xi32>
        tpu.vector_store %arg6[%swap3A_957, %swap3A_958, %swap3A_959], %swap3A_962 {strides = array<i32>} : memref<10x2x64xi32, #tpu.memory_space<vmem>>, vector<1x1x16xi32>,
        %swap3A_963 = arith.constant 8 : i32
        %swap3A_964 = arith.constant 1 : i32
        %swap3A_965 = arith.index_cast %swap3A_963 : i32 to index
        %swap3A_966 = arith.index_cast %swap3A_964 : i32 to index
        %swap3A_967 = arith.constant 32 : index
        %swap3A_968 = tpu.vector_load %arg6[%swap3A_965, %swap3A_966, %swap3A_967] {strides = array<i32>} : memref<10x2x64xi32, #tpu.memory_space<vmem>>, vector<1x1x16xi32>,
        %swap3A_969 = vector.shape_cast %swap3A_968 : vector<1x1x16xi32> to vector<16xi32>
        %swap3A_970 = vector.shape_cast %broadcast_in_dim3A_915 : vector<16xi32> to vector<1x1x16xi32>
        tpu.vector_store %arg6[%swap3A_965, %swap3A_966, %swap3A_967], %swap3A_970 {strides = array<i32>} : memref<10x2x64xi32, #tpu.memory_space<vmem>>, vector<1x1x16xi32>,
        %swap3A_971 = arith.constant 8 : i32
        %swap3A_972 = arith.constant 1 : i32
        %swap3A_973 = arith.index_cast %swap3A_971 : i32 to index
        %swap3A_974 = arith.index_cast %swap3A_972 : i32 to index
        %swap3A_975 = arith.constant 48 : index
        %swap3A_976 = tpu.vector_load %arg6[%swap3A_973, %swap3A_974, %swap3A_975] {strides = array<i32>} : memref<10x2x64xi32, #tpu.memory_space<vmem>>, vector<1x1x16xi32>,
        %swap3A_977 = vector.shape_cast %swap3A_976 : vector<1x1x16xi32> to vector<16xi32>
        %swap3A_978 = vector.shape_cast %broadcast_in_dim3A_915 : vector<16xi32> to vector<1x1x16xi32>
        tpu.vector_store %arg6[%swap3A_973, %swap3A_974, %swap3A_975], %swap3A_978 {strides = array<i32>} : memref<10x2x64xi32, #tpu.memory_space<vmem>>, vector<1x1x16xi32>,
      } else {
      }
      %dma_start3A_825 = arith.constant 8 : i32
      %dma_start3A_826 = arith.constant 0 : i32
      %dma_start3A_827 = arith.constant 0 : i32
      %dma_start3A_828 = tpu.memref_slice %arg6[%dma_start3A_825, %dma_start3A_826, %dma_start3A_827] : memref<10x2x64xi32, #tpu.memory_space<vmem>> -> memref<1x1x64xi32, #tpu.memory_space<vmem>>
      %dma_start3A_829 = tpu.memref_squeeze %dma_start3A_828 : memref<1x1x64xi32, #tpu.memory_space<vmem>> -> memref<64xi32, #tpu.memory_space<vmem>>
      %dma_start3A_830 = arith.constant 0 : i32
      %dma_start3A_831 = arith.constant 0 : i32
      %dma_start3A_832 = tpu.memref_slice %arg2[%dma_start3A_830, %dma_start3A_831] : memref<10000x128xf32, #tpu.memory_space<hbm>> -> memref<10000x128xf32, #tpu.memory_space<hbm>>
      %dma_start3A_833 = arith.constant -1 : i32
      tpu.enqueue_indirect_dma source(%dma_start3A_832 : memref<10000x128xf32, #tpu.memory_space<hbm>>) target(%arg10 : memref<64x128xf32, #tpu.memory_space<vmem>>) offsets(%dma_start3A_829 : memref<64xi32, #tpu.memory_space<vmem>>) offset_filter(%dma_start3A_833) semaphore(%arg36 : memref<!tpu.dma_semaphore, #tpu.memory_space<semaphore_mem>>)
      %ge3A_834 = arith.constant 4 : i32
      %ge3A_835 = arith.cmpi sge, %add3A_778, %ge3A_834 : i32
      %convert_element_type3A_836 = arith.extui %ge3A_835 : i1 to i32
      %cond3A_837 = arith.constant 0 : i32
      %cond3A_838 = arith.cmpi ne, %convert_element_type3A_836, %cond3A_837 : i32
      scf.if %cond3A_838 {
        %dma_wait3A_915 = arith.constant 4 : i32
        %dma_wait3A_916 = arith.constant 0 : i32
        %dma_wait3A_917 = arith.constant 0 : i32
        %dma_wait3A_918 = tpu.memref_slice %arg6[%dma_wait3A_915, %dma_wait3A_916, %dma_wait3A_917] : memref<10x2x64xi32, #tpu.memory_space<vmem>> -> memref<1x1x64xi32, #tpu.memory_space<vmem>>
        %dma_wait3A_919 = tpu.memref_squeeze %dma_wait3A_918 : memref<1x1x64xi32, #tpu.memory_space<vmem>> -> memref<64xi32, #tpu.memory_space<vmem>>
        %dma_wait3A_920 = arith.constant 0 : i32
        %dma_wait3A_921 = arith.constant 0 : i32
        %dma_wait3A_922 = tpu.memref_slice %arg2[%dma_wait3A_920, %dma_wait3A_921] : memref<10000x128xf32, #tpu.memory_space<hbm>> -> memref<10000x128xf32, #tpu.memory_space<hbm>>
        tpu.wait_indirect_dma semaphore(%arg37 : memref<!tpu.dma_semaphore, #tpu.memory_space<semaphore_mem>>) src(%dma_wait3A_922 : memref<10000x128xf32, #tpu.memory_space<hbm>>) dst(%arg11 : memref<64x128xf32, #tpu.memory_space<vmem>>)
        %dma_start3A_923 = arith.constant 4 : i32
        %dma_start3A_924 = arith.constant 1 : i32
        %dma_start3A_925 = arith.constant 0 : i32
        %dma_start3A_926 = tpu.memref_slice %arg6[%dma_start3A_923, %dma_start3A_924, %dma_start3A_925] : memref<10x2x64xi32, #tpu.memory_space<vmem>> -> memref<1x1x64xi32, #tpu.memory_space<vmem>>
        %dma_start3A_927 = tpu.memref_squeeze %dma_start3A_926 : memref<1x1x64xi32, #tpu.memory_space<vmem>> -> memref<64xi32, #tpu.memory_space<vmem>>
        %dma_start3A_928 = arith.constant 0 : i32
        %dma_start3A_929 = arith.constant 0 : i32
        %dma_start3A_930 = tpu.memref_slice %arg12[%dma_start3A_928, %dma_start3A_929] : memref<10112x128xf32, #tpu.memory_space<vmem_shared>> -> memref<10112x128xf32, #tpu.memory_space<vmem_shared>>
        %dma_start3A_931 = arith.constant -1 : i32
        tpu.enqueue_indirect_dma source(%arg11 : memref<64x128xf32, #tpu.memory_space<vmem>>) target(%dma_start3A_930 : memref<10112x128xf32, #tpu.memory_space<vmem_shared>>) offsets(%dma_start3A_927 : memref<64xi32, #tpu.memory_space<vmem>>) offset_filter(%dma_start3A_931) semaphore(%arg42 : memref<!tpu.dma_semaphore, #tpu.memory_space<semaphore_mem>>) {add = true}
      } else {
      }
      %add3A_839 = arith.constant 5 : i32
      %add3A_840 = arith.addi %add3A_778, %add3A_839 : i32
      %lt3A_841 = arith.constant 160 : i32
      %lt3A_842 = arith.cmpi slt, %add3A_840, %lt3A_841 : i32
      %convert_element_type3A_843 = arith.extui %lt3A_842 : i1 to i32
      %cond3A_844 = arith.constant 0 : i32
      %cond3A_845 = arith.cmpi ne, %convert_element_type3A_843, %cond3A_844 : i32
      scf.if %cond3A_845 {
        %add3A_915 = arith.constant 5 : i32
        %add3A_916 = arith.addi %add3A_778, %add3A_915 : i32
        %mul3A_917 = arith.constant 32 : i32
        %mul3A_918 = arith.muli %mul3A_917, %add3A_916 : i32
        %add3A_919 = arith.addi %add3A, %mul3A_918 : i32
        %min3A_920 = arith.constant 4999 : i32
        %min3A_921 = arith.minsi %add3A_919, %min3A_920 : i32
        %mul3A_922 = arith.constant 64 : i32
        %mul3A_923 = arith.muli %min3A_921, %mul3A_922 : i32
        %dma_start3A_924 = arith.constant 0 : i32
        %dma_start3A_925 = arith.constant 3 : i32
        %dma_start3A_926 = arith.constant 0 : i32
        %dma_start3A_927 = arith.constant 0 : i32
        %dma_start3A_928 = tpu.memref_slice %arg6[%dma_start3A_925, %dma_start3A_926, %dma_start3A_927] : memref<10x2x64xi32, #tpu.memory_space<vmem>> -> memref<1x1x64xi32, #tpu.memory_space<vmem>>
        %dma_start3A_929 = tpu.memref_squeeze %dma_start3A_928 : memref<1x1x64xi32, #tpu.memory_space<vmem>> -> memref<64xi32, #tpu.memory_space<vmem>>
        %dma_start3A_930 = tpu.memref_slice %arg3[%dma_start3A_924, %mul3A_923] : memref<2x320000xi32, #tpu.memory_space<hbm>> -> memref<1x64xi32, #tpu.memory_space<hbm>>
        %dma_start3A_931 = tpu.memref_squeeze %dma_start3A_930 : memref<1x64xi32, #tpu.memory_space<hbm>> -> memref<64xi32, #tpu.memory_space<hbm>>
        %dma_start3A_932 = arith.constant 0 : i32
        %dma_start3A_933 = tpu.memref_slice %arg6[%dma_start3A_925, %dma_start3A_926, %dma_start3A_932] : memref<10x2x64xi32, #tpu.memory_space<vmem>> -> memref<1x1x64xi32, #tpu.memory_space<vmem>>
        %dma_start3A_934 = tpu.memref_squeeze %dma_start3A_933 : memref<1x1x64xi32, #tpu.memory_space<vmem>> -> memref<64xi32, #tpu.memory_space<vmem>>
        %dma_start3A_935 = tpu.memref_slice %arg3[%dma_start3A_924, %mul3A_923] : memref<2x320000xi32, #tpu.memory_space<hbm>> -> memref<1x64xi32, #tpu.memory_space<hbm>>
        %dma_start3A_936 = tpu.memref_squeeze %dma_start3A_935 : memref<1x64xi32, #tpu.memory_space<hbm>> -> memref<64xi32, #tpu.memory_space<hbm>>
        tpu.enqueue_dma source(%dma_start3A_936 : memref<64xi32, #tpu.memory_space<hbm>>) target(%dma_start3A_934 : memref<64xi32, #tpu.memory_space<vmem>>) target_semaphore(%arg16 : memref<!tpu.dma_semaphore, #tpu.memory_space<semaphore_mem>>)
        %dma_start3A_937 = arith.constant 1 : i32
        %dma_start3A_938 = arith.constant 3 : i32
        %dma_start3A_939 = arith.constant 1 : i32
        %dma_start3A_940 = arith.constant 0 : i32
        %dma_start3A_941 = tpu.memref_slice %arg6[%dma_start3A_938, %dma_start3A_939, %dma_start3A_940] : memref<10x2x64xi32, #tpu.memory_space<vmem>> -> memref<1x1x64xi32, #tpu.memory_space<vmem>>
        %dma_start3A_942 = tpu.memref_squeeze %dma_start3A_941 : memref<1x1x64xi32, #tpu.memory_space<vmem>> -> memref<64xi32, #tpu.memory_space<vmem>>
        %dma_start3A_943 = tpu.memref_slice %arg3[%dma_start3A_937, %mul3A_923] : memref<2x320000xi32, #tpu.memory_space<hbm>> -> memref<1x64xi32, #tpu.memory_space<hbm>>
        %dma_start3A_944 = tpu.memref_squeeze %dma_start3A_943 : memref<1x64xi32, #tpu.memory_space<hbm>> -> memref<64xi32, #tpu.memory_space<hbm>>
        %dma_start3A_945 = arith.constant 0 : i32
        %dma_start3A_946 = tpu.memref_slice %arg6[%dma_start3A_938, %dma_start3A_939, %dma_start3A_945] : memref<10x2x64xi32, #tpu.memory_space<vmem>> -> memref<1x1x64xi32, #tpu.memory_space<vmem>>
        %dma_start3A_947 = tpu.memref_squeeze %dma_start3A_946 : memref<1x1x64xi32, #tpu.memory_space<vmem>> -> memref<64xi32, #tpu.memory_space<vmem>>
        %dma_start3A_948 = tpu.memref_slice %arg3[%dma_start3A_937, %mul3A_923] : memref<2x320000xi32, #tpu.memory_space<hbm>> -> memref<1x64xi32, #tpu.memory_space<hbm>>
        %dma_start3A_949 = tpu.memref_squeeze %dma_start3A_948 : memref<1x64xi32, #tpu.memory_space<hbm>> -> memref<64xi32, #tpu.memory_space<hbm>>
        tpu.enqueue_dma source(%dma_start3A_949 : memref<64xi32, #tpu.memory_space<hbm>>) target(%dma_start3A_947 : memref<64xi32, #tpu.memory_space<vmem>>) target_semaphore(%arg26 : memref<!tpu.dma_semaphore, #tpu.memory_space<semaphore_mem>>)
      } else {
      }
      %add3A_846 = arith.constant 9 : i32
      %add3A_847 = arith.addi %add3A_226, %add3A_846 : i32
      %ge3A_848 = arith.constant 5 : i32
      %ge3A_849 = arith.cmpi sge, %add3A_847, %ge3A_848 : i32
      %convert_element_type3A_850 = arith.extui %ge3A_849 : i1 to i32
      %cond3A_851 = arith.constant 0 : i32
      %cond3A_852 = arith.cmpi ne, %convert_element_type3A_850, %cond3A_851 : i32
      scf.if %cond3A_852 {
        %dma_wait3A_915 = arith.constant 4 : i32
        %dma_wait3A_916 = arith.constant 1 : i32
        %dma_wait3A_917 = arith.constant 0 : i32
        %dma_wait3A_918 = tpu.memref_slice %arg6[%dma_wait3A_915, %dma_wait3A_916, %dma_wait3A_917] : memref<10x2x64xi32, #tpu.memory_space<vmem>> -> memref<1x1x64xi32, #tpu.memory_space<vmem>>
        %dma_wait3A_919 = tpu.memref_squeeze %dma_wait3A_918 : memref<1x1x64xi32, #tpu.memory_space<vmem>> -> memref<64xi32, #tpu.memory_space<vmem>>
        %dma_wait3A_920 = arith.constant 0 : i32
        %dma_wait3A_921 = arith.constant 0 : i32
        %dma_wait3A_922 = tpu.memref_slice %arg12[%dma_wait3A_920, %dma_wait3A_921] : memref<10112x128xf32, #tpu.memory_space<vmem_shared>> -> memref<10112x128xf32, #tpu.memory_space<vmem_shared>>
        tpu.wait_indirect_dma semaphore(%arg42 : memref<!tpu.dma_semaphore, #tpu.memory_space<semaphore_mem>>) src(%arg11 : memref<64x128xf32, #tpu.memory_space<vmem>>) dst(%dma_wait3A_922 : memref<10112x128xf32, #tpu.memory_space<vmem_shared>>)
      } else {
      }
      %mul3A_853 = arith.constant 32 : i32
      %mul3A_854 = arith.muli %mul3A_853, %add3A_847 : i32
      %add3A_855 = arith.addi %add3A, %mul3A_854 : i32
      %min3A_856 = arith.constant 4999 : i32
      %min3A_857 = arith.minsi %add3A_855, %min3A_856 : i32
      %mul3A_858 = arith.constant 64 : i32
      %mul3A_859 = arith.muli %min3A_857, %mul3A_858 : i32
      %dma_wait3A_860 = arith.constant 0 : i32
      %dma_wait3A_861 = arith.constant 9 : i32
      %dma_wait3A_862 = arith.constant 0 : i32
      %dma_wait3A_863 = arith.constant 0 : i32
      %dma_wait3A_864 = tpu.memref_slice %arg6[%dma_wait3A_861, %dma_wait3A_862, %dma_wait3A_863] : memref<10x2x64xi32, #tpu.memory_space<vmem>> -> memref<1x1x64xi32, #tpu.memory_space<vmem>>
      %dma_wait3A_865 = tpu.memref_squeeze %dma_wait3A_864 : memref<1x1x64xi32, #tpu.memory_space<vmem>> -> memref<64xi32, #tpu.memory_space<vmem>>
      %dma_wait3A_866 = tpu.memref_slice %arg3[%dma_wait3A_860, %mul3A_859] : memref<2x320000xi32, #tpu.memory_space<hbm>> -> memref<1x64xi32, #tpu.memory_space<hbm>>
      %dma_wait3A_867 = tpu.memref_squeeze %dma_wait3A_866 : memref<1x64xi32, #tpu.memory_space<hbm>> -> memref<64xi32, #tpu.memory_space<hbm>>
      %dma_wait3A_868 = arith.constant 0 : i32
      %dma_wait3A_869 = tpu.memref_slice %arg6[%dma_wait3A_861, %dma_wait3A_862, %dma_wait3A_868] : memref<10x2x64xi32, #tpu.memory_space<vmem>> -> memref<1x1x64xi32, #tpu.memory_space<vmem>>
      %dma_wait3A_870 = tpu.memref_squeeze %dma_wait3A_869 : memref<1x1x64xi32, #tpu.memory_space<vmem>> -> memref<64xi32, #tpu.memory_space<vmem>>
      %dma_wait3A_871 = tpu.memref_slice %arg3[%dma_wait3A_860, %mul3A_859] : memref<2x320000xi32, #tpu.memory_space<hbm>> -> memref<1x64xi32, #tpu.memory_space<hbm>>
      %dma_wait3A_872 = tpu.memref_squeeze %dma_wait3A_871 : memref<1x64xi32, #tpu.memory_space<hbm>> -> memref<64xi32, #tpu.memory_space<hbm>>
      tpu.wait_dma2 semaphore(%arg22 : memref<!tpu.dma_semaphore, #tpu.memory_space<semaphore_mem>>) src(%dma_wait3A_872 : memref<64xi32, #tpu.memory_space<hbm>>) dst(%dma_wait3A_870 : memref<64xi32, #tpu.memory_space<vmem>>)
      %dma_wait3A_873 = arith.constant 1 : i32
      %dma_wait3A_874 = arith.constant 9 : i32
      %dma_wait3A_875 = arith.constant 1 : i32
      %dma_wait3A_876 = arith.constant 0 : i32
      %dma_wait3A_877 = tpu.memref_slice %arg6[%dma_wait3A_874, %dma_wait3A_875, %dma_wait3A_876] : memref<10x2x64xi32, #tpu.memory_space<vmem>> -> memref<1x1x64xi32, #tpu.memory_space<vmem>>
      %dma_wait3A_878 = tpu.memref_squeeze %dma_wait3A_877 : memref<1x1x64xi32, #tpu.memory_space<vmem>> -> memref<64xi32, #tpu.memory_space<vmem>>
      %dma_wait3A_879 = tpu.memref_slice %arg3[%dma_wait3A_873, %mul3A_859] : memref<2x320000xi32, #tpu.memory_space<hbm>> -> memref<1x64xi32, #tpu.memory_space<hbm>>
      %dma_wait3A_880 = tpu.memref_squeeze %dma_wait3A_879 : memref<1x64xi32, #tpu.memory_space<hbm>> -> memref<64xi32, #tpu.memory_space<hbm>>
      %dma_wait3A_881 = arith.constant 0 : i32
      %dma_wait3A_882 = tpu.memref_slice %arg6[%dma_wait3A_874, %dma_wait3A_875, %dma_wait3A_881] : memref<10x2x64xi32, #tpu.memory_space<vmem>> -> memref<1x1x64xi32, #tpu.memory_space<vmem>>
      %dma_wait3A_883 = tpu.memref_squeeze %dma_wait3A_882 : memref<1x1x64xi32, #tpu.memory_space<vmem>> -> memref<64xi32, #tpu.memory_space<vmem>>
      %dma_wait3A_884 = tpu.memref_slice %arg3[%dma_wait3A_873, %mul3A_859] : memref<2x320000xi32, #tpu.memory_space<hbm>> -> memref<1x64xi32, #tpu.memory_space<hbm>>
      %dma_wait3A_885 = tpu.memref_squeeze %dma_wait3A_884 : memref<1x64xi32, #tpu.memory_space<hbm>> -> memref<64xi32, #tpu.memory_space<hbm>>
      tpu.wait_dma2 semaphore(%arg32 : memref<!tpu.dma_semaphore, #tpu.memory_space<semaphore_mem>>) src(%dma_wait3A_885 : memref<64xi32, #tpu.memory_space<hbm>>) dst(%dma_wait3A_883 : memref<64xi32, #tpu.memory_space<vmem>>)
      %mul3A_886 = arith.constant 32 : i32
      %mul3A_887 = arith.muli %mul3A_886, %add3A_847 : i32
      %add3A_888 = arith.addi %add3A, %mul3A_887 : i32
      %ge3A_889 = arith.constant 5000 : i32
      %ge3A_890 = arith.cmpi sge, %add3A_888, %ge3A_889 : i32
      %convert_element_type3A_891 = arith.extui %ge3A_890 : i1 to i32
      %cond3A_892 = arith.constant 0 : i32
      %cond3A_893 = arith.cmpi ne, %convert_element_type3A_891, %cond3A_892 : i32
      scf.if %cond3A_893 {
        %broadcast_in_dim3A = arith.constant -1 : i32
        %broadcast_in_dim3A_915 = vector.broadcast %broadcast_in_dim3A : i32 to vector<16xi32>
        %swap3A = arith.constant 9 : i32
        %swap3A_916 = arith.constant 0 : i32
        %swap3A_917 = arith.index_cast %swap3A : i32 to index
        %swap3A_918 = arith.index_cast %swap3A_916 : i32 to index
        %swap3A_919 = arith.constant 0 : index
        %swap3A_920 = tpu.vector_load %arg6[%swap3A_917, %swap3A_918, %swap3A_919] {strides = array<i32>} : memref<10x2x64xi32, #tpu.memory_space<vmem>>, vector<1x1x16xi32>,
        %swap3A_921 = vector.shape_cast %swap3A_920 : vector<1x1x16xi32> to vector<16xi32>
        %swap3A_922 = vector.shape_cast %broadcast_in_dim3A_915 : vector<16xi32> to vector<1x1x16xi32>
        tpu.vector_store %arg6[%swap3A_917, %swap3A_918, %swap3A_919], %swap3A_922 {strides = array<i32>} : memref<10x2x64xi32, #tpu.memory_space<vmem>>, vector<1x1x16xi32>,
        %swap3A_923 = arith.constant 9 : i32
        %swap3A_924 = arith.constant 0 : i32
        %swap3A_925 = arith.index_cast %swap3A_923 : i32 to index
        %swap3A_926 = arith.index_cast %swap3A_924 : i32 to index
        %swap3A_927 = arith.constant 16 : index
        %swap3A_928 = tpu.vector_load %arg6[%swap3A_925, %swap3A_926, %swap3A_927] {strides = array<i32>} : memref<10x2x64xi32, #tpu.memory_space<vmem>>, vector<1x1x16xi32>,
        %swap3A_929 = vector.shape_cast %swap3A_928 : vector<1x1x16xi32> to vector<16xi32>
        %swap3A_930 = vector.shape_cast %broadcast_in_dim3A_915 : vector<16xi32> to vector<1x1x16xi32>
        tpu.vector_store %arg6[%swap3A_925, %swap3A_926, %swap3A_927], %swap3A_930 {strides = array<i32>} : memref<10x2x64xi32, #tpu.memory_space<vmem>>, vector<1x1x16xi32>,
        %swap3A_931 = arith.constant 9 : i32
        %swap3A_932 = arith.constant 0 : i32
        %swap3A_933 = arith.index_cast %swap3A_931 : i32 to index
        %swap3A_934 = arith.index_cast %swap3A_932 : i32 to index
        %swap3A_935 = arith.constant 32 : index
        %swap3A_936 = tpu.vector_load %arg6[%swap3A_933, %swap3A_934, %swap3A_935] {strides = array<i32>} : memref<10x2x64xi32, #tpu.memory_space<vmem>>, vector<1x1x16xi32>,
        %swap3A_937 = vector.shape_cast %swap3A_936 : vector<1x1x16xi32> to vector<16xi32>
        %swap3A_938 = vector.shape_cast %broadcast_in_dim3A_915 : vector<16xi32> to vector<1x1x16xi32>
        tpu.vector_store %arg6[%swap3A_933, %swap3A_934, %swap3A_935], %swap3A_938 {strides = array<i32>} : memref<10x2x64xi32, #tpu.memory_space<vmem>>, vector<1x1x16xi32>,
        %swap3A_939 = arith.constant 9 : i32
        %swap3A_940 = arith.constant 0 : i32
        %swap3A_941 = arith.index_cast %swap3A_939 : i32 to index
        %swap3A_942 = arith.index_cast %swap3A_940 : i32 to index
        %swap3A_943 = arith.constant 48 : index
        %swap3A_944 = tpu.vector_load %arg6[%swap3A_941, %swap3A_942, %swap3A_943] {strides = array<i32>} : memref<10x2x64xi32, #tpu.memory_space<vmem>>, vector<1x1x16xi32>,
        %swap3A_945 = vector.shape_cast %swap3A_944 : vector<1x1x16xi32> to vector<16xi32>
        %swap3A_946 = vector.shape_cast %broadcast_in_dim3A_915 : vector<16xi32> to vector<1x1x16xi32>
        tpu.vector_store %arg6[%swap3A_941, %swap3A_942, %swap3A_943], %swap3A_946 {strides = array<i32>} : memref<10x2x64xi32, #tpu.memory_space<vmem>>, vector<1x1x16xi32>,
        %swap3A_947 = arith.constant 9 : i32
        %swap3A_948 = arith.constant 1 : i32
        %swap3A_949 = arith.index_cast %swap3A_947 : i32 to index
        %swap3A_950 = arith.index_cast %swap3A_948 : i32 to index
        %swap3A_951 = arith.constant 0 : index
        %swap3A_952 = tpu.vector_load %arg6[%swap3A_949, %swap3A_950, %swap3A_951] {strides = array<i32>} : memref<10x2x64xi32, #tpu.memory_space<vmem>>, vector<1x1x16xi32>,
        %swap3A_953 = vector.shape_cast %swap3A_952 : vector<1x1x16xi32> to vector<16xi32>
        %swap3A_954 = vector.shape_cast %broadcast_in_dim3A_915 : vector<16xi32> to vector<1x1x16xi32>
        tpu.vector_store %arg6[%swap3A_949, %swap3A_950, %swap3A_951], %swap3A_954 {strides = array<i32>} : memref<10x2x64xi32, #tpu.memory_space<vmem>>, vector<1x1x16xi32>,
        %swap3A_955 = arith.constant 9 : i32
        %swap3A_956 = arith.constant 1 : i32
        %swap3A_957 = arith.index_cast %swap3A_955 : i32 to index
        %swap3A_958 = arith.index_cast %swap3A_956 : i32 to index
        %swap3A_959 = arith.constant 16 : index
        %swap3A_960 = tpu.vector_load %arg6[%swap3A_957, %swap3A_958, %swap3A_959] {strides = array<i32>} : memref<10x2x64xi32, #tpu.memory_space<vmem>>, vector<1x1x16xi32>,
        %swap3A_961 = vector.shape_cast %swap3A_960 : vector<1x1x16xi32> to vector<16xi32>
        %swap3A_962 = vector.shape_cast %broadcast_in_dim3A_915 : vector<16xi32> to vector<1x1x16xi32>
        tpu.vector_store %arg6[%swap3A_957, %swap3A_958, %swap3A_959], %swap3A_962 {strides = array<i32>} : memref<10x2x64xi32, #tpu.memory_space<vmem>>, vector<1x1x16xi32>,
        %swap3A_963 = arith.constant 9 : i32
        %swap3A_964 = arith.constant 1 : i32
        %swap3A_965 = arith.index_cast %swap3A_963 : i32 to index
        %swap3A_966 = arith.index_cast %swap3A_964 : i32 to index
        %swap3A_967 = arith.constant 32 : index
        %swap3A_968 = tpu.vector_load %arg6[%swap3A_965, %swap3A_966, %swap3A_967] {strides = array<i32>} : memref<10x2x64xi32, #tpu.memory_space<vmem>>, vector<1x1x16xi32>,
        %swap3A_969 = vector.shape_cast %swap3A_968 : vector<1x1x16xi32> to vector<16xi32>
        %swap3A_970 = vector.shape_cast %broadcast_in_dim3A_915 : vector<16xi32> to vector<1x1x16xi32>
        tpu.vector_store %arg6[%swap3A_965, %swap3A_966, %swap3A_967], %swap3A_970 {strides = array<i32>} : memref<10x2x64xi32, #tpu.memory_space<vmem>>, vector<1x1x16xi32>,
        %swap3A_971 = arith.constant 9 : i32
        %swap3A_972 = arith.constant 1 : i32
        %swap3A_973 = arith.index_cast %swap3A_971 : i32 to index
        %swap3A_974 = arith.index_cast %swap3A_972 : i32 to index
        %swap3A_975 = arith.constant 48 : index
        %swap3A_976 = tpu.vector_load %arg6[%swap3A_973, %swap3A_974, %swap3A_975] {strides = array<i32>} : memref<10x2x64xi32, #tpu.memory_space<vmem>>, vector<1x1x16xi32>,
        %swap3A_977 = vector.shape_cast %swap3A_976 : vector<1x1x16xi32> to vector<16xi32>
        %swap3A_978 = vector.shape_cast %broadcast_in_dim3A_915 : vector<16xi32> to vector<1x1x16xi32>
        tpu.vector_store %arg6[%swap3A_973, %swap3A_974, %swap3A_975], %swap3A_978 {strides = array<i32>} : memref<10x2x64xi32, #tpu.memory_space<vmem>>, vector<1x1x16xi32>,
      } else {
      }
      %dma_start3A_894 = arith.constant 9 : i32
      %dma_start3A_895 = arith.constant 0 : i32
      %dma_start3A_896 = arith.constant 0 : i32
      %dma_start3A_897 = tpu.memref_slice %arg6[%dma_start3A_894, %dma_start3A_895, %dma_start3A_896] : memref<10x2x64xi32, #tpu.memory_space<vmem>> -> memref<1x1x64xi32, #tpu.memory_space<vmem>>
      %dma_start3A_898 = tpu.memref_squeeze %dma_start3A_897 : memref<1x1x64xi32, #tpu.memory_space<vmem>> -> memref<64xi32, #tpu.memory_space<vmem>>
      %dma_start3A_899 = arith.constant 0 : i32
      %dma_start3A_900 = arith.constant 0 : i32
      %dma_start3A_901 = tpu.memref_slice %arg2[%dma_start3A_899, %dma_start3A_900] : memref<10000x128xf32, #tpu.memory_space<hbm>> -> memref<10000x128xf32, #tpu.memory_space<hbm>>
      %dma_start3A_902 = arith.constant -1 : i32
      tpu.enqueue_indirect_dma source(%dma_start3A_901 : memref<10000x128xf32, #tpu.memory_space<hbm>>) target(%arg11 : memref<64x128xf32, #tpu.memory_space<vmem>>) offsets(%dma_start3A_898 : memref<64xi32, #tpu.memory_space<vmem>>) offset_filter(%dma_start3A_902) semaphore(%arg37 : memref<!tpu.dma_semaphore, #tpu.memory_space<semaphore_mem>>)
      %ge3A_903 = arith.constant 4 : i32
      %ge3A_904 = arith.cmpi sge, %add3A_847, %ge3A_903 : i32
      %convert_element_type3A_905 = arith.extui %ge3A_904 : i1 to i32
      %cond3A_906 = arith.constant 0 : i32
      %cond3A_907 = arith.cmpi ne, %convert_element_type3A_905, %cond3A_906 : i32
      scf.if %cond3A_907 {
        %dma_wait3A_915 = arith.constant 5 : i32
        %dma_wait3A_916 = arith.constant 0 : i32
        %dma_wait3A_917 = arith.constant 0 : i32
        %dma_wait3A_918 = tpu.memref_slice %arg6[%dma_wait3A_915, %dma_wait3A_916, %dma_wait3A_917] : memref<10x2x64xi32, #tpu.memory_space<vmem>> -> memref<1x1x64xi32, #tpu.memory_space<vmem>>
        %dma_wait3A_919 = tpu.memref_squeeze %dma_wait3A_918 : memref<1x1x64xi32, #tpu.memory_space<vmem>> -> memref<64xi32, #tpu.memory_space<vmem>>
        %dma_wait3A_920 = arith.constant 0 : i32
        %dma_wait3A_921 = arith.constant 0 : i32
        %dma_wait3A_922 = tpu.memref_slice %arg2[%dma_wait3A_920, %dma_wait3A_921] : memref<10000x128xf32, #tpu.memory_space<hbm>> -> memref<10000x128xf32, #tpu.memory_space<hbm>>
        tpu.wait_indirect_dma semaphore(%arg33 : memref<!tpu.dma_semaphore, #tpu.memory_space<semaphore_mem>>) src(%dma_wait3A_922 : memref<10000x128xf32, #tpu.memory_space<hbm>>) dst(%arg7 : memref<64x128xf32, #tpu.memory_space<vmem>>)
        %dma_start3A_923 = arith.constant 5 : i32
        %dma_start3A_924 = arith.constant 1 : i32
        %dma_start3A_925 = arith.constant 0 : i32
        %dma_start3A_926 = tpu.memref_slice %arg6[%dma_start3A_923, %dma_start3A_924, %dma_start3A_925] : memref<10x2x64xi32, #tpu.memory_space<vmem>> -> memref<1x1x64xi32, #tpu.memory_space<vmem>>
        %dma_start3A_927 = tpu.memref_squeeze %dma_start3A_926 : memref<1x1x64xi32, #tpu.memory_space<vmem>> -> memref<64xi32, #tpu.memory_space<vmem>>
        %dma_start3A_928 = arith.constant 0 : i32
        %dma_start3A_929 = arith.constant 0 : i32
        %dma_start3A_930 = tpu.memref_slice %arg12[%dma_start3A_928, %dma_start3A_929] : memref<10112x128xf32, #tpu.memory_space<vmem_shared>> -> memref<10112x128xf32, #tpu.memory_space<vmem_shared>>
        %dma_start3A_931 = arith.constant -1 : i32
        tpu.enqueue_indirect_dma source(%arg7 : memref<64x128xf32, #tpu.memory_space<vmem>>) target(%dma_start3A_930 : memref<10112x128xf32, #tpu.memory_space<vmem_shared>>) offsets(%dma_start3A_927 : memref<64xi32, #tpu.memory_space<vmem>>) offset_filter(%dma_start3A_931) semaphore(%arg38 : memref<!tpu.dma_semaphore, #tpu.memory_space<semaphore_mem>>) {add = true}
      } else {
      }
      %add3A_908 = arith.constant 5 : i32
      %add3A_909 = arith.addi %add3A_847, %add3A_908 : i32
      %lt3A_910 = arith.constant 160 : i32
      %lt3A_911 = arith.cmpi slt, %add3A_909, %lt3A_910 : i32
      %convert_element_type3A_912 = arith.extui %lt3A_911 : i1 to i32
      %cond3A_913 = arith.constant 0 : i32
      %cond3A_914 = arith.cmpi ne, %convert_element_type3A_912, %cond3A_913 : i32
      scf.if %cond3A_914 {
        %add3A_915 = arith.constant 5 : i32
        %add3A_916 = arith.addi %add3A_847, %add3A_915 : i32
        %mul3A_917 = arith.constant 32 : i32
        %mul3A_918 = arith.muli %mul3A_917, %add3A_916 : i32
        %add3A_919 = arith.addi %add3A, %mul3A_918 : i32
        %min3A_920 = arith.constant 4999 : i32
        %min3A_921 = arith.minsi %add3A_919, %min3A_920 : i32
        %mul3A_922 = arith.constant 64 : i32
        %mul3A_923 = arith.muli %min3A_921, %mul3A_922 : i32
        %dma_start3A_924 = arith.constant 0 : i32
        %dma_start3A_925 = arith.constant 4 : i32
        %dma_start3A_926 = arith.constant 0 : i32
        %dma_start3A_927 = arith.constant 0 : i32
        %dma_start3A_928 = tpu.memref_slice %arg6[%dma_start3A_925, %dma_start3A_926, %dma_start3A_927] : memref<10x2x64xi32, #tpu.memory_space<vmem>> -> memref<1x1x64xi32, #tpu.memory_space<vmem>>
        %dma_start3A_929 = tpu.memref_squeeze %dma_start3A_928 : memref<1x1x64xi32, #tpu.memory_space<vmem>> -> memref<64xi32, #tpu.memory_space<vmem>>
        %dma_start3A_930 = tpu.memref_slice %arg3[%dma_start3A_924, %mul3A_923] : memref<2x320000xi32, #tpu.memory_space<hbm>> -> memref<1x64xi32, #tpu.memory_space<hbm>>
        %dma_start3A_931 = tpu.memref_squeeze %dma_start3A_930 : memref<1x64xi32, #tpu.memory_space<hbm>> -> memref<64xi32, #tpu.memory_space<hbm>>
        %dma_start3A_932 = arith.constant 0 : i32
        %dma_start3A_933 = tpu.memref_slice %arg6[%dma_start3A_925, %dma_start3A_926, %dma_start3A_932] : memref<10x2x64xi32, #tpu.memory_space<vmem>> -> memref<1x1x64xi32, #tpu.memory_space<vmem>>
        %dma_start3A_934 = tpu.memref_squeeze %dma_start3A_933 : memref<1x1x64xi32, #tpu.memory_space<vmem>> -> memref<64xi32, #tpu.memory_space<vmem>>
        %dma_start3A_935 = tpu.memref_slice %arg3[%dma_start3A_924, %mul3A_923] : memref<2x320000xi32, #tpu.memory_space<hbm>> -> memref<1x64xi32, #tpu.memory_space<hbm>>
        %dma_start3A_936 = tpu.memref_squeeze %dma_start3A_935 : memref<1x64xi32, #tpu.memory_space<hbm>> -> memref<64xi32, #tpu.memory_space<hbm>>
        tpu.enqueue_dma source(%dma_start3A_936 : memref<64xi32, #tpu.memory_space<hbm>>) target(%dma_start3A_934 : memref<64xi32, #tpu.memory_space<vmem>>) target_semaphore(%arg17 : memref<!tpu.dma_semaphore, #tpu.memory_space<semaphore_mem>>)
        %dma_start3A_937 = arith.constant 1 : i32
        %dma_start3A_938 = arith.constant 4 : i32
        %dma_start3A_939 = arith.constant 1 : i32
        %dma_start3A_940 = arith.constant 0 : i32
        %dma_start3A_941 = tpu.memref_slice %arg6[%dma_start3A_938, %dma_start3A_939, %dma_start3A_940] : memref<10x2x64xi32, #tpu.memory_space<vmem>> -> memref<1x1x64xi32, #tpu.memory_space<vmem>>
        %dma_start3A_942 = tpu.memref_squeeze %dma_start3A_941 : memref<1x1x64xi32, #tpu.memory_space<vmem>> -> memref<64xi32, #tpu.memory_space<vmem>>
        %dma_start3A_943 = tpu.memref_slice %arg3[%dma_start3A_937, %mul3A_923] : memref<2x320000xi32, #tpu.memory_space<hbm>> -> memref<1x64xi32, #tpu.memory_space<hbm>>
        %dma_start3A_944 = tpu.memref_squeeze %dma_start3A_943 : memref<1x64xi32, #tpu.memory_space<hbm>> -> memref<64xi32, #tpu.memory_space<hbm>>
        %dma_start3A_945 = arith.constant 0 : i32
        %dma_start3A_946 = tpu.memref_slice %arg6[%dma_start3A_938, %dma_start3A_939, %dma_start3A_945] : memref<10x2x64xi32, #tpu.memory_space<vmem>> -> memref<1x1x64xi32, #tpu.memory_space<vmem>>
        %dma_start3A_947 = tpu.memref_squeeze %dma_start3A_946 : memref<1x1x64xi32, #tpu.memory_space<vmem>> -> memref<64xi32, #tpu.memory_space<vmem>>
        %dma_start3A_948 = tpu.memref_slice %arg3[%dma_start3A_937, %mul3A_923] : memref<2x320000xi32, #tpu.memory_space<hbm>> -> memref<1x64xi32, #tpu.memory_space<hbm>>
        %dma_start3A_949 = tpu.memref_squeeze %dma_start3A_948 : memref<1x64xi32, #tpu.memory_space<hbm>> -> memref<64xi32, #tpu.memory_space<hbm>>
        tpu.enqueue_dma source(%dma_start3A_949 : memref<64xi32, #tpu.memory_space<hbm>>) target(%dma_start3A_947 : memref<64xi32, #tpu.memory_space<vmem>>) target_semaphore(%arg27 : memref<!tpu.dma_semaphore, #tpu.memory_space<semaphore_mem>>)
      } else {
      }
    }
    %scan3A_164 = arith.constant 16 : i32
    %dma_wait3A = arith.constant 6 : i32
    %dma_wait3A_165 = arith.constant 0 : i32
    %dma_wait3A_166 = arith.constant 0 : i32
    %dma_wait3A_167 = tpu.memref_slice %arg6[%dma_wait3A, %dma_wait3A_165, %dma_wait3A_166] : memref<10x2x64xi32, #tpu.memory_space<vmem>> -> memref<1x1x64xi32, #tpu.memory_space<vmem>>
    %dma_wait3A_168 = tpu.memref_squeeze %dma_wait3A_167 : memref<1x1x64xi32, #tpu.memory_space<vmem>> -> memref<64xi32, #tpu.memory_space<vmem>>
    %dma_wait3A_169 = arith.constant 0 : i32
    %dma_wait3A_170 = arith.constant 0 : i32
    %dma_wait3A_171 = tpu.memref_slice %arg2[%dma_wait3A_169, %dma_wait3A_170] : memref<10000x128xf32, #tpu.memory_space<hbm>> -> memref<10000x128xf32, #tpu.memory_space<hbm>>
    tpu.wait_indirect_dma semaphore(%arg34 : memref<!tpu.dma_semaphore, #tpu.memory_space<semaphore_mem>>) src(%dma_wait3A_171 : memref<10000x128xf32, #tpu.memory_space<hbm>>) dst(%arg8 : memref<64x128xf32, #tpu.memory_space<vmem>>)
    %run_scoped3A = arith.constant 6 : i32
    %run_scoped3A_172 = arith.constant 1 : i32
    "tpu.region"() ({
      %run_scoped3A_222 = tpu.sem_alloc : memref<!tpu.dma_semaphore, #tpu.memory_space<semaphore_mem>>
      %dma_start3A_223 = arith.constant 0 : i32
      %dma_start3A_224 = tpu.memref_slice %arg6[%run_scoped3A, %run_scoped3A_172, %dma_start3A_223] : memref<10x2x64xi32, #tpu.memory_space<vmem>> -> memref<1x1x64xi32, #tpu.memory_space<vmem>>
      %dma_start3A_225 = tpu.memref_squeeze %dma_start3A_224 : memref<1x1x64xi32, #tpu.memory_space<vmem>> -> memref<64xi32, #tpu.memory_space<vmem>>
      %dma_start3A_226 = arith.constant 0 : i32
      %dma_start3A_227 = arith.constant 0 : i32
      %dma_start3A_228 = tpu.memref_slice %arg12[%dma_start3A_226, %dma_start3A_227] : memref<10112x128xf32, #tpu.memory_space<vmem_shared>> -> memref<10112x128xf32, #tpu.memory_space<vmem_shared>>
      %dma_start3A_229 = arith.constant -1 : i32
      tpu.enqueue_indirect_dma source(%arg8 : memref<64x128xf32, #tpu.memory_space<vmem>>) target(%dma_start3A_228 : memref<10112x128xf32, #tpu.memory_space<vmem_shared>>) offsets(%dma_start3A_225 : memref<64xi32, #tpu.memory_space<vmem>>) offset_filter(%dma_start3A_229) semaphore(%run_scoped3A_222 : memref<!tpu.dma_semaphore, #tpu.memory_space<semaphore_mem>>) {add = true}
      %dma_wait3A_230 = arith.constant 0 : i32
      %dma_wait3A_231 = tpu.memref_slice %arg6[%run_scoped3A, %run_scoped3A_172, %dma_wait3A_230] : memref<10x2x64xi32, #tpu.memory_space<vmem>> -> memref<1x1x64xi32, #tpu.memory_space<vmem>>
      %dma_wait3A_232 = tpu.memref_squeeze %dma_wait3A_231 : memref<1x1x64xi32, #tpu.memory_space<vmem>> -> memref<64xi32, #tpu.memory_space<vmem>>
      %dma_wait3A_233 = arith.constant 0 : i32
      %dma_wait3A_234 = arith.constant 0 : i32
      %dma_wait3A_235 = tpu.memref_slice %arg12[%dma_wait3A_233, %dma_wait3A_234] : memref<10112x128xf32, #tpu.memory_space<vmem_shared>> -> memref<10112x128xf32, #tpu.memory_space<vmem_shared>>
      tpu.wait_indirect_dma semaphore(%run_scoped3A_222 : memref<!tpu.dma_semaphore, #tpu.memory_space<semaphore_mem>>) src(%arg8 : memref<64x128xf32, #tpu.memory_space<vmem>>) dst(%dma_wait3A_235 : memref<10112x128xf32, #tpu.memory_space<vmem_shared>>)
      tpu.yield
    }) : () -> ()
    %dma_wait3A_173 = arith.constant 7 : i32
    %dma_wait3A_174 = arith.constant 0 : i32
    %dma_wait3A_175 = arith.constant 0 : i32
    %dma_wait3A_176 = tpu.memref_slice %arg6[%dma_wait3A_173, %dma_wait3A_174, %dma_wait3A_175] : memref<10x2x64xi32, #tpu.memory_space<vmem>> -> memref<1x1x64xi32, #tpu.memory_space<vmem>>
    %dma_wait3A_177 = tpu.memref_squeeze %dma_wait3A_176 : memref<1x1x64xi32, #tpu.memory_space<vmem>> -> memref<64xi32, #tpu.memory_space<vmem>>
    %dma_wait3A_178 = arith.constant 0 : i32
    %dma_wait3A_179 = arith.constant 0 : i32
    %dma_wait3A_180 = tpu.memref_slice %arg2[%dma_wait3A_178, %dma_wait3A_179] : memref<10000x128xf32, #tpu.memory_space<hbm>> -> memref<10000x128xf32, #tpu.memory_space<hbm>>
    tpu.wait_indirect_dma semaphore(%arg35 : memref<!tpu.dma_semaphore, #tpu.memory_space<semaphore_mem>>) src(%dma_wait3A_180 : memref<10000x128xf32, #tpu.memory_space<hbm>>) dst(%arg9 : memref<64x128xf32, #tpu.memory_space<vmem>>)
    %run_scoped3A_181 = arith.constant 7 : i32
    %run_scoped3A_182 = arith.constant 1 : i32
    "tpu.region"() ({
      %run_scoped3A_222 = tpu.sem_alloc : memref<!tpu.dma_semaphore, #tpu.memory_space<semaphore_mem>>
      %dma_start3A_223 = arith.constant 0 : i32
      %dma_start3A_224 = tpu.memref_slice %arg6[%run_scoped3A_181, %run_scoped3A_182, %dma_start3A_223] : memref<10x2x64xi32, #tpu.memory_space<vmem>> -> memref<1x1x64xi32, #tpu.memory_space<vmem>>
      %dma_start3A_225 = tpu.memref_squeeze %dma_start3A_224 : memref<1x1x64xi32, #tpu.memory_space<vmem>> -> memref<64xi32, #tpu.memory_space<vmem>>
      %dma_start3A_226 = arith.constant 0 : i32
      %dma_start3A_227 = arith.constant 0 : i32
      %dma_start3A_228 = tpu.memref_slice %arg12[%dma_start3A_226, %dma_start3A_227] : memref<10112x128xf32, #tpu.memory_space<vmem_shared>> -> memref<10112x128xf32, #tpu.memory_space<vmem_shared>>
      %dma_start3A_229 = arith.constant -1 : i32
      tpu.enqueue_indirect_dma source(%arg9 : memref<64x128xf32, #tpu.memory_space<vmem>>) target(%dma_start3A_228 : memref<10112x128xf32, #tpu.memory_space<vmem_shared>>) offsets(%dma_start3A_225 : memref<64xi32, #tpu.memory_space<vmem>>) offset_filter(%dma_start3A_229) semaphore(%run_scoped3A_222 : memref<!tpu.dma_semaphore, #tpu.memory_space<semaphore_mem>>) {add = true}
      %dma_wait3A_230 = arith.constant 0 : i32
      %dma_wait3A_231 = tpu.memref_slice %arg6[%run_scoped3A_181, %run_scoped3A_182, %dma_wait3A_230] : memref<10x2x64xi32, #tpu.memory_space<vmem>> -> memref<1x1x64xi32, #tpu.memory_space<vmem>>
      %dma_wait3A_232 = tpu.memref_squeeze %dma_wait3A_231 : memref<1x1x64xi32, #tpu.memory_space<vmem>> -> memref<64xi32, #tpu.memory_space<vmem>>
      %dma_wait3A_233 = arith.constant 0 : i32
      %dma_wait3A_234 = arith.constant 0 : i32
      %dma_wait3A_235 = tpu.memref_slice %arg12[%dma_wait3A_233, %dma_wait3A_234] : memref<10112x128xf32, #tpu.memory_space<vmem_shared>> -> memref<10112x128xf32, #tpu.memory_space<vmem_shared>>
      tpu.wait_indirect_dma semaphore(%run_scoped3A_222 : memref<!tpu.dma_semaphore, #tpu.memory_space<semaphore_mem>>) src(%arg9 : memref<64x128xf32, #tpu.memory_space<vmem>>) dst(%dma_wait3A_235 : memref<10112x128xf32, #tpu.memory_space<vmem_shared>>)
      tpu.yield
    }) : () -> ()
    %dma_wait3A_183 = arith.constant 8 : i32
    %dma_wait3A_184 = arith.constant 0 : i32
    %dma_wait3A_185 = arith.constant 0 : i32
    %dma_wait3A_186 = tpu.memref_slice %arg6[%dma_wait3A_183, %dma_wait3A_184, %dma_wait3A_185] : memref<10x2x64xi32, #tpu.memory_space<vmem>> -> memref<1x1x64xi32, #tpu.memory_space<vmem>>
    %dma_wait3A_187 = tpu.memref_squeeze %dma_wait3A_186 : memref<1x1x64xi32, #tpu.memory_space<vmem>> -> memref<64xi32, #tpu.memory_space<vmem>>
    %dma_wait3A_188 = arith.constant 0 : i32
    %dma_wait3A_189 = arith.constant 0 : i32
    %dma_wait3A_190 = tpu.memref_slice %arg2[%dma_wait3A_188, %dma_wait3A_189] : memref<10000x128xf32, #tpu.memory_space<hbm>> -> memref<10000x128xf32, #tpu.memory_space<hbm>>
    tpu.wait_indirect_dma semaphore(%arg36 : memref<!tpu.dma_semaphore, #tpu.memory_space<semaphore_mem>>) src(%dma_wait3A_190 : memref<10000x128xf32, #tpu.memory_space<hbm>>) dst(%arg10 : memref<64x128xf32, #tpu.memory_space<vmem>>)
    %run_scoped3A_191 = arith.constant 8 : i32
    %run_scoped3A_192 = arith.constant 1 : i32
    "tpu.region"() ({
      %run_scoped3A_222 = tpu.sem_alloc : memref<!tpu.dma_semaphore, #tpu.memory_space<semaphore_mem>>
      %dma_start3A_223 = arith.constant 0 : i32
      %dma_start3A_224 = tpu.memref_slice %arg6[%run_scoped3A_191, %run_scoped3A_192, %dma_start3A_223] : memref<10x2x64xi32, #tpu.memory_space<vmem>> -> memref<1x1x64xi32, #tpu.memory_space<vmem>>
      %dma_start3A_225 = tpu.memref_squeeze %dma_start3A_224 : memref<1x1x64xi32, #tpu.memory_space<vmem>> -> memref<64xi32, #tpu.memory_space<vmem>>
      %dma_start3A_226 = arith.constant 0 : i32
      %dma_start3A_227 = arith.constant 0 : i32
      %dma_start3A_228 = tpu.memref_slice %arg12[%dma_start3A_226, %dma_start3A_227] : memref<10112x128xf32, #tpu.memory_space<vmem_shared>> -> memref<10112x128xf32, #tpu.memory_space<vmem_shared>>
      %dma_start3A_229 = arith.constant -1 : i32
      tpu.enqueue_indirect_dma source(%arg10 : memref<64x128xf32, #tpu.memory_space<vmem>>) target(%dma_start3A_228 : memref<10112x128xf32, #tpu.memory_space<vmem_shared>>) offsets(%dma_start3A_225 : memref<64xi32, #tpu.memory_space<vmem>>) offset_filter(%dma_start3A_229) semaphore(%run_scoped3A_222 : memref<!tpu.dma_semaphore, #tpu.memory_space<semaphore_mem>>) {add = true}
      %dma_wait3A_230 = arith.constant 0 : i32
      %dma_wait3A_231 = tpu.memref_slice %arg6[%run_scoped3A_191, %run_scoped3A_192, %dma_wait3A_230] : memref<10x2x64xi32, #tpu.memory_space<vmem>> -> memref<1x1x64xi32, #tpu.memory_space<vmem>>
      %dma_wait3A_232 = tpu.memref_squeeze %dma_wait3A_231 : memref<1x1x64xi32, #tpu.memory_space<vmem>> -> memref<64xi32, #tpu.memory_space<vmem>>
      %dma_wait3A_233 = arith.constant 0 : i32
      %dma_wait3A_234 = arith.constant 0 : i32
      %dma_wait3A_235 = tpu.memref_slice %arg12[%dma_wait3A_233, %dma_wait3A_234] : memref<10112x128xf32, #tpu.memory_space<vmem_shared>> -> memref<10112x128xf32, #tpu.memory_space<vmem_shared>>
      tpu.wait_indirect_dma semaphore(%run_scoped3A_222 : memref<!tpu.dma_semaphore, #tpu.memory_space<semaphore_mem>>) src(%arg10 : memref<64x128xf32, #tpu.memory_space<vmem>>) dst(%dma_wait3A_235 : memref<10112x128xf32, #tpu.memory_space<vmem_shared>>)
      tpu.yield
    }) : () -> ()
    %dma_wait3A_193 = arith.constant 9 : i32
    %dma_wait3A_194 = arith.constant 0 : i32
    %dma_wait3A_195 = arith.constant 0 : i32
    %dma_wait3A_196 = tpu.memref_slice %arg6[%dma_wait3A_193, %dma_wait3A_194, %dma_wait3A_195] : memref<10x2x64xi32, #tpu.memory_space<vmem>> -> memref<1x1x64xi32, #tpu.memory_space<vmem>>
    %dma_wait3A_197 = tpu.memref_squeeze %dma_wait3A_196 : memref<1x1x64xi32, #tpu.memory_space<vmem>> -> memref<64xi32, #tpu.memory_space<vmem>>
    %dma_wait3A_198 = arith.constant 0 : i32
    %dma_wait3A_199 = arith.constant 0 : i32
    %dma_wait3A_200 = tpu.memref_slice %arg2[%dma_wait3A_198, %dma_wait3A_199] : memref<10000x128xf32, #tpu.memory_space<hbm>> -> memref<10000x128xf32, #tpu.memory_space<hbm>>
    tpu.wait_indirect_dma semaphore(%arg37 : memref<!tpu.dma_semaphore, #tpu.memory_space<semaphore_mem>>) src(%dma_wait3A_200 : memref<10000x128xf32, #tpu.memory_space<hbm>>) dst(%arg11 : memref<64x128xf32, #tpu.memory_space<vmem>>)
    %run_scoped3A_201 = arith.constant 9 : i32
    %run_scoped3A_202 = arith.constant 1 : i32
    "tpu.region"() ({
      %run_scoped3A_222 = tpu.sem_alloc : memref<!tpu.dma_semaphore, #tpu.memory_space<semaphore_mem>>
      %dma_start3A_223 = arith.constant 0 : i32
      %dma_start3A_224 = tpu.memref_slice %arg6[%run_scoped3A_201, %run_scoped3A_202, %dma_start3A_223] : memref<10x2x64xi32, #tpu.memory_space<vmem>> -> memref<1x1x64xi32, #tpu.memory_space<vmem>>
      %dma_start3A_225 = tpu.memref_squeeze %dma_start3A_224 : memref<1x1x64xi32, #tpu.memory_space<vmem>> -> memref<64xi32, #tpu.memory_space<vmem>>
      %dma_start3A_226 = arith.constant 0 : i32
      %dma_start3A_227 = arith.constant 0 : i32
      %dma_start3A_228 = tpu.memref_slice %arg12[%dma_start3A_226, %dma_start3A_227] : memref<10112x128xf32, #tpu.memory_space<vmem_shared>> -> memref<10112x128xf32, #tpu.memory_space<vmem_shared>>
      %dma_start3A_229 = arith.constant -1 : i32
      tpu.enqueue_indirect_dma source(%arg11 : memref<64x128xf32, #tpu.memory_space<vmem>>) target(%dma_start3A_228 : memref<10112x128xf32, #tpu.memory_space<vmem_shared>>) offsets(%dma_start3A_225 : memref<64xi32, #tpu.memory_space<vmem>>) offset_filter(%dma_start3A_229) semaphore(%run_scoped3A_222 : memref<!tpu.dma_semaphore, #tpu.memory_space<semaphore_mem>>) {add = true}
      %dma_wait3A_230 = arith.constant 0 : i32
      %dma_wait3A_231 = tpu.memref_slice %arg6[%run_scoped3A_201, %run_scoped3A_202, %dma_wait3A_230] : memref<10x2x64xi32, #tpu.memory_space<vmem>> -> memref<1x1x64xi32, #tpu.memory_space<vmem>>
      %dma_wait3A_232 = tpu.memref_squeeze %dma_wait3A_231 : memref<1x1x64xi32, #tpu.memory_space<vmem>> -> memref<64xi32, #tpu.memory_space<vmem>>
      %dma_wait3A_233 = arith.constant 0 : i32
      %dma_wait3A_234 = arith.constant 0 : i32
      %dma_wait3A_235 = tpu.memref_slice %arg12[%dma_wait3A_233, %dma_wait3A_234] : memref<10112x128xf32, #tpu.memory_space<vmem_shared>> -> memref<10112x128xf32, #tpu.memory_space<vmem_shared>>
      tpu.wait_indirect_dma semaphore(%run_scoped3A_222 : memref<!tpu.dma_semaphore, #tpu.memory_space<semaphore_mem>>) src(%arg11 : memref<64x128xf32, #tpu.memory_space<vmem>>) dst(%dma_wait3A_235 : memref<10112x128xf32, #tpu.memory_space<vmem_shared>>)
      tpu.yield
    }) : () -> ()
    %dma_wait3A_203 = arith.constant 5 : i32
    %dma_wait3A_204 = arith.constant 1 : i32
    %dma_wait3A_205 = arith.constant 0 : i32
    %dma_wait3A_206 = tpu.memref_slice %arg6[%dma_wait3A_203, %dma_wait3A_204, %dma_wait3A_205] : memref<10x2x64xi32, #tpu.memory_space<vmem>> -> memref<1x1x64xi32, #tpu.memory_space<vmem>>
    %dma_wait3A_207 = tpu.memref_squeeze %dma_wait3A_206 : memref<1x1x64xi32, #tpu.memory_space<vmem>> -> memref<64xi32, #tpu.memory_space<vmem>>
    %dma_wait3A_208 = arith.constant 0 : i32
    %dma_wait3A_209 = arith.constant 0 : i32
    %dma_wait3A_210 = tpu.memref_slice %arg12[%dma_wait3A_208, %dma_wait3A_209] : memref<10112x128xf32, #tpu.memory_space<vmem_shared>> -> memref<10112x128xf32, #tpu.memory_space<vmem_shared>>
    tpu.wait_indirect_dma semaphore(%arg38 : memref<!tpu.dma_semaphore, #tpu.memory_space<semaphore_mem>>) src(%arg7 : memref<64x128xf32, #tpu.memory_space<vmem>>) dst(%dma_wait3A_210 : memref<10112x128xf32, #tpu.memory_space<vmem_shared>>)
    %barrier3A_211 = arith.constant 0 : index
    tpu.barrier barrier_id(%barrier3A_211)
    %add3A_212 = arith.constant 632 : i32
    %add3A_213 = arith.addi %mul3A_160, %add3A_212 : i32
    %le3A = arith.constant 10000 : i32
    %le3A_214 = arith.cmpi sle, %add3A_213, %le3A : i32
    %convert_element_type3A = arith.extui %le3A_214 : i1 to i32
    %cond3A = arith.constant 0 : i32
    %cond3A_215 = arith.cmpi ne, %convert_element_type3A, %cond3A : i32
    scf.if %cond3A_215 {
      "tpu.region"() ({
        %run_scoped3A_222 = tpu.sem_alloc : memref<!tpu.dma_semaphore, #tpu.memory_space<semaphore_mem>>
        %dma_start3A_223 = arith.constant 0 : i32
        %dma_start3A_224 = tpu.memref_slice %arg5[%arg0, %mul3A_160, %dma_start3A_223] : memref<2x10000x128xf32, #tpu.memory_space<hbm>> -> memref<1x632x128xf32, #tpu.memory_space<hbm>>
        %dma_start3A_225 = tpu.memref_squeeze %dma_start3A_224 : memref<1x632x128xf32, #tpu.memory_space<hbm>> -> memref<632x128xf32, #tpu.memory_space<hbm>>
        %dma_start3A_226 = arith.constant 0 : i32
        %dma_start3A_227 = tpu.memref_slice %arg12[%mul3A_160, %dma_start3A_226] : memref<10112x128xf32, #tpu.memory_space<vmem_shared>> -> memref<632x128xf32, #tpu.memory_space<vmem_shared>>
        tpu.enqueue_dma source(%dma_start3A_227 : memref<632x128xf32, #tpu.memory_space<vmem_shared>>) target(%dma_start3A_225 : memref<632x128xf32, #tpu.memory_space<hbm>>) target_semaphore(%run_scoped3A_222 : memref<!tpu.dma_semaphore, #tpu.memory_space<semaphore_mem>>)
        %dma_wait3A_228 = arith.constant 0 : i32
        %dma_wait3A_229 = tpu.memref_slice %arg5[%arg0, %mul3A_160, %dma_wait3A_228] : memref<2x10000x128xf32, #tpu.memory_space<hbm>> -> memref<1x632x128xf32, #tpu.memory_space<hbm>>
        %dma_wait3A_230 = tpu.memref_squeeze %dma_wait3A_229 : memref<1x632x128xf32, #tpu.memory_space<hbm>> -> memref<632x128xf32, #tpu.memory_space<hbm>>
        %dma_wait3A_231 = arith.constant 0 : i32
        %dma_wait3A_232 = tpu.memref_slice %arg12[%mul3A_160, %dma_wait3A_231] : memref<10112x128xf32, #tpu.memory_space<vmem_shared>> -> memref<632x128xf32, #tpu.memory_space<vmem_shared>>
        tpu.wait_dma2 semaphore(%run_scoped3A_222 : memref<!tpu.dma_semaphore, #tpu.memory_space<semaphore_mem>>) src(%dma_wait3A_232 : memref<632x128xf32, #tpu.memory_space<vmem_shared>>) dst(%dma_wait3A_230 : memref<632x128xf32, #tpu.memory_space<hbm>>)
        tpu.yield
      }) : () -> ()
    } else {
    }
    %add3A_216 = arith.constant 632 : i32
    %add3A_217 = arith.addi %mul3A_160, %add3A_216 : i32
    %gt3A = arith.constant 10000 : i32
    %gt3A_218 = arith.cmpi sgt, %add3A_217, %gt3A : i32
    %convert_element_type3A_219 = arith.extui %gt3A_218 : i1 to i32
    %cond3A_220 = arith.constant 0 : i32
    %cond3A_221 = arith.cmpi ne, %convert_element_type3A_219, %cond3A_220 : i32
    scf.if %cond3A_221 {
      "tpu.region"() ({
        %run_scoped3A_222 = tpu.sem_alloc : memref<!tpu.dma_semaphore, #tpu.memory_space<semaphore_mem>>
        %dma_start3A_223 = arith.constant 0 : i32
        %dma_start3A_224 = tpu.memref_slice %arg5[%arg0, %mul3A_160, %dma_start3A_223] : memref<2x10000x128xf32, #tpu.memory_space<hbm>> -> memref<1x520x128xf32, #tpu.memory_space<hbm>>
        %dma_start3A_225 = tpu.memref_squeeze %dma_start3A_224 : memref<1x520x128xf32, #tpu.memory_space<hbm>> -> memref<520x128xf32, #tpu.memory_space<hbm>>
        %dma_start3A_226 = arith.constant 0 : i32
        %dma_start3A_227 = tpu.memref_slice %arg12[%mul3A_160, %dma_start3A_226] : memref<10112x128xf32, #tpu.memory_space<vmem_shared>> -> memref<520x128xf32, #tpu.memory_space<vmem_shared>>
        tpu.enqueue_dma source(%dma_start3A_227 : memref<520x128xf32, #tpu.memory_space<vmem_shared>>) target(%dma_start3A_225 : memref<520x128xf32, #tpu.memory_space<hbm>>) target_semaphore(%run_scoped3A_222 : memref<!tpu.dma_semaphore, #tpu.memory_space<semaphore_mem>>)
        %dma_wait3A_228 = arith.constant 0 : i32
        %dma_wait3A_229 = tpu.memref_slice %arg5[%arg0, %mul3A_160, %dma_wait3A_228] : memref<2x10000x128xf32, #tpu.memory_space<hbm>> -> memref<1x520x128xf32, #tpu.memory_space<hbm>>
        %dma_wait3A_230 = tpu.memref_squeeze %dma_wait3A_229 : memref<1x520x128xf32, #tpu.memory_space<hbm>> -> memref<520x128xf32, #tpu.memory_space<hbm>>
        %dma_wait3A_231 = arith.constant 0 : i32
        %dma_wait3A_232 = tpu.memref_slice %arg12[%mul3A_160, %dma_wait3A_231] : memref<10112x128xf32, #tpu.memory_space<vmem_shared>> -> memref<520x128xf32, #tpu.memory_space<vmem_shared>>
        tpu.wait_dma2 semaphore(%run_scoped3A_222 : memref<!tpu.dma_semaphore, #tpu.memory_space<semaphore_mem>>) src(%dma_wait3A_232 : memref<520x128xf32, #tpu.memory_space<vmem_shared>>) dst(%dma_wait3A_230 : memref<520x128xf32, #tpu.memory_space<hbm>>)
        tpu.yield
      }) : () -> ()
    } else {
    }
    return
  }
}

module attributes {stable_mosaic.version = 14 : i64} {
  func.func @_add_body(%arg0: i32, %arg1: memref<2x1000x128xf32, #tpu.memory_space<vmem>>, %arg2: memref<1000x128xf32, #tpu.memory_space<vmem>>) attributes {dimension_semantics = [#tpu.dimension_semantics<arbitrary>], iteration_bounds = array<i64: 10>, scalar_prefetch = 0 : i64, scratch_operands = 0 : i64, tpu.core_type = #tpu.core_type<tc>, window_params = [{transform_indices = @transform_0, window_bounds = array<i64: 2, 1000, 128>}, {transform_indices = @transform_1, window_bounds = array<i64: 1000, 128>}]} {
    %get3A = arith.constant 0 : index
    %get3A_0 = arith.constant 0 : index
    %get3A_1 = arith.constant 0 : index
    %get3A_2 = vector.load %arg1[%get3A, %get3A_0, %get3A_1] : memref<2x1000x128xf32, #tpu.memory_space<vmem>>, vector<1x1000x128xf32>
    %get3A_3 = vector.shape_cast %get3A_2 : vector<1x1000x128xf32> to vector<1000x128xf32>
    %get3A_4 = arith.constant 1 : index
    %get3A_5 = arith.constant 0 : index
    %get3A_6 = arith.constant 0 : index
    %get3A_7 = vector.load %arg1[%get3A_4, %get3A_5, %get3A_6] : memref<2x1000x128xf32, #tpu.memory_space<vmem>>, vector<1x1000x128xf32>
    %get3A_8 = vector.shape_cast %get3A_7 : vector<1x1000x128xf32> to vector<1000x128xf32>
    %add3A = arith.addf %get3A_3, %get3A_8 : vector<1000x128xf32>
    %swap3A = arith.constant 0 : index
    %swap3A_9 = arith.constant 0 : index
    %swap3A_10 = vector.load %arg2[%swap3A, %swap3A_9] : memref<1000x128xf32, #tpu.memory_space<vmem>>, vector<1000x128xf32>
    tpu.vector_store %arg2[%swap3A, %swap3A_9], %add3A {strides = array<i32>} : memref<1000x128xf32, #tpu.memory_space<vmem>>, vector<1000x128xf32>,
    return
  }
  func.func @transform_0(%arg0: i32) -> (i32, i32, i32) {
    %c0_i32 = arith.constant 0 : i32
    %c0_i32_0 = arith.constant 0 : i32
    %c0_i32_1 = arith.constant 0 : i32
    return %c0_i32, %arg0, %c0_i32_0 : i32, i32, i32
  }
  func.func @transform_1(%arg0: i32) -> (i32, i32) {
    %c0_i32 = arith.constant 0 : i32
    %c0_i32_0 = arith.constant 0 : i32
    return %arg0, %c0_i32 : i32, i32
  }
}

module attributes {stable_mosaic.version = 14 : i64} {
  func.func @_mlp_body(%arg0: i32, %arg1: memref<10000x128xf32, #tpu.memory_space<vmem>>, %arg2: memref<128x128xf32, #tpu.memory_space<vmem>>, %arg3: memref<4x128xf32, #tpu.memory_space<vmem>>, %arg4: memref<1x4xf32, #tpu.memory_space<vmem>>, %arg5: memref<1x128xf32, #tpu.memory_space<vmem>>, %arg6: memref<128x128xf32, #tpu.memory_space<vmem>>, %arg7: memref<1x128xf32, #tpu.memory_space<vmem>>, %arg8: memref<10000x128xf32, #tpu.memory_space<vmem>>, %arg9: memref<632x128xf32, #tpu.memory_space<vmem>>) attributes {dimension_semantics = [#tpu.dimension_semantics<arbitrary>], iteration_bounds = array<i64: 1>, scalar_prefetch = 0 : i64, scratch_operands = 0 : i64, tpu.core_type = #tpu.core_type<tc>, window_params = [{transform_indices = @transform_0, window_bounds = array<i64: 10000, 128>}, {pipeline_mode = #tpu.pipeline_mode<synchronous>, transform_indices = @transform_1, window_bounds = array<i64: 128, 128>}, {pipeline_mode = #tpu.pipeline_mode<synchronous>, transform_indices = @transform_2, window_bounds = array<i64: 4, 128>}, {pipeline_mode = #tpu.pipeline_mode<synchronous>, transform_indices = @transform_3, window_bounds = array<i64: 1, 4>}, {pipeline_mode = #tpu.pipeline_mode<synchronous>, transform_indices = @transform_4, window_bounds = array<i64: 1, 128>}, {pipeline_mode = #tpu.pipeline_mode<synchronous>, transform_indices = @transform_5, window_bounds = array<i64: 128, 128>}, {pipeline_mode = #tpu.pipeline_mode<synchronous>, transform_indices = @transform_6, window_bounds = array<i64: 1, 128>}, {transform_indices = @transform_7, window_bounds = array<i64: 10000, 128>}, {transform_indices = @transform_8, window_bounds = array<i64: 632, 128>}]} {
    %get3A = arith.constant 0 : index
    %get3A_0 = arith.constant 0 : index
    %get3A_1 = vector.load %arg5[%get3A, %get3A_0] : memref<1x128xf32, #tpu.memory_space<vmem>>, vector<1x128xf32>
    %get3A_2 = arith.constant 0 : index
    %get3A_3 = arith.constant 0 : index
    %get3A_4 = vector.load %arg4[%get3A_2, %get3A_3] : memref<1x4xf32, #tpu.memory_space<vmem>>, vector<1x4xf32>
    %get3A_5 = arith.constant 0 : index
    %get3A_6 = arith.constant 0 : index
    %get3A_7 = vector.load %arg3[%get3A_5, %get3A_6] : memref<4x128xf32, #tpu.memory_space<vmem>>, vector<4x128xf32>
    %dot_general3A = arith.constant dense<0.000000e+00> : vector<1x128xf32>
    %dot_general3A_8 = tpu.matmul %get3A_4, %get3A_7, %dot_general3A {dimension_numbers = #tpu.dot_dimension_numbers<[1], [0], [0], [1], [0, 0, 1, 1], [], []>, transpose_lhs_hint = false} : vector<1x4xf32>, vector<4x128xf32>, vector<1x128xf32> -> vector<1x128xf32>
    %add3A = arith.addf %get3A_1, %dot_general3A_8 : vector<1x128xf32>
    %get3A_9 = arith.constant 0 : index
    %get3A_10 = arith.constant 0 : index
    %get3A_11 = vector.load %arg1[%get3A_9, %get3A_10] : memref<10000x128xf32, #tpu.memory_space<vmem>>, vector<10000x128xf32>
    %get3A_12 = arith.constant 0 : index
    %get3A_13 = arith.constant 0 : index
    %get3A_14 = vector.load %arg2[%get3A_12, %get3A_13] : memref<128x128xf32, #tpu.memory_space<vmem>>, vector<128x128xf32>
    %dot_general3A_15 = arith.constant dense<0.000000e+00> : vector<10000x128xf32>
    %dot_general3A_16 = tpu.matmul %get3A_11, %get3A_14, %dot_general3A_15 {dimension_numbers = #tpu.dot_dimension_numbers<[1], [0], [0], [1], [0, 0, 1, 1], [], []>, transpose_lhs_hint = false} : vector<10000x128xf32>, vector<128x128xf32>, vector<10000x128xf32> -> vector<10000x128xf32>
    %add3A_17 = vector.broadcast %add3A : vector<1x128xf32> to vector<10000x128xf32>
    %add3A_18 = arith.addf %dot_general3A_16, %add3A_17 : vector<10000x128xf32>
    %max3A = arith.constant 0.000000e+00 : f32
    %max3A_19 = vector.broadcast %max3A : f32 to vector<10000x128xf32>
    %max3A_20 = arith.maximumf %add3A_18, %max3A_19 : vector<10000x128xf32>
    %get3A_21 = arith.constant 0 : index
    %get3A_22 = arith.constant 0 : index
    %get3A_23 = vector.load %arg6[%get3A_21, %get3A_22] : memref<128x128xf32, #tpu.memory_space<vmem>>, vector<128x128xf32>
    %dot_general3A_24 = arith.constant dense<0.000000e+00> : vector<10000x128xf32>
    %dot_general3A_25 = tpu.matmul %max3A_20, %get3A_23, %dot_general3A_24 {dimension_numbers = #tpu.dot_dimension_numbers<[1], [0], [0], [1], [0, 0, 1, 1], [], []>, transpose_lhs_hint = false} : vector<10000x128xf32>, vector<128x128xf32>, vector<10000x128xf32> -> vector<10000x128xf32>
    %get3A_26 = arith.constant 0 : index
    %get3A_27 = arith.constant 0 : index
    %get3A_28 = vector.load %arg7[%get3A_26, %get3A_27] : memref<1x128xf32, #tpu.memory_space<vmem>>, vector<1x128xf32>
    %add3A_29 = vector.broadcast %get3A_28 : vector<1x128xf32> to vector<10000x128xf32>
    %add3A_30 = arith.addf %dot_general3A_25, %add3A_29 : vector<10000x128xf32>
    %swap3A = arith.constant 0 : index
    %swap3A_31 = arith.constant 0 : index
    %swap3A_32 = vector.load %arg8[%swap3A, %swap3A_31] : memref<10000x128xf32, #tpu.memory_space<vmem>>, vector<10000x128xf32>
    tpu.vector_store %arg8[%swap3A, %swap3A_31], %add3A_30 {strides = array<i32>} : memref<10000x128xf32, #tpu.memory_space<vmem>>, vector<10000x128xf32>,
    %broadcast_in_dim3A = arith.constant 0.000000e+00 : f32
    %broadcast_in_dim3A_33 = vector.broadcast %broadcast_in_dim3A : f32 to vector<632x128xf32>
    %swap3A_34 = arith.constant 0 : index
    %swap3A_35 = arith.constant 0 : index
    %swap3A_36 = vector.load %arg9[%swap3A_34, %swap3A_35] : memref<632x128xf32, #tpu.memory_space<vmem>>, vector<632x128xf32>
    tpu.vector_store %arg9[%swap3A_34, %swap3A_35], %broadcast_in_dim3A_33 {strides = array<i32>} : memref<632x128xf32, #tpu.memory_space<vmem>>, vector<632x128xf32>,
    return
  }
  func.func @transform_0(%arg0: i32) -> (i32, i32) {
    %c0_i32 = arith.constant 0 : i32
    %c0_i32_0 = arith.constant 0 : i32
    return %arg0, %c0_i32 : i32, i32
  }
  func.func @transform_1(%arg0: i32) -> (i32, i32) {
    %c0_i32 = arith.constant 0 : i32
    %c0_i32_0 = arith.constant 0 : i32
    %c0_i32_1 = arith.constant 0 : i32
    return %c0_i32, %c0_i32_0 : i32, i32
  }
  func.func @transform_2(%arg0: i32) -> (i32, i32) {
    %c0_i32 = arith.constant 0 : i32
    %c0_i32_0 = arith.constant 0 : i32
    %c0_i32_1 = arith.constant 0 : i32
    return %c0_i32, %c0_i32_0 : i32, i32
  }
  func.func @transform_3(%arg0: i32) -> (i32, i32) {
    %c0_i32 = arith.constant 0 : i32
    %c0_i32_0 = arith.constant 0 : i32
    %c0_i32_1 = arith.constant 0 : i32
    return %c0_i32, %c0_i32_0 : i32, i32
  }
  func.func @transform_4(%arg0: i32) -> (i32, i32) {
    %c0_i32 = arith.constant 0 : i32
    %c0_i32_0 = arith.constant 0 : i32
    %c0_i32_1 = arith.constant 0 : i32
    return %c0_i32, %c0_i32_0 : i32, i32
  }
  func.func @transform_5(%arg0: i32) -> (i32, i32) {
    %c0_i32 = arith.constant 0 : i32
    %c0_i32_0 = arith.constant 0 : i32
    %c0_i32_1 = arith.constant 0 : i32
    return %c0_i32, %c0_i32_0 : i32, i32
  }
  func.func @transform_6(%arg0: i32) -> (i32, i32) {
    %c0_i32 = arith.constant 0 : i32
    %c0_i32_0 = arith.constant 0 : i32
    %c0_i32_1 = arith.constant 0 : i32
    return %c0_i32, %c0_i32_0 : i32, i32
  }
  func.func @transform_7(%arg0: i32) -> (i32, i32) {
    %c0_i32 = arith.constant 0 : i32
    %c0_i32_0 = arith.constant 0 : i32
    return %arg0, %c0_i32 : i32, i32
  }
  func.func @transform_8(%arg0: i32) -> (i32, i32) {
    %c0_i32 = arith.constant 0 : i32
    %c0_i32_0 = arith.constant 0 : i32
    return %arg0, %c0_i32 : i32, i32
  }
}

</mosaic_0001>

<sc_bundles>
// kernel: kernel.5.cloned.1.call-start
scs
__scs_entry_jumppad:
0x0: {  	(pc) =	sbr.rel $0x88, $3  }
0x1: {  	(tag) =	ssettag $0x0;
	lr =	simm.s32 $0x1  }
0x2: {  	[smem:$0x3F9A] =	sst lr;
	_ =	strace $0xD0000000  }
0x3: {  	_ = 	snop  }
0x4: {  	_ = 	snop  }
0x5: {  	_ = 	snop  }
0x6: {  	_ = 	snop  }
0x7: {  	_ = 	snop  }
__scs_overlays_trampoline_lowered:
0x8: {  	[smem:$0x3FA9] =	sst s0  }
0x9: {  	[smem:$0x3FAA] =	sst s1  }
0xa: {  	[smem:$0x3FAB] =	sst s2  }
0xb: {  	[smem:$0x3FAC] =	sst s3  }
0xc: {  	[smem:$0x3FAD] =	sst s4  }
0xd: {  	[smem:$0x3FAE] =	sst s5  }
0xe: {  	[smem:$0x3FAF] =	sst s6  }
0xf: {  	[smem:$0x3FB0] =	sst s7  }
0x10: {  	[smem:$0x3FB1] =	sst s8  }
0x11: {  	[smem:$0x3FB2] =	sst s9;
	s0 =	simm.s32 @!p0 $0x0  }
0x12: {  	s1 =	sld [smem:$0x3F98];
	s0 =	simm.s32 @p0 $0x1  }
0x13: {  	[smem:$0x3FB3] =	sst s0;
	s0 =	simm.s32 @!p1 $0x0  }
0x14: {  	s2 =	sld [smem:$0x3F97];
	s0 =	simm.s32 @p1 $0x1  }
0x15: {  	[smem:$0x3FB4] =	sst s0;
	s0 =	simm.s32 @!p2 $0x0  }
0x16: {  	s3 =	sld [smem:$0x3FDB];
	s0 =	simm.s32 @p2 $0x1  }
0x17: {  	s4 =	simm.s32 $0x1BF5;
	[smem:$0x3FB6] =	sst s0  }
0x18: {  	s0 =	sld [smem:$0x3F99];
	_ =	swait.ge [sflag:s4], $0x0  }
0x19: {  	s7 =	sld [smem:$0x3F9A]  }
0x1a: {  	s8 =	sadd.s32 $0xFFFFE003, lr  }
0x1b: {  	s9 =	sadd.s32 $0xFFFFFEF7, lr;
	s5 =	simm.s32 $0xFFFFFFFF;
	p2 =	slt.u32 s8, $0xFFFFF086  }
0x1c: {  	p1 =	slt.u32 s9, $0xF7A;
	s5 =	simm.s32 @!p2 $0x0  }
0x1d: {  	s5 =	simm.s32 @p1 $0x1;
	p0 =	seq.s32 s7, s2  }
0x1e: {  	s7 =	smul.u32 @!p0 $0xF7A, s2;
	p2 =	seq.s32 @!p0 s5, $0x0  }
0x1f: {  	s9 =	smul.u32 $0xF7A, s1;
	s8 =	simm.s32 @!p0 $0x1BF5;
	p2 =	por !p2, p0  }
0x20: {  	[sflag:s8] =	ssyncset.s32 @!p0 $0xFFFFF086;
	s6 =	sadd.s32 @!p0 s3, s7;
	s7 =	simm.s32 @!p0 $0x108  }
0x21: {  	s3 =	sadd.s32 s3, s9;
	s6 =	sadd.s32 @!p0 $0x88, s6;
	s7 =	simm.s32 @p2 $0x1082  }
0x22: {  	[simem:s7], [sflag:s8] =	dma.local @!p0 [hbm:s6], $0xF7A  }
0x23: {  	s9 =	sor.u32 $0xD0000000, s2;
	s6 =	simm.s32 $0x108;
	_ =	swait.ge @!p0 [sflag:s8], $0x0  }
0x24: {  	s3 =	sadd.s32 $0x88, s3;
	s6 =	simm.s32 @!p1 $0x1082;
	[sflag:s4] =	ssyncset.s32 $0xFFFFF086  }
0x25: {  	[simem:s6], [sflag:s4] =	dma.local [hbm:s3], $0xF7A  }
0x26: {  	[smem:$0x3F9A] =	sst s1;
	(tag) =	ssettag s2;
	_ =	strace s9  }
0x27: {  	s1 =	sld [smem:$0x3FAA]  }
0x28: {  	s2 =	sld [smem:$0x3FAB]  }
0x29: {  	s4 =	sld [smem:$0x3FAD]  }
0x2a: {  	p0 =	seq.s32 s5, $0x0;
	s5 =	sld [smem:$0x3FAE]  }
0x2b: {  	s6 =	sld [smem:$0x3FAF]  }
0x2c: {  	s7 =	sld [smem:$0x3FB0]  }
0x2d: {  	s3 =	simm.s32 $0x108;
	s8 =	sld [smem:$0x3FB1]  }
0x2e: {  	s3 =	simm.s32 @!p0 $0x1082;
	s9 =	sld [smem:$0x3FB2]  }
0x2f: {  	lr =	sadd.s32 s0, s3;
	s0 =	sld [smem:$0x3FA9]  }
0x30: {  	s3 =	sld [smem:$0x3FAC]  }
0x31: {  	[smem:$0x3FB5] =	sst s10  }
0x32: {  	s10 =	sld [smem:$0x3FB3];
	_ =	sdelay $0x3  }
0x33: {  	p0 =	seq.s32 s10, $0x1;
	s10 =	sld [smem:$0x3FB5];
	_ =	sdelay $0x3  }
0x34: {  	[smem:$0x3FB5] =	sst s10  }
0x35: {  	s10 =	sld [smem:$0x3FB4];
	_ =	sdelay $0x3  }
0x36: {  	p1 =	seq.s32 s10, $0x1;
	s10 =	sld [smem:$0x3FB5];
	_ =	sdelay $0x3  }
0x37: {  	[smem:$0x3FB5] =	sst s10  }
0x38: {  	s10 =	sld [smem:$0x3FB6]  }
0x39: {  	_ = 	snop;
	(pc) =	sbr.ind lr, $3  }
0x3a: {  	_ = 	snop  }
0x3b: {  	_ = 	snop  }
0x3c: {  	p2 =	seq.s32 s10, $0x1;
	s10 =	sld [smem:$0x3FB5]  }
0x3d: {  	_ =	shalt  }
0x3e: {  	_ =	shalt  }
0x3f: {  	_ =	shalt  }
0x40: {  	_ =	shalt  }
0x41: {  	_ =	shalt  }
0x42: {  	_ =	shalt  }
0x43: {  	_ =	shalt  }
0x44: {  	_ =	shalt  }
0x45: {  	_ =	shalt  }
0x46: {  	_ =	shalt  }
0x47: {  	_ =	shalt  }
0x48: {  	_ =	shalt  }
0x49: {  	_ =	shalt  }
0x4a: {  	_ =	shalt  }
0x4b: {  	_ =	shalt  }
0x4c: {  	_ =	shalt  }
0x4d: {  	_ =	shalt  }
0x4e: {  	_ =	shalt  }
0x4f: {  	_ =	shalt  }
0x50: {  	_ =	shalt  }
0x51: {  	_ =	shalt  }
0x52: {  	_ =	shalt  }
0x53: {  	_ =	shalt  }
0x54: {  	_ =	shalt  }
0x55: {  	_ =	shalt  }
0x56: {  	_ =	shalt  }
0x57: {  	_ =	shalt  }
0x58: {  	_ =	shalt  }
0x59: {  	_ =	shalt  }
0x5a: {  	_ =	shalt  }
0x5b: {  	_ =	shalt  }
0x5c: {  	_ =	shalt  }
0x5d: {  	_ =	shalt  }
0x5e: {  	_ =	shalt  }
0x5f: {  	_ =	shalt  }
0x60: {  	_ =	shalt  }
0x61: {  	_ =	shalt  }
0x62: {  	_ =	shalt  }
0x63: {  	_ =	shalt  }
0x64: {  	_ =	shalt  }
0x65: {  	_ =	shalt  }
0x66: {  	_ =	shalt  }
0x67: {  	_ =	shalt  }
0x68: {  	_ =	shalt  }
0x69: {  	_ =	shalt  }
0x6a: {  	_ =	shalt  }
0x6b: {  	_ =	shalt  }
0x6c: {  	_ =	shalt  }
0x6d: {  	_ =	shalt  }
0x6e: {  	_ =	shalt  }
0x6f: {  	_ =	shalt  }
0x70: {  	_ =	shalt  }
0x71: {  	_ =	shalt  }
0x72: {  	_ =	shalt  }
0x73: {  	_ =	shalt  }
0x74: {  	_ =	shalt  }
0x75: {  	_ =	shalt  }
0x76: {  	_ =	shalt  }
0x77: {  	_ =	shalt  }
0x78: {  	_ =	shalt  }
0x79: {  	_ =	shalt  }
0x7a: {  	_ =	shalt  }
0x7b: {  	_ =	shalt  }
0x7c: {  	_ =	shalt  }
0x7d: {  	_ =	shalt  }
0x7e: {  	_ =	shalt  }
0x7f: {  	_ =	shalt  }
0x80: {  	_ =	shalt  }
0x81: {  	_ =	shalt  }
0x82: {  	_ =	shalt  }
0x83: {  	_ =	shalt  }
0x84: {  	_ =	shalt  }
0x85: {  	_ =	shalt  }
0x86: {  	_ =	shalt  }
0x87: {  	_ =	shalt  }
.Lfunc_end0:
.L_simem_size_0:
called_computation_lowered:
.L_overlay_start_0:
0x88: {  	s2 =	sld [smem:$0x3FD9]  }
0x89: {  	s3 =	sld [smem:$0x3FFE];
	_ =	sdelay $0x1  }
0x8a: {  	s1 =	srdreg.scid  }
0x8b: {  	s0 =	sand.u32 $0x1, s1  }
0x8c: {  	s17 =	sshll.u32 s0, $0xA;
	s2 =	sadd.s32 s3, s2  }
0x8d: {  	s2 =	sadd.s32 s2, s17  }
0x8e: {  	[smem:$0x3FC1] =	sst s2  }
0x8f: {  	_ = 	snop  }
0x90: {  	s2 =	sld [smem:$0x3FC7]  }
0x91: {  	s18 =	sld [smem:$0x3FD0];
	(tm) =	ssettm $0x1  }
0x92: {  	s4 =	sld [smem:$0x3FFB];
	_ =	sdelay $0x3  }
0x93: {  	_ =	strace s4  }
0x94: {  	s4 =	sld [smem:$0x3FFC];
	_ =	sdelay $0x3  }
0x95: {  	_ =	strace s4  }
0x96: {  	s4 =	sld [smem:$0x3FFD];
	_ =	sdelay $0x3  }
0x97: {  	_ =	strace s4  }
0x98: {  	_ =	strace $0x8FFFFFFF  }
0x99: {  	s19 =	sld [smem:$0x3FDB];
	_ =	sdelay $0x1  }
0x9a: {  	s5 =	simm.s32 $_scs_section_size  }
0x9b: {  	s6 =	simm.s32 $_size__tile_overlayer_lowered;
	s7 =	simm.s32 $_tile_overlayer_lowered  }
0x9c: {  	s22 =	simm.s32 $0x1BFF;
	s21 =	sshll.u32 s7, $0x1;
	s4 =	sadd.s32 s5, s19  }
0x9d: {  	s8 =	simm.s32 $0x0;
	s20 =	sshll.u32 s6, $0x1;
	s6 =	sadd.s32 s21, s4  }
0x9e: {  	[timem:s8], [sflag:s22] =	dma.local [hbm:s6], s20  }
0x9f: {  	_ =	swait.ge [sflag:s22], s20  }
0xa0: {  	s5 =	ssub.s32 $0x0, s20;
	[sflag:s22] =	ssyncset.done $0x0  }
0xa1: {  	[sflag:s22] =	ssyncadd.s32 s5;
	_ =	sdelay $0x1  }
0xa2: {  	s23 =	simm.s32 $0x1B8B  }
0xa3: {  	_ =	swait.ge [sflag:s23], $0x1  }
0xa4: {  	[sflag:s23] =	ssyncset.done $0x0  }
0xa5: {  	s25 =	simm.s32 $0x1B8E;
	s24 =	sld [smem:$0x3FFE];
	[sflag:s23] =	ssyncadd.s32 $0xFFFFFFFF  }
0xa6: {  	s26 =	simm.s32 $execute0_lowered;
	[smem:$0x3FD2] =	sst s25  }
0xa7: {  	s6 =	sshll.u32 s26, $0x1;
	_ =	strace $0x80000046;
	[dreg:$0x1] =	wrdreg $0xFFFFFFFF  }
0xa8: {  	s28 =	simm.s32 $_size_execute0_lowered;
	s4 =	sadd.s32 s4, s6;
	[dreg:$0x0] =	wrdreg $0x0  }
0xa9: {  	s6 =	sshll.u32 s28, $0x1;
	[dreg:$0x2] =	wrdreg s4  }
0xaa: {  	[dreg:$0x3] =	wrdreg s6  }
0xab: {  	[dreg:$0x4] =	wrdreg $0xC0  }
0xac: {  	_ =	task [dreg:s8], $0x5FFFF  }
0xad: {  	[dreg:$0x1] =	wrdreg $0xFFFFFFFF  }
0xae: {  	[dreg:$0x0] =	wrdreg $0x60  }
0xaf: {  	[dreg:$0x2] =	wrdreg s18  }
0xb0: {  	[dreg:$0x3] =	wrdreg s2  }
0xb1: {  	[dreg:$0x4] =	wrdreg s24  }
0xb2: {  	[dreg:$0x5] =	wrdreg $0xAA000  }
0xb3: {  	[dreg:$0x6] =	wrdreg $0x9  }
0xb4: {  	_ =	task.clear_ibuf [dreg:s8], $0x7FFFF;
	_ =	strace $0x90000046  }
0xb5: {  	s29 =	simm.s32 $0x9;
	_ =	strace $0x80000048  }
0xb6: {  	_ =	swait.ge [sflag:s29], $0x1  }
0xb7: {  	[sflag:s29] =	ssyncadd.s32 $0xFFFFFFFF  }
0xb8: {  	_ =	strace $0x90000048  }
0xb9: {  	_ =	sfence  }
0xba: {  	s30 =	sld [smem:$0x0];
	_ =	sdelay $0x2  }
0xbb: {  	s31 =	sshll.u32 s1, $0xD;
	s1 =	sshrl.u32 s1, $0x2  }
0xbc: {  	s3 =	sand.u32 $0x4000, s31;
	s1 =	sadd.s32 s1, s30  }
0xbd: {  	s0 =	sor.u32 s3, s0;
	s1 =	sshll.u32 s1, $0x11  }
0xbe: {  	s0 =	sor.u32 s1, s0  }
0xbf: {  	s0 =	sadd.s32 $0x8F2B, s0  }
0xc0: {  	[sflag:s0] =	ssyncadd.remote.s32 $0x1  }
0xc1: {  	_ =	sfence.sel $0xFFFF  }
0xc2: {  	[dreg:$0x0] =	wrdreg $0xFFFFFFFF;
	(pc) =	sbr.abs _section_cstart, $3  }
0xc3: {  	[dreg:$0x1] =	wrdreg $0xFFFFFFFF  }
0xc4: {  	_ =	task.clear_ibuf [dreg:s8], $0x2FFFF;
	_ =	strace $0x9FFFFFFF  }
0xc5: {  	(tm) =	ssettm $0x7FFFFFFF  }
tec
execute0_lowered:
.L_overlay_start_1:
0x0: {  	(tag) =	ssettag $0x1  }
0x1: {  	s1 =	rddreg [dreg:$0x0]  }
0x2: {  	s2 =	rddreg [dreg:$0x1]  }
0x3: {  	s3 =	rddreg [dreg:$0x2]  }
0x4: {  	s4 =	rddreg [dreg:$0x3]  }
0x5: {  	s5 =	simm.s32 $0x0;
	s0 =	srdreg.scid;
	s16 =	stileid.u32  }
0x6: {  	s29 =	simm.s32 $0x6A00;
	s31 =	simm.s32 $0x400;
	s30 =	simm.s32 $0x900  }
0x7: {  	[smem:$0x7FF] =	sst s5;
	s7 =	sand.u32 $0x1, s0;
	s0 =	sshll.u32 s16, $0x1  }
0x8: {  	s8 =	sadd.s32 $0x1600, s3;
	s13 =	sadd.s32 $0x3E00, s3;
	p0 =	seq.s32 s16, $0xF  }
0x9: {  	_ =	strace $0x80000047;
	s6 =	sor.u32 s7, s0;
	s20 =	ssub.s32 $0x2, s7  }
0xa: {  	[dreg:$0x5] =	wrdreg s8;
	s9 =	sshll.u32 s6, $0x7;
	s10 =	sshrl.u32 s20, $0x1  }
0xb: {  	s12 =	sshll.u32 s7, $0x6;
	s11 =	sand.u32 $0xF00, s9;
	s3 =	ssub.s32 s20, s10  }
0xc: {  	s22 =	sor.u32 s12, s9;
	s23 =	sor.u32 $0x1000, s9;
	s14 =	sor.u32 $0x2000, s9  }
0xd: {  	s17 =	sor.u32 $0x3000, s9;
	s21 =	sor.u32 s12, s11;
	s24 =	sshrl.u32 s22, $0x3  }
0xe: {  	s25 =	sand.u32 $0x1F00, s23;
	s11 =	sor.u32 s12, s23;
	s23 =	smul.u32 $0x138800, s7  }
0xf: {  	s15 =	sand.u32 $0x2F00, s14;
	s22 =	sor.u32 $0x4000, s9;
	s7 =	smul.u32 $0xC0, s7  }
0x10: {  	s9 =	sor.u32 $0x5000, s9;
	s8 =	sshrl.u32 s21, $0x3;
	s10 =	sor.u32 s12, s25  }
0x11: {  	s28 =	sshrl.u32 s11, $0x3;
	s21 =	sor.u32 s12, s17;
	s9 =	sand.u32 $0x5F00, s9  }
0x12: {  	s8 =	sadd.s32 s2, s8;
	s26 =	sshrl.u32 s10, $0x3;
	s11 =	sor.u32 $0x10, s28  }
0x13: {  	s10 =	sor.u32 s12, s14;
	s14 =	sand.u32 $0x3F00, s17;
	s28 =	sshll.u32 s16, $0x8  }
0x14: {  	s9 =	sor.u32 s12, s9;
	[dreg:$0x6] =	wrdreg s8;
	s8 =	sor.u32 $0x10, s24  }
0x15: {  	s10 =	sshrl.u32 s10, $0x3;
	s14 =	sor.u32 s12, s14;
	s24 =	sand.u32 $0x4F00, s22  }
0x16: {  	s7 =	sor.u32 s7, s28;
	s8 =	sadd.s32 s2, s8;
	s18 =	sor.u32 $0x10, s10  }
0x17: {  	s10 =	sor.u32 s12, s22;
	s22 =	ssub.s32 $0x1307, s0;
	[dreg:$0x7] =	wrdreg s8  }
0x18: {  	s25 =	sor.u32 s12, s24;
	s24 =	smax.u32 s3, $0x1;
	[dreg:$0x15] =	wrdreg s22  }
0x19: {  	s19 =	sshrl.u32 s14, $0x3;
	s8 =	sadd.s32 s2, s26;
	[dreg:$0x18] =	wrdreg s24  }
0x1a: {  	s20 =	sadd.s32 s2, s19;
	s10 =	sshrl.u32 s10, $0x3;
	[dreg:$0x8] =	wrdreg s8  }
0x1b: {  	s19 =	ssub.s32 $0x1347, s0;
	s24 =	simm.s32 $0x15;
	[dreg:$0xc] =	wrdreg s20  }
0x1c: {  	s8 =	sadd.s32 s2, s11;
	s11 =	sshrl.u32 s23, $0x3;
	[dreg:$0x13] =	wrdreg s19  }
0x1d: {  	[dreg:$0x9] =	wrdreg s8;
	s8 =	sor.u32 s12, s15;
	s15 =	smul.u32 $0x13C00, s16  }
0x1e: {  	s20 =	ssub.s32 $0x1327, s0;
	s11 =	sadd.s32 s13, s11;
	s8 =	sshrl.u32 s8, $0x3  }
0x1f: {  	[dreg:$0x14] =	wrdreg s20;
	s8 =	sadd.s32 s2, s8;
	s26 =	sadd.s32 s15, s23  }
0x20: {  	s15 =	sor.u32 $0x10, s10;
	s23 =	sadd.s32 $0x25080, s11;
	[dreg:$0xa] =	wrdreg s8  }
0x21: {  	s8 =	sadd.s32 s2, s18;
	s14 =	sshrl.u32 s26, $0x3;
	s18 =	sshll.u32 s16, $0x6  }
0x22: {  	[dreg:$0x17] =	wrdreg s23;
	s26 =	sshrl.u32 s9, $0x3;
	s9 =	simm.s32 $0xA00  }
0x23: {  	[dreg:$0xb] =	wrdreg s8;
	s8 =	sshrl.u32 s21, $0x3;
	s14 =	sadd.s32 s13, s14  }
0x24: {  	s21 =	ssub.s32 $0x1387, s0;
	s0 =	ssub.s32 $0x1367, s0;
	[dreg:$0xe] =	wrdreg s14  }
0x25: {  	s12 =	sor.u32 $0x1C1F, s18;
	s28 =	sadd.s32 s26, s2;
	[dreg:$0x16] =	wrdreg s0  }
0x26: {  	s18 =	simm.s32 $0x480;
	s8 =	sor.u32 $0x10, s8;
	[dreg:$0x1a] =	wrdreg s28  }
0x27: {  	s14 =	smul.u32 $0x4F000, s16;
	[dreg:$0x12] =	wrdreg s12;
	s8 =	sadd.s32 s2, s8  }
0x28: {  	s26 =	simm.s32 $0x4A00;
	s16 =	simm.s32 $0x40;
	[dreg:$0xd] =	wrdreg s8  }
0x29: {  	s8 =	sshrl.u32 s25, $0x3;
	s17 =	sshrl.u32 s14, $0x2;
	s25 =	sor.u32 $0x5000, s7  }
.Ltmp0:
0x2a: {  	s14 =	simm.s32 $0x1F;
	s8 =	sadd.s32 s2, s8;
	(pc) =	sbr.rel .LBB2_1-.Ltmp0, $4  }
0x2b: {  	s13 =	sadd.s32 s17, s4;
	s0 =	sshrl.u32 s25, $0x3;
	[dreg:$0xf] =	wrdreg s8  }
0x2c: {  	s25 =	simm.s32 $0x700;
	s17 =	simm.s32 $0x8A00;
	[dreg:$0x19] =	wrdreg s0  }
0x2d: {  	s8 =	sadd.s32 s2, s15;
	s15 =	simm.s32 $0x400;
	[dreg:$0x11] =	wrdreg s13  }
0x2e: {  	s0 =	simm.s32 $0x0;
	[dreg:$0x10] =	wrdreg s8;
	s8 =	simm.s32 $0x800  }
.LBB2_4:
0x2f: {  	s0 =	simm.s32 $0x16  }
0x30: {  	_ =	swait.ge [sflag:s0], $0x2000  }
0x31: {  	s10 =	simm.s32 $0x680;
	[sflag:s0] =	ssyncset.done $0x0  }
0x32: {  	s14 =	simm.s32 $0x1F;
	[sflag:s0] =	ssyncadd.s32 $0xFFFFE000;
	(ifvalue) =	ssetifvalue $0xFFFFFFFF  }
0x33: {  	[spmem:s4] =	stream.indirect.scatter.add.f32 [tilespmem:s11], [sflag:$0x1F], $0x80, s10, s16, $0x40b8;
	[tilespmem:$0x1E600] =	vst v63  }
0x34: {  	_ =	swait.ge [sflag:s14], $0x2000  }
0x35: {  	[sflag:s14] =	ssyncset.done $0x0  }
0x36: {  	s11 =	simm.s32 $0x17;
	[sflag:s14] =	ssyncadd.s32 $0xFFFFE000  }
0x37: {  	_ =	swait.ge [sflag:s11], $0x2000  }
0x38: {  	[sflag:s11] =	ssyncset.done $0x0  }
0x39: {  	s12 =	simm.s32 $0x780;
	[sflag:s11] =	ssyncadd.s32 $0xFFFFE000;
	(ifvalue) =	ssetifvalue $0xFFFFFFFF  }
0x3a: {  	[spmem:s4] =	stream.indirect.scatter.add.f32 [tilespmem:s7], [sflag:$0x1F], $0x80, s12, s16, $0x40b8;
	[tilespmem:$0x1E600] =	vst v63  }
0x3b: {  	_ =	swait.ge [sflag:s14], $0x2000  }
0x3c: {  	[sflag:s14] =	ssyncset.done $0x0  }
0x3d: {  	s13 =	simm.s32 $0x18;
	[sflag:s14] =	ssyncadd.s32 $0xFFFFE000  }
0x3e: {  	_ =	swait.ge [sflag:s13], $0x2000  }
0x3f: {  	[sflag:s13] =	ssyncset.done $0x0  }
0x40: {  	s15 =	simm.s32 $0x880;
	[sflag:s13] =	ssyncadd.s32 $0xFFFFE000;
	(ifvalue) =	ssetifvalue $0xFFFFFFFF  }
0x41: {  	[spmem:s4] =	stream.indirect.scatter.add.f32 [tilespmem:s19], [sflag:$0x1F], $0x80, s15, s16, $0x40b8;
	[tilespmem:$0x1E600] =	vst v63  }
0x42: {  	_ =	swait.ge [sflag:s14], $0x2000  }
0x43: {  	[sflag:s14] =	ssyncset.done $0x0  }
0x44: {  	s19 =	simm.s32 $0x19;
	[sflag:s14] =	ssyncadd.s32 $0xFFFFE000  }
0x45: {  	_ =	swait.ge [sflag:s19], $0x2000  }
0x46: {  	[sflag:s19] =	ssyncset.done $0x0  }
0x47: {  	s20 =	simm.s32 $0x980;
	[sflag:s19] =	ssyncadd.s32 $0xFFFFE000;
	(ifvalue) =	ssetifvalue $0xFFFFFFFF  }
0x48: {  	[spmem:s4] =	stream.indirect.scatter.add.f32 [tilespmem:s3], [sflag:$0x1F], $0x80, s20, s16, $0x40b8;
	[tilespmem:$0x1E600] =	vst v63  }
0x49: {  	_ =	swait.ge [sflag:s14], $0x2000  }
0x4a: {  	[sflag:s14] =	ssyncset.done $0x0  }
0x4b: {  	s22 =	simm.s32 $0x1A;
	[sflag:s14] =	ssyncadd.s32 $0xFFFFE000  }
0x4c: {  	_ =	swait.ge [sflag:s22], $0x2000  }
0x4d: {  	[sflag:s22] =	ssyncset.done $0x0  }
0x4e: {  	[sflag:s22] =	ssyncadd.s32 $0xFFFFE000  }
0x4f: {  	[bflag:$0x0] =	sbarrier.arrive $0xFFFF  }
0x50: {  	s13 =	rddreg [dreg:$0x11]  }
0x51: {  	s12 =	rddreg [dreg:$0x12]  }
0x52: {  	s10 =	rddreg [dreg:$0x17];
	s3 =	sshrl.u32 @p0 s13, $0x3  }
0x53: {  	[hbm:s10], [sflag:s12] =	dma.local @p0 [spmem:s3], $0x2080  }
0x54: {  	s3 =	simm.s32 @p0 $0x1F  }
0x55: {  	_ =	swait.ge @p0 [sflag:s3], $0x2080  }
0x56: {  	[sflag:s3] =	ssyncset.done @p0 $0x0  }
0x57: {  	s10 =	rddreg [dreg:$0xe];
	[sflag:s3] =	ssyncadd.s32 @p0 $0xFFFFDF80;
	s3 =	sshrl.u32 @!p0 s13, $0x3  }
0x58: {  	[hbm:s10], [sflag:s12] =	dma.local @!p0 [spmem:s3], $0x2780  }
0x59: {  	s3 =	simm.s32 @!p0 $0x1F  }
0x5a: {  	_ =	swait.ge @!p0 [sflag:s3], $0x2780  }
0x5b: {  	s23 =	rddreg [dreg:$0x1b]  }
0x5c: {  	s28 =	rddreg [dreg:$0x18];
	s0 =	sadd.s32 $0x1, s23  }
0x5d: {  	p1 =	sne.s32 s0, s28  }
.Ltmp1:
0x5e: {  	_ = 	snop;
	(pc) =	sbr.rel @!p1 .LBB2_5-.Ltmp1, $3  }
0x5f: {  	_ =	sdelay $0x1  }
0x60: {  	[sflag:s3] =	ssyncset.done @!p0 $0x0  }
0x61: {  	s15 =	simm.s32 $0x400;
	[sflag:s3] =	ssyncadd.s32 @!p0 $0xFFFFD880  }
.LBB2_1:
0x62: {  	[dreg:$0x1b] =	wrdreg s0  }
0x63: {  	s3 =	rddreg [dreg:$0x6]  }
0x64: {  	s28 =	rddreg [dreg:$0x7]  }
0x65: {  	[tilespmem:s5], [sflag:$0x1] =	stream.linear.gather [hbm4b:s3+s5], $0x40, $0x38;
	[tilespmem:$0x1E600] =	vst v63  }
0x66: {  	s10 =	simm.s32 $0x80;
	s0 =	rddreg [dreg:$0x8]  }
0x67: {  	[tilespmem:s10], [sflag:$0xB] =	stream.linear.gather [hbm4b:s28+s5], $0x40, $0x38;
	[tilespmem:$0x1E600] =	vst v63  }
0x68: {  	s7 =	simm.s32 $0x100;
	s11 =	rddreg [dreg:$0x9]  }
0x69: {  	[tilespmem:s7], [sflag:$0x2] =	stream.linear.gather [hbm4b:s0+s5], $0x40, $0x38;
	[tilespmem:$0x1E600] =	vst v63  }
0x6a: {  	s19 =	simm.s32 $0x180;
	s20 =	rddreg [dreg:$0xa]  }
0x6b: {  	[tilespmem:s19], [sflag:$0xC] =	stream.linear.gather [hbm4b:s11+s5], $0x40, $0x38;
	[tilespmem:$0x1E600] =	vst v63  }
0x6c: {  	s22 =	simm.s32 $0x200;
	s23 =	rddreg [dreg:$0xb]  }
0x6d: {  	[tilespmem:s22], [sflag:$0x3] =	stream.linear.gather [hbm4b:s20+s5], $0x40, $0x38;
	[tilespmem:$0x1E600] =	vst v63  }
0x6e: {  	s28 =	simm.s32 $0x280;
	s0 =	rddreg [dreg:$0xc]  }
0x6f: {  	[tilespmem:s28], [sflag:$0xD] =	stream.linear.gather [hbm4b:s23+s5], $0x40, $0x38;
	[tilespmem:$0x1E600] =	vst v63  }
0x70: {  	s7 =	simm.s32 $0x300;
	s11 =	rddreg [dreg:$0xd]  }
0x71: {  	[tilespmem:s7], [sflag:$0x4] =	stream.linear.gather [hbm4b:s0+s5], $0x40, $0x38;
	[tilespmem:$0x1E600] =	vst v63  }
0x72: {  	s19 =	simm.s32 $0x380;
	s20 =	rddreg [dreg:$0xf]  }
0x73: {  	[tilespmem:s19], [sflag:$0xE] =	stream.linear.gather [hbm4b:s11+s5], $0x40, $0x38;
	[tilespmem:$0x1E600] =	vst v63  }
0x74: {  	s22 =	rddreg [dreg:$0x10]  }
0x75: {  	[tilespmem:s15], [sflag:$0x5] =	stream.linear.gather [hbm4b:s20+s5], $0x40, $0x38;
	[tilespmem:$0x1E600] =	vst v63  }
0x76: {  	s23 =	sshrl.u32 s13, $0x3;
	s28 =	rddreg [dreg:$0x5]  }
0x77: {  	[tilespmem:s18], [sflag:$0xF] =	stream.linear.gather [hbm4b:s22+s5], $0x40, $0x38;
	[tilespmem:$0x1E600] =	vst v63  }
0x78: {  	[spmem:s23], [sflag:s12] =	dma.local [hbm:s28], $0x2780  }
0x79: {  	_ =	swait.ge [sflag:s14], $0x2780  }
0x7a: {  	[sflag:s14] =	ssyncset.done $0x0  }
0x7b: {  	[sflag:s14] =	ssyncadd.s32 $0xFFFFD880  }
0x7c: {  	[bflag:$0x0] =	sbarrier.arrive $0xFFFF  }
0x7d: {  	s22 =	rddreg [dreg:$0x1a]  }
0x7e: {  	s12 =	simm.s32 $0x0;
	s10 =	rddreg [dreg:$0x19]  }
.LBB2_2:
0x7f: {  	p1 =	seq.s32 s12, $0x0  }
0x80: {  	s3 =	simm.s32 @!p1 $0x1A  }
0x81: {  	_ =	swait.ge @!p1 [sflag:s3], $0x2000  }
0x82: {  	[sflag:s3] =	ssyncset.done @!p1 $0x0  }
0x83: {  	s19 =	simm.s32 $0x1;
	[sflag:s3] =	ssyncadd.s32 @!p1 $0xFFFFE000  }
0x84: {  	_ =	swait.ge [sflag:s19], $0x40  }
0x85: {  	[sflag:s19] =	ssyncset.done $0x0  }
0x86: {  	s20 =	simm.s32 $0xB;
	[sflag:s19] =	ssyncadd.s32 $0xFFFFFFC0  }
0x87: {  	_ =	swait.ge [sflag:s20], $0x40  }
0x88: {  	p2 =	sle.u32 s12, s21;
	[sflag:s20] =	ssyncset.done $0x0  }
0x89: {  	v0 =	vimm.s32 @!p2 $0xFFFFFFFF;
	[sflag:s20] =	ssyncadd.s32 $0xFFFFFFC0  }
0x8a: {  	[tilespmem:$0x0] =	vst @!p2 v0  }
0x8b: {  	[tilespmem:$0x10] =	vst @!p2 v0  }
0x8c: {  	[tilespmem:$0x20] =	vst @!p2 v0  }
0x8d: {  	[tilespmem:$0x30] =	vst @!p2 v0  }
0x8e: {  	[tilespmem:$0x80] =	vst @!p2 v0  }
0x8f: {  	[tilespmem:$0x90] =	vst @!p2 v0  }
0x90: {  	[tilespmem:$0xA0] =	vst @!p2 v0  }
0x91: {  	[tilespmem:$0xB0] =	vst @!p2 v0;
	(ifvalue) =	ssetifvalue $0xFFFFFFFF  }
0x92: {  	s3 =	simm.s32 @!p1 $0x16;
	(ifvalue) =	ssetifvalue $0xFFFFFFFF  }
0x93: {  	[tilespmem:s9], [sflag:$0x15] =	stream.indirect.gather [hbm4b:s1+s16], $0x80, s5, s16, $0x40b8;
	[tilespmem:$0x1E600] =	vst v63  }
0x94: {  	_ =	swait.ge @!p1 [sflag:s3], $0x2000  }
0x95: {  	s14 =	simm.s32 @!p1 $0x680;
	s18 =	simm.s32 @!p1 $0x2A00;
	[sflag:s3] =	ssyncset.done @!p1 $0x0  }
0x96: {  	[sflag:s3] =	ssyncadd.s32 @!p1 $0xFFFFE000;
	(ifvalue) =	ssetifvalue @!p1 $0xFFFFFFFF;
	s3 =	simm.s32 @!p1 $0x40  }
0x97: {  	[spmem:s4] =	stream.indirect.scatter.add.f32 @!p1 [tilespmem:s18], [sflag:$0x1B], $0x80, s14, s3, $0x40b8;
	[tilespmem:$0x1E600] =	vst v63  }
0x98: {  	s28 =	simm.s32 $0x500;
	s23 =	sor.u32 $0x10, s10  }
0x99: {  	[tilespmem:s28], [sflag:$0x6] =	stream.linear.gather [hbm4b:s22+s5], $0x40, $0x38;
	[tilespmem:$0x1E600] =	vst v63  }
0x9a: {  	s0 =	simm.s32 $0x580;
	s14 =	sadd.s32 s2, s23  }
0x9b: {  	[tilespmem:s0], [sflag:$0x10] =	stream.linear.gather [hbm4b:s14+s5], $0x40, $0x38;
	[tilespmem:$0x1E600] =	vst v63  }
0x9c: {  	s14 =	simm.s32 @!p1 $0x1B  }
0x9d: {  	_ =	swait.ge @!p1 [sflag:s14], $0x2000  }
0x9e: {  	[sflag:s14] =	ssyncset.done @!p1 $0x0  }
0x9f: {  	s13 =	simm.s32 $0x2;
	[sflag:s14] =	ssyncadd.s32 @!p1 $0xFFFFE000  }
0xa0: {  	_ =	swait.ge [sflag:s13], $0x40  }
0xa1: {  	[sflag:s13] =	ssyncset.done $0x0  }
0xa2: {  	s0 =	simm.s32 $0xC;
	[sflag:s13] =	ssyncadd.s32 $0xFFFFFFC0  }
0xa3: {  	_ =	swait.ge [sflag:s0], $0x40  }
0xa4: {  	s7 =	rddreg [dreg:$0x16]  }
0xa5: {  	[sflag:s0] =	ssyncset.done $0x0;
	p2 =	sle.u32 s12, s7  }
0xa6: {  	[sflag:s0] =	ssyncadd.s32 $0xFFFFFFC0;
	v0 =	vimm.s32 @!p2 $0xFFFFFFFF  }
0xa7: {  	[tilespmem:$0x100] =	vst @!p2 v0  }
0xa8: {  	[tilespmem:$0x110] =	vst @!p2 v0  }
0xa9: {  	[tilespmem:$0x120] =	vst @!p2 v0  }
0xaa: {  	[tilespmem:$0x130] =	vst @!p2 v0  }
0xab: {  	[tilespmem:$0x180] =	vst @!p2 v0  }
0xac: {  	[tilespmem:$0x190] =	vst @!p2 v0  }
0xad: {  	[tilespmem:$0x1A0] =	vst @!p2 v0  }
0xae: {  	s11 =	simm.s32 $0x100;
	[tilespmem:$0x1B0] =	vst @!p2 v0;
	(ifvalue) =	ssetifvalue $0xFFFFFFFF  }
0xaf: {  	s14 =	simm.s32 @!p1 $0x17;
	s0 =	simm.s32 $0x2A00;
	(ifvalue) =	ssetifvalue $0xFFFFFFFF  }
0xb0: {  	[tilespmem:s0], [sflag:$0x16] =	stream.indirect.gather [hbm4b:s1+s16], $0x80, s11, s16, $0x40b8;
	[tilespmem:$0x1E600] =	vst v63  }
0xb1: {  	_ =	swait.ge @!p1 [sflag:s14], $0x2000  }
0xb2: {  	s18 =	simm.s32 @!p1 $0x4A00;
	s23 =	sadd.s32 $0xC0, s12;
	[sflag:s14] =	ssyncset.done @!p1 $0x0  }
0xb3: {  	[sflag:s14] =	ssyncadd.s32 @!p1 $0xFFFFE000;
	(ifvalue) =	ssetifvalue @!p1 $0xFFFFFFFF;
	s14 =	simm.s32 @!p1 $0x780  }
0xb4: {  	[spmem:s4] =	stream.indirect.scatter.add.f32 @!p1 [tilespmem:s18], [sflag:$0x1C], $0x80, s14, s3, $0x40b8;
	[tilespmem:$0x1E600] =	vst v63  }
0xb5: {  	s14 =	sadd.s32 s6, s23  }
0xb6: {  	p2 =	slt.s32 s14, $0x1387  }
0xb7: {  	s14 =	simm.s32 @!p2 $0x1387  }
0xb8: {  	s13 =	sshll.u32 s14, $0x7;
	s14 =	sshll.u32 s14, $0x6  }
0xb9: {  	s19 =	sand.u32 $0xFFF00, s13;
	s14 =	sand.u32 $0x40, s14  }
0xba: {  	s19 =	sor.u32 s14, s19;
	s14 =	sor.u32 s13, s14  }
0xbb: {  	s19 =	sshrl.u32 s19, $0x3;
	s14 =	sshrl.u32 s14, $0x3  }
0xbc: {  	s7 =	simm.s32 $0x600;
	s19 =	sadd.s32 s2, s19;
	s14 =	sor.u32 $0x10, s14  }
0xbd: {  	[tilespmem:s7], [sflag:$0x7] =	stream.linear.gather [hbm4b:s19+s5], $0x40, $0x38;
	[tilespmem:$0x1E600] =	vst v63  }
0xbe: {  	s11 =	simm.s32 $0x680;
	s14 =	sadd.s32 s2, s14  }
0xbf: {  	[tilespmem:s11], [sflag:$0x11] =	stream.linear.gather [hbm4b:s14+s5], $0x40, $0x38;
	[tilespmem:$0x1E600] =	vst v63  }
0xc0: {  	s14 =	simm.s32 @!p1 $0x1C  }
0xc1: {  	_ =	swait.ge @!p1 [sflag:s14], $0x2000  }
0xc2: {  	[sflag:s14] =	ssyncset.done @!p1 $0x0  }
0xc3: {  	s18 =	simm.s32 $0x3;
	[sflag:s14] =	ssyncadd.s32 @!p1 $0xFFFFE000  }
0xc4: {  	_ =	swait.ge [sflag:s18], $0x40  }
0xc5: {  	[sflag:s18] =	ssyncset.done $0x0  }
0xc6: {  	s19 =	simm.s32 $0xD;
	[sflag:s18] =	ssyncadd.s32 $0xFFFFFFC0  }
0xc7: {  	_ =	swait.ge [sflag:s19], $0x40  }
0xc8: {  	s20 =	rddreg [dreg:$0x13]  }
0xc9: {  	[sflag:s19] =	ssyncset.done $0x0;
	p2 =	sle.u32 s12, s20  }
0xca: {  	[sflag:s19] =	ssyncadd.s32 $0xFFFFFFC0;
	v0 =	vimm.s32 @!p2 $0xFFFFFFFF  }
0xcb: {  	[tilespmem:$0x200] =	vst @!p2 v0  }
0xcc: {  	[tilespmem:$0x210] =	vst @!p2 v0  }
0xcd: {  	[tilespmem:$0x220] =	vst @!p2 v0  }
0xce: {  	[tilespmem:$0x230] =	vst @!p2 v0  }
0xcf: {  	[tilespmem:$0x280] =	vst @!p2 v0  }
0xd0: {  	[tilespmem:$0x290] =	vst @!p2 v0  }
0xd1: {  	[tilespmem:$0x2A0] =	vst @!p2 v0  }
0xd2: {  	[tilespmem:$0x2B0] =	vst @!p2 v0;
	(ifvalue) =	ssetifvalue $0xFFFFFFFF  }
0xd3: {  	s11 =	simm.s32 $0x200;
	s14 =	simm.s32 @!p1 $0x18;
	(ifvalue) =	ssetifvalue $0xFFFFFFFF  }
0xd4: {  	[tilespmem:s26], [sflag:$0x17] =	stream.indirect.gather [hbm4b:s1+s16], $0x80, s11, s16, $0x40b8;
	[tilespmem:$0x1E600] =	vst v63  }
0xd5: {  	_ =	swait.ge @!p1 [sflag:s14], $0x2000  }
0xd6: {  	s18 =	simm.s32 @!p1 $0x6A00;
	[sflag:s14] =	ssyncset.done @!p1 $0x0  }
0xd7: {  	[sflag:s14] =	ssyncadd.s32 @!p1 $0xFFFFE000;
	(ifvalue) =	ssetifvalue @!p1 $0xFFFFFFFF;
	s14 =	simm.s32 @!p1 $0x880  }
0xd8: {  	[spmem:s4] =	stream.indirect.scatter.add.f32 @!p1 [tilespmem:s18], [sflag:$0x1D], $0x80, s14, s3, $0x40b8;
	[tilespmem:$0x1E600] =	vst v63  }
0xd9: {  	s18 =	sadd.s32 $0xE0, s12  }
0xda: {  	s14 =	sadd.s32 s6, s18  }
0xdb: {  	p2 =	slt.s32 s14, $0x1387  }
0xdc: {  	s14 =	simm.s32 @!p2 $0x1387  }
0xdd: {  	s13 =	sshll.u32 s14, $0x7;
	s14 =	sshll.u32 s14, $0x6  }
0xde: {  	s20 =	sand.u32 $0xFFF00, s13;
	s14 =	sand.u32 $0x40, s14  }
0xdf: {  	s20 =	sor.u32 s14, s20;
	s14 =	sor.u32 s13, s14  }
0xe0: {  	s20 =	sshrl.u32 s20, $0x3;
	s14 =	sshrl.u32 s14, $0x3  }
0xe1: {  	s20 =	sadd.s32 s2, s20;
	s14 =	sor.u32 $0x10, s14  }
0xe2: {  	[tilespmem:s25], [sflag:$0x8] =	stream.linear.gather [hbm4b:s20+s5], $0x40, $0x38;
	[tilespmem:$0x1E600] =	vst v63  }
0xe3: {  	s14 =	sadd.s32 s2, s14;
	s20 =	simm.s32 $0x780  }
0xe4: {  	[tilespmem:s20], [sflag:$0x12] =	stream.linear.gather [hbm4b:s14+s5], $0x40, $0x38;
	[tilespmem:$0x1E600] =	vst v63  }
0xe5: {  	s14 =	simm.s32 @!p1 $0x1D  }
0xe6: {  	_ =	swait.ge @!p1 [sflag:s14], $0x2000  }
0xe7: {  	[sflag:s14] =	ssyncset.done @!p1 $0x0  }
0xe8: {  	s13 =	simm.s32 $0x4;
	[sflag:s14] =	ssyncadd.s32 @!p1 $0xFFFFE000  }
0xe9: {  	_ =	swait.ge [sflag:s13], $0x40  }
0xea: {  	[sflag:s13] =	ssyncset.done $0x0  }
0xeb: {  	s14 =	simm.s32 $0xE;
	[sflag:s13] =	ssyncadd.s32 $0xFFFFFFC0  }
0xec: {  	_ =	swait.ge [sflag:s14], $0x40  }
0xed: {  	s19 =	rddreg [dreg:$0x14]  }
0xee: {  	[sflag:s14] =	ssyncset.done $0x0;
	p2 =	sle.u32 s12, s19  }
0xef: {  	[sflag:s14] =	ssyncadd.s32 $0xFFFFFFC0;
	v0 =	vimm.s32 @!p2 $0xFFFFFFFF  }
0xf0: {  	[tilespmem:$0x300] =	vst @!p2 v0  }
0xf1: {  	[tilespmem:$0x310] =	vst @!p2 v0  }
0xf2: {  	[tilespmem:$0x320] =	vst @!p2 v0  }
0xf3: {  	[tilespmem:$0x330] =	vst @!p2 v0  }
0xf4: {  	[tilespmem:$0x380] =	vst @!p2 v0  }
0xf5: {  	[tilespmem:$0x390] =	vst @!p2 v0  }
0xf6: {  	[tilespmem:$0x3A0] =	vst @!p2 v0  }
0xf7: {  	[tilespmem:$0x3B0] =	vst @!p2 v0;
	(ifvalue) =	ssetifvalue $0xFFFFFFFF  }
0xf8: {  	s20 =	simm.s32 $0x300;
	s14 =	simm.s32 @!p1 $0x19;
	(ifvalue) =	ssetifvalue $0xFFFFFFFF  }
0xf9: {  	[tilespmem:s29], [sflag:$0x18] =	stream.indirect.gather [hbm4b:s1+s16], $0x80, s20, s16, $0x40b8;
	[tilespmem:$0x1E600] =	vst v63  }
0xfa: {  	_ =	swait.ge @!p1 [sflag:s14], $0x2000  }
0xfb: {  	s19 =	simm.s32 @!p1 $0x8A00;
	[sflag:s14] =	ssyncset.done @!p1 $0x0  }
0xfc: {  	[sflag:s14] =	ssyncadd.s32 @!p1 $0xFFFFE000;
	(ifvalue) =	ssetifvalue @!p1 $0xFFFFFFFF;
	s14 =	simm.s32 @!p1 $0x980  }
0xfd: {  	[spmem:s4] =	stream.indirect.scatter.add.f32 @!p1 [tilespmem:s19], [sflag:$0x1E], $0x80, s14, s3, $0x40b8;
	[tilespmem:$0x1E600] =	vst v63  }
0xfe: {  	s19 =	sadd.s32 $0x100, s12  }
0xff: {  	s3 =	sadd.s32 s6, s19  }
0x100: {  	p2 =	slt.s32 s3, $0x1387  }
0x101: {  	s3 =	simm.s32 @!p2 $0x1387  }
0x102: {  	s11 =	sshll.u32 s3, $0x7;
	s3 =	sshll.u32 s3, $0x6  }
0x103: {  	s13 =	sand.u32 $0xFFF00, s11;
	s3 =	sand.u32 $0x40, s3  }
0x104: {  	s20 =	sor.u32 s3, s13;
	s3 =	sor.u32 s11, s3  }
0x105: {  	s20 =	sshrl.u32 s20, $0x3;
	s3 =	sshrl.u32 s3, $0x3  }
0x106: {  	s20 =	sadd.s32 s2, s20;
	s3 =	sor.u32 $0x10, s3  }
0x107: {  	[tilespmem:s8], [sflag:$0x9] =	stream.linear.gather [hbm4b:s20+s5], $0x40, $0x38;
	[tilespmem:$0x1E600] =	vst v63  }
0x108: {  	s3 =	sadd.s32 s2, s3;
	s20 =	simm.s32 $0x880  }
0x109: {  	[tilespmem:s20], [sflag:$0x13] =	stream.linear.gather [hbm4b:s3+s5], $0x40, $0x38;
	[tilespmem:$0x1E600] =	vst v63  }
0x10a: {  	s3 =	simm.s32 @!p1 $0x1E  }
0x10b: {  	_ =	swait.ge @!p1 [sflag:s3], $0x2000  }
0x10c: {  	[sflag:s3] =	ssyncset.done @!p1 $0x0  }
0x10d: {  	s13 =	simm.s32 $0x5;
	[sflag:s3] =	ssyncadd.s32 @!p1 $0xFFFFE000  }
0x10e: {  	_ =	swait.ge [sflag:s13], $0x40  }
0x10f: {  	[sflag:s13] =	ssyncset.done $0x0  }
0x110: {  	s14 =	simm.s32 $0xF;
	[sflag:s13] =	ssyncadd.s32 $0xFFFFFFC0  }
0x111: {  	_ =	swait.ge [sflag:s14], $0x40  }
0x112: {  	s20 =	rddreg [dreg:$0x15]  }
0x113: {  	[sflag:s14] =	ssyncset.done $0x0;
	p1 =	sle.u32 s12, s20  }
0x114: {  	[sflag:s14] =	ssyncadd.s32 $0xFFFFFFC0;
	v0 =	vimm.s32 @!p1 $0xFFFFFFFF  }
0x115: {  	[tilespmem:$0x400] =	vst @!p1 v0  }
0x116: {  	[tilespmem:$0x410] =	vst @!p1 v0  }
0x117: {  	[tilespmem:$0x420] =	vst @!p1 v0  }
0x118: {  	[tilespmem:$0x430] =	vst @!p1 v0  }
0x119: {  	[tilespmem:$0x480] =	vst @!p1 v0  }
0x11a: {  	[tilespmem:$0x490] =	vst @!p1 v0  }
0x11b: {  	s3 =	sadd.s32 $0x120, s12;
	[tilespmem:$0x4A0] =	vst @!p1 v0  }
0x11c: {  	s14 =	sadd.s32 s6, s3;
	[tilespmem:$0x4B0] =	vst @!p1 v0;
	(ifvalue) =	ssetifvalue $0xFFFFFFFF  }
0x11d: {  	p1 =	slt.s32 s14, $0x1387;
	(ifvalue) =	ssetifvalue $0xFFFFFFFF  }
0x11e: {  	[tilespmem:s17], [sflag:$0x19] =	stream.indirect.gather [hbm4b:s1+s16], $0x80, s15, s16, $0x40b8;
	[tilespmem:$0x1E600] =	vst v63  }
0x11f: {  	s14 =	simm.s32 @!p1 $0x1387;
	_ =	swait.ge [sflag:s24], $0x2000  }
0x120: {  	s11 =	simm.s32 $0x80;
	s13 =	sshll.u32 s14, $0x7;
	[sflag:s24] =	ssyncset.done $0x0  }
0x121: {  	s14 =	sshll.u32 s14, $0x6;
	[sflag:s24] =	ssyncadd.s32 $0xFFFFE000;
	(ifvalue) =	ssetifvalue $0xFFFFFFFF  }
0x122: {  	[spmem:s4] =	stream.indirect.scatter.add.f32 [tilespmem:s9], [sflag:$0x1A], $0x80, s11, s16, $0x40b8;
	[tilespmem:$0x1E600] =	vst v63  }
0x123: {  	s14 =	sand.u32 $0x40, s14;
	s11 =	sand.u32 $0xFFF00, s13  }
0x124: {  	s15 =	sor.u32 s14, s11;
	s14 =	sor.u32 s13, s14  }
0x125: {  	s15 =	sshrl.u32 s15, $0x3;
	s14 =	sshrl.u32 s14, $0x3  }
0x126: {  	s15 =	sadd.s32 s2, s15;
	s14 =	sor.u32 $0x10, s14  }
0x127: {  	[tilespmem:s30], [sflag:$0xA] =	stream.linear.gather [hbm4b:s15+s5], $0x40, $0x38;
	[tilespmem:$0x1E600] =	vst v63  }
0x128: {  	s13 =	simm.s32 $0x980;
	s14 =	sadd.s32 s2, s14  }
0x129: {  	[tilespmem:s13], [sflag:$0x14] =	stream.linear.gather [hbm4b:s14+s5], $0x40, $0x38;
	[tilespmem:$0x1E600] =	vst v63  }
0x12a: {  	s14 =	simm.s32 $0x1A  }
0x12b: {  	_ =	swait.ge [sflag:s14], $0x2000  }
0x12c: {  	[sflag:s14] =	ssyncset.done $0x0  }
0x12d: {  	s15 =	simm.s32 $0x6;
	[sflag:s14] =	ssyncadd.s32 $0xFFFFE000  }
0x12e: {  	_ =	swait.ge [sflag:s15], $0x40  }
0x12f: {  	[sflag:s15] =	ssyncset.done $0x0  }
0x130: {  	s20 =	simm.s32 $0x10;
	[sflag:s15] =	ssyncadd.s32 $0xFFFFFFC0  }
0x131: {  	_ =	swait.ge [sflag:s20], $0x40  }
0x132: {  	[sflag:s20] =	ssyncset.done $0x0  }
0x133: {  	p1 =	seq.s32 s12, $0x12C0;
	[sflag:s20] =	ssyncadd.s32 $0xFFFFFFC0;
	(ifvalue) =	ssetifvalue $0xFFFFFFFF  }
0x134: {  	s14 =	sadd.s32 @!p1 s12, s6;
	(ifvalue) =	ssetifvalue $0xFFFFFFFF  }
0x135: {  	[tilespmem:s9], [sflag:$0x15] =	stream.indirect.gather [hbm4b:s1+s16], $0x80, s28, s16, $0x40b8;
	[tilespmem:$0x1E600] =	vst v63  }
0x136: {  	s15 =	sadd.s32 @!p1 $0x140, s14;
	s28 =	simm.s32 $0x16  }
0x137: {  	p2 =	slt.s32 @!p1 s15, $0x1387;
	_ =	swait.ge [sflag:s28], $0x2000  }
0x138: {  	s11 =	simm.s32 $0x180;
	p2 =	por !p2, p1;
	[sflag:s28] =	ssyncset.done $0x0  }
0x139: {  	s15 =	simm.s32 @p2 $0x1387;
	[sflag:s28] =	ssyncadd.s32 $0xFFFFE000;
	(ifvalue) =	ssetifvalue $0xFFFFFFFF  }
0x13a: {  	[spmem:s4] =	stream.indirect.scatter.add.f32 [tilespmem:s0], [sflag:$0x1B], $0x80, s11, s16, $0x40b8;
	[tilespmem:$0x1E600] =	vst v63  }
0x13b: {  	s28 =	sshll.u32 @!p1 s15, $0x7;
	s15 =	sshll.u32 @!p1 s15, $0x6  }
0x13c: {  	s20 =	sand.u32 @!p1 $0xFFF00, s28;
	s15 =	sand.u32 @!p1 $0x40, s15  }
0x13d: {  	s20 =	sor.u32 @!p1 s15, s20  }
0x13e: {  	s20 =	sshrl.u32 @!p1 s20, $0x3  }
0x13f: {  	s13 =	sadd.s32 @!p1 s2, s20;
	s20 =	simm.s32 @!p1 $0x0  }
0x140: {  	[tilespmem:s20], [sflag:$0x1] =	stream.linear.gather @!p1 [hbm4b:s13+s20], $0x40, $0x38;
	[tilespmem:$0x1E600] =	vst v63  }
0x141: {  	s13 =	sor.u32 @!p1 s28, s15  }
0x142: {  	s13 =	sshrl.u32 @!p1 s13, $0x3  }
0x143: {  	s13 =	sor.u32 @!p1 $0x10, s13  }
0x144: {  	s15 =	simm.s32 @!p1 $0x80;
	s13 =	sadd.s32 @!p1 s2, s13  }
0x145: {  	[tilespmem:s15], [sflag:$0xB] =	stream.linear.gather @!p1 [hbm4b:s13+s20], $0x40, $0x38;
	[tilespmem:$0x1E600] =	vst v63  }
0x146: {  	s13 =	simm.s32 $0x1B  }
0x147: {  	_ =	swait.ge [sflag:s13], $0x2000  }
0x148: {  	[sflag:s13] =	ssyncset.done $0x0  }
0x149: {  	s15 =	simm.s32 $0x7;
	[sflag:s13] =	ssyncadd.s32 $0xFFFFE000  }
0x14a: {  	_ =	swait.ge [sflag:s15], $0x40  }
0x14b: {  	[sflag:s15] =	ssyncset.done $0x0  }
0x14c: {  	s28 =	simm.s32 $0x11;
	[sflag:s15] =	ssyncadd.s32 $0xFFFFFFC0  }
0x14d: {  	_ =	swait.ge [sflag:s28], $0x40  }
0x14e: {  	p2 =	sle.u32 s23, s21;
	[sflag:s28] =	ssyncset.done $0x0  }
0x14f: {  	v0 =	vimm.s32 @!p2 $0xFFFFFFFF;
	[sflag:s28] =	ssyncadd.s32 $0xFFFFFFC0  }
0x150: {  	[tilespmem:$0x600] =	vst @!p2 v0  }
0x151: {  	[tilespmem:$0x610] =	vst @!p2 v0  }
0x152: {  	[tilespmem:$0x620] =	vst @!p2 v0  }
0x153: {  	[tilespmem:$0x630] =	vst @!p2 v0  }
0x154: {  	[tilespmem:$0x680] =	vst @!p2 v0  }
0x155: {  	[tilespmem:$0x690] =	vst @!p2 v0  }
0x156: {  	[tilespmem:$0x6A0] =	vst @!p2 v0  }
0x157: {  	[tilespmem:$0x6B0] =	vst @!p2 v0;
	(ifvalue) =	ssetifvalue $0xFFFFFFFF  }
0x158: {  	s13 =	simm.s32 $0x17;
	(ifvalue) =	ssetifvalue $0xFFFFFFFF  }
0x159: {  	[tilespmem:s0], [sflag:$0x16] =	stream.indirect.gather [hbm4b:s1+s16], $0x80, s7, s16, $0x40b8;
	[tilespmem:$0x1E600] =	vst v63  }
0x15a: {  	_ =	swait.ge [sflag:s13], $0x2000  }
0x15b: {  	[sflag:s13] =	ssyncset.done $0x0  }
0x15c: {  	s15 =	simm.s32 $0x280;
	[sflag:s13] =	ssyncadd.s32 $0xFFFFE000;
	(ifvalue) =	ssetifvalue $0xFFFFFFFF  }
0x15d: {  	[spmem:s4] =	stream.indirect.scatter.add.f32 [tilespmem:s26], [sflag:$0x1C], $0x80, s15, s16, $0x40b8;
	[tilespmem:$0x1E600] =	vst v63  }
0x15e: {  	s13 =	sadd.s32 @!p1 $0x160, s14  }
0x15f: {  	p2 =	slt.s32 @!p1 s13, $0x1387  }
0x160: {  	p2 =	por !p2, p1  }
0x161: {  	s13 =	simm.s32 @p2 $0x1387  }
0x162: {  	s15 =	sshll.u32 @!p1 s13, $0x7;
	s13 =	sshll.u32 @!p1 s13, $0x6  }
0x163: {  	s23 =	sand.u32 @!p1 $0xFFF00, s15;
	s13 =	sand.u32 @!p1 $0x40, s13  }
0x164: {  	s23 =	sor.u32 @!p1 s13, s23;
	s13 =	sor.u32 @!p1 s15, s13  }
0x165: {  	s23 =	sshrl.u32 @!p1 s23, $0x3;
	s13 =	sshrl.u32 @!p1 s13, $0x3  }
0x166: {  	s28 =	simm.s32 @!p1 $0x100;
	s23 =	sadd.s32 @!p1 s2, s23;
	s13 =	sor.u32 @!p1 $0x10, s13  }
0x167: {  	[tilespmem:s28], [sflag:$0x2] =	stream.linear.gather @!p1 [hbm4b:s23+s20], $0x40, $0x38;
	[tilespmem:$0x1E600] =	vst v63  }
0x168: {  	s15 =	simm.s32 @!p1 $0x180;
	s13 =	sadd.s32 @!p1 s2, s13;
	s23 =	simm.s32 $0x1C  }
0x169: {  	[tilespmem:s15], [sflag:$0xC] =	stream.linear.gather @!p1 [hbm4b:s13+s20], $0x40, $0x38;
	[tilespmem:$0x1E600] =	vst v63  }
0x16a: {  	_ =	swait.ge [sflag:s23], $0x2000  }
0x16b: {  	[sflag:s23] =	ssyncset.done $0x0  }
0x16c: {  	s28 =	simm.s32 $0x8;
	[sflag:s23] =	ssyncadd.s32 $0xFFFFE000  }
0x16d: {  	_ =	swait.ge [sflag:s28], $0x40  }
0x16e: {  	[sflag:s28] =	ssyncset.done $0x0  }
0x16f: {  	s7 =	simm.s32 $0x12;
	[sflag:s28] =	ssyncadd.s32 $0xFFFFFFC0  }
0x170: {  	_ =	swait.ge [sflag:s7], $0x40  }
0x171: {  	p2 =	sle.u32 s18, s21;
	[sflag:s7] =	ssyncset.done $0x0  }
0x172: {  	v0 =	vimm.s32 @!p2 $0xFFFFFFFF;
	[sflag:s7] =	ssyncadd.s32 $0xFFFFFFC0  }
0x173: {  	[tilespmem:$0x700] =	vst @!p2 v0  }
0x174: {  	[tilespmem:$0x710] =	vst @!p2 v0  }
0x175: {  	[tilespmem:$0x720] =	vst @!p2 v0  }
0x176: {  	[tilespmem:$0x730] =	vst @!p2 v0  }
0x177: {  	[tilespmem:$0x780] =	vst @!p2 v0  }
0x178: {  	[tilespmem:$0x790] =	vst @!p2 v0  }
0x179: {  	[tilespmem:$0x7A0] =	vst @!p2 v0  }
0x17a: {  	[tilespmem:$0x7B0] =	vst @!p2 v0;
	(ifvalue) =	ssetifvalue $0xFFFFFFFF  }
0x17b: {  	s13 =	simm.s32 $0x18;
	(ifvalue) =	ssetifvalue $0xFFFFFFFF  }
0x17c: {  	[tilespmem:s26], [sflag:$0x17] =	stream.indirect.gather [hbm4b:s1+s16], $0x80, s25, s16, $0x40b8;
	[tilespmem:$0x1E600] =	vst v63  }
0x17d: {  	_ =	swait.ge [sflag:s13], $0x2000  }
0x17e: {  	[sflag:s13] =	ssyncset.done $0x0  }
0x17f: {  	s15 =	simm.s32 $0x380;
	[sflag:s13] =	ssyncadd.s32 $0xFFFFE000;
	(ifvalue) =	ssetifvalue $0xFFFFFFFF  }
0x180: {  	[spmem:s4] =	stream.indirect.scatter.add.f32 [tilespmem:s29], [sflag:$0x1D], $0x80, s15, s16, $0x40b8;
	[tilespmem:$0x1E600] =	vst v63  }
0x181: {  	s13 =	sadd.s32 @!p1 $0x180, s14  }
0x182: {  	p2 =	slt.s32 @!p1 s13, $0x1387  }
0x183: {  	p2 =	por !p2, p1  }
0x184: {  	s13 =	simm.s32 @p2 $0x1387  }
0x185: {  	s15 =	sshll.u32 @!p1 s13, $0x7;
	s13 =	sshll.u32 @!p1 s13, $0x6  }
0x186: {  	s18 =	sand.u32 @!p1 $0xFFF00, s15;
	s13 =	sand.u32 @!p1 $0x40, s13  }
0x187: {  	s18 =	sor.u32 @!p1 s13, s18;
	s13 =	sor.u32 @!p1 s15, s13  }
0x188: {  	s18 =	sshrl.u32 @!p1 s18, $0x3;
	s13 =	sshrl.u32 @!p1 s13, $0x3  }
0x189: {  	s23 =	simm.s32 @!p1 $0x200;
	s18 =	sadd.s32 @!p1 s2, s18;
	s13 =	sor.u32 @!p1 $0x10, s13  }
0x18a: {  	[tilespmem:s23], [sflag:$0x3] =	stream.linear.gather @!p1 [hbm4b:s18+s20], $0x40, $0x38;
	[tilespmem:$0x1E600] =	vst v63  }
0x18b: {  	s15 =	simm.s32 @!p1 $0x280;
	s13 =	sadd.s32 @!p1 s2, s13;
	s18 =	simm.s32 $0x1D  }
0x18c: {  	[tilespmem:s15], [sflag:$0xD] =	stream.linear.gather @!p1 [hbm4b:s13+s20], $0x40, $0x38;
	[tilespmem:$0x1E600] =	vst v63  }
0x18d: {  	_ =	swait.ge [sflag:s18], $0x2000  }
0x18e: {  	[sflag:s18] =	ssyncset.done $0x0  }
0x18f: {  	s23 =	simm.s32 $0x9;
	[sflag:s18] =	ssyncadd.s32 $0xFFFFE000  }
0x190: {  	_ =	swait.ge [sflag:s23], $0x40  }
0x191: {  	[sflag:s23] =	ssyncset.done $0x0  }
0x192: {  	s28 =	simm.s32 $0x13;
	[sflag:s23] =	ssyncadd.s32 $0xFFFFFFC0  }
0x193: {  	_ =	swait.ge [sflag:s28], $0x40  }
0x194: {  	p2 =	sle.u32 s19, s21;
	[sflag:s28] =	ssyncset.done $0x0  }
0x195: {  	v0 =	vimm.s32 @!p2 $0xFFFFFFFF;
	[sflag:s28] =	ssyncadd.s32 $0xFFFFFFC0  }
0x196: {  	[tilespmem:$0x800] =	vst @!p2 v0  }
0x197: {  	[tilespmem:$0x810] =	vst @!p2 v0  }
0x198: {  	[tilespmem:$0x820] =	vst @!p2 v0  }
0x199: {  	[tilespmem:$0x830] =	vst @!p2 v0  }
0x19a: {  	[tilespmem:$0x880] =	vst @!p2 v0  }
0x19b: {  	[tilespmem:$0x890] =	vst @!p2 v0  }
0x19c: {  	[tilespmem:$0x8A0] =	vst @!p2 v0  }
0x19d: {  	[tilespmem:$0x8B0] =	vst @!p2 v0;
	(ifvalue) =	ssetifvalue $0xFFFFFFFF  }
0x19e: {  	s13 =	simm.s32 $0x19;
	(ifvalue) =	ssetifvalue $0xFFFFFFFF  }
0x19f: {  	[tilespmem:s29], [sflag:$0x18] =	stream.indirect.gather [hbm4b:s1+s16], $0x80, s8, s16, $0x40b8;
	[tilespmem:$0x1E600] =	vst v63  }
0x1a0: {  	_ =	swait.ge [sflag:s13], $0x2000  }
0x1a1: {  	[sflag:s13] =	ssyncset.done $0x0  }
0x1a2: {  	s15 =	simm.s32 $0x480;
	[sflag:s13] =	ssyncadd.s32 $0xFFFFE000;
	(ifvalue) =	ssetifvalue $0xFFFFFFFF  }
0x1a3: {  	[spmem:s4] =	stream.indirect.scatter.add.f32 [tilespmem:s17], [sflag:$0x1E], $0x80, s15, s16, $0x40b8;
	[tilespmem:$0x1E600] =	vst v63  }
0x1a4: {  	s13 =	sadd.s32 @!p1 $0x1A0, s14  }
0x1a5: {  	p2 =	slt.s32 @!p1 s13, $0x1387  }
0x1a6: {  	p2 =	por !p2, p1  }
0x1a7: {  	s13 =	simm.s32 @p2 $0x1387  }
0x1a8: {  	s14 =	sshll.u32 @!p1 s13, $0x7;
	s13 =	sshll.u32 @!p1 s13, $0x6  }
0x1a9: {  	s15 =	sand.u32 @!p1 $0xFFF00, s14;
	s13 =	sand.u32 @!p1 $0x40, s13  }
0x1aa: {  	s15 =	sor.u32 @!p1 s13, s15;
	s13 =	sor.u32 @!p1 s14, s13  }
0x1ab: {  	s15 =	sshrl.u32 @!p1 s15, $0x3;
	s13 =	sshrl.u32 @!p1 s13, $0x3  }
0x1ac: {  	s18 =	simm.s32 @!p1 $0x300;
	s15 =	sadd.s32 @!p1 s2, s15;
	s13 =	sor.u32 @!p1 $0x10, s13  }
0x1ad: {  	[tilespmem:s18], [sflag:$0x4] =	stream.linear.gather @!p1 [hbm4b:s15+s20], $0x40, $0x38;
	[tilespmem:$0x1E600] =	vst v63  }
0x1ae: {  	s14 =	simm.s32 @!p1 $0x380;
	s13 =	sadd.s32 @!p1 s2, s13;
	s18 =	simm.s32 $0x1E  }
0x1af: {  	[tilespmem:s14], [sflag:$0xE] =	stream.linear.gather @!p1 [hbm4b:s13+s20], $0x40, $0x38;
	[tilespmem:$0x1E600] =	vst v63  }
0x1b0: {  	_ =	swait.ge [sflag:s18], $0x2000  }
0x1b1: {  	[sflag:s18] =	ssyncset.done $0x0  }
0x1b2: {  	s20 =	simm.s32 $0xA;
	[sflag:s18] =	ssyncadd.s32 $0xFFFFE000  }
0x1b3: {  	_ =	swait.ge [sflag:s20], $0x40  }
0x1b4: {  	[sflag:s20] =	ssyncset.done $0x0  }
0x1b5: {  	s23 =	simm.s32 $0x14;
	[sflag:s20] =	ssyncadd.s32 $0xFFFFFFC0  }
0x1b6: {  	_ =	swait.ge [sflag:s23], $0x40  }
0x1b7: {  	p2 =	sle.u32 s3, s21;
	[sflag:s23] =	ssyncset.done $0x0  }
0x1b8: {  	v0 =	vimm.s32 @!p2 $0xFFFFFFFF;
	[sflag:s23] =	ssyncadd.s32 $0xFFFFFFC0  }
0x1b9: {  	[tilespmem:$0x900] =	vst @!p2 v0  }
0x1ba: {  	[tilespmem:$0x910] =	vst @!p2 v0  }
0x1bb: {  	[tilespmem:$0x920] =	vst @!p2 v0  }
0x1bc: {  	[tilespmem:$0x930] =	vst @!p2 v0  }
0x1bd: {  	[tilespmem:$0x980] =	vst @!p2 v0  }
0x1be: {  	[tilespmem:$0x990] =	vst @!p2 v0  }
0x1bf: {  	[tilespmem:$0x9A0] =	vst @!p2 v0  }
0x1c0: {  	[tilespmem:$0x9B0] =	vst @!p2 v0;
	(ifvalue) =	ssetifvalue $0xFFFFFFFF  }
0x1c1: {  	(ifvalue) =	ssetifvalue $0xFFFFFFFF  }
0x1c2: {  	[tilespmem:s17], [sflag:$0x19] =	stream.indirect.gather [hbm4b:s1+s16], $0x80, s30, s16, $0x40b8;
	[tilespmem:$0x1E600] =	vst v63  }
.Ltmp2:
0x1c3: {  	s11 =	simm.s32 $0x2A00;
	(pc) =	sbr.rel @p1 .LBB2_4-.Ltmp2, $4  }
0x1c4: {  	s7 =	simm.s32 $0x4A00;
	s19 =	simm.s32 $0x6A00;
	_ =	swait.ge [sflag:s24], $0x2000  }
0x1c5: {  	s28 =	simm.s32 $0x580;
	s3 =	simm.s32 $0x8A00;
	[sflag:s24] =	ssyncset.done $0x0  }
0x1c6: {  	s18 =	simm.s32 $0x480;
	[sflag:s24] =	ssyncadd.s32 $0xFFFFE000;
	(ifvalue) =	ssetifvalue $0xFFFFFFFF  }
0x1c7: {  	[spmem:s4] =	stream.indirect.scatter.add.f32 [tilespmem:s9], [sflag:$0x1A], $0x80, s28, s16, $0x40b8;
	[tilespmem:$0x1E600] =	vst v63  }
0x1c8: {  	s3 =	sadd.s32 s12, s6  }
0x1c9: {  	s3 =	sadd.s32 $0x1C0, s3  }
0x1ca: {  	p1 =	slt.s32 s3, $0x1387  }
0x1cb: {  	s3 =	simm.s32 @!p1 $0x1387  }
0x1cc: {  	s13 =	sshll.u32 s3, $0x7;
	s3 =	sshll.u32 s3, $0x6  }
0x1cd: {  	s14 =	sand.u32 $0xFFF00, s13;
	s3 =	sand.u32 $0x40, s3  }
0x1ce: {  	s12 =	sadd.s32 $0x140, s12;
	s14 =	sor.u32 s3, s14;
	s3 =	sor.u32 s13, s3  }
.Ltmp3:
0x1cf: {  	s14 =	sshrl.u32 s14, $0x3;
	s3 =	sshrl.u32 s3, $0x3;
	(pc) =	sbr.rel .LBB2_2-.Ltmp3, $4  }
0x1d0: {  	s10 =	sadd.s32 $0x1400, s10;
	s14 =	sadd.s32 s2, s14;
	s3 =	sor.u32 $0x10, s3  }
0x1d1: {  	[tilespmem:s31], [sflag:$0x5] =	stream.linear.gather [hbm4b:s14+s5], $0x40, $0x38;
	[tilespmem:$0x1E600] =	vst v63  }
0x1d2: {  	s22 =	sadd.s32 $0x1400, s22;
	s15 =	simm.s32 $0x400;
	s3 =	sadd.s32 s2, s3  }
0x1d3: {  	[tilespmem:s18], [sflag:$0xF] =	stream.linear.gather [hbm4b:s3+s5], $0x40, $0x38;
	[tilespmem:$0x1E600] =	vst v63  }
.LBB2_5:
0x1d4: {  	_ =	sfence.sel $0x180000  }
0x1d5: {  	[bflag:$0x0] =	sbarrier.arrive $0xFFFF  }
0x1d6: {  	_ =	strace $0x90000047  }
0x1d7: {  	s0 =	stileid.u32;
	[bflag:$0x2] =	sbarrier.arrive $0xFFFF  }
0x1d8: {  	p0 =	sne.s32 s0, $0x0;
	s0 =	rddreg [dreg:$0x4]  }
0x1d9: {  	s0 =	sadd.s32 @!p0 $0x100000, s0  }
0x1da: {  	[sflag:s0] =	ssyncadd.tile.s32 @!p0 $0x1;
	_ =	shalt  }
.Lfunc_end2:
_tile_overlayer_lowered:
.L_overlay_start_2:
0x1db: {  	(tag) =	ssettag $0x2  }
0x1dc: {  	s0 =	rddreg [dreg:$0x0];
	s2 =	stileid.u32  }
0x1dd: {  	s1 =	rddreg [dreg:$0x1];
	p0 =	sne.s32 s2, $0x0  }
0x1de: {  	s3 =	rddreg [dreg:$0x2];
	[bflag:$0x3] =	sbarrier.arrive $0xFFFF;
	s2 =	simm.s32 @!p0 $0x1C1F  }
0x1df: {  	[timem:s3], [sflag:s2] =	dma.local @!p0 [hbm:s0], s1  }
0x1e0: {  	s0 =	simm.s32 @!p0 $0x1F  }
0x1e1: {  	_ =	swait.ge @!p0 [sflag:s0], s1  }
0x1e2: {  	s1 =	ssub.s32 @!p0 $0x0, s1;
	[sflag:s0] =	ssyncset.done @!p0 $0x0  }
0x1e3: {  	[sflag:s0] =	ssyncadd.s32 @!p0 s1  }
0x1e4: {  	[bflag:$0x3] =	sbarrier.arrive $0xFFFF  }
0x1e5: {  	_ =	shalt  }

</sc_bundles>
